<compile_context>
chip_gen: v7x
topology: tpu7x:2x2x1
jax: 0.10.2.dev20260603
libtpu: 0.0.44.dev20260713+nightly
codegen_flags: <defaults>
</compile_context>

<pallas_src>
import functools

import jax
import jax.numpy as jnp
from jax import lax
from jax.experimental import pallas as pl
from jax.experimental.pallas import tpu as pltpu
from jax.experimental.pallas import tpu_sc as plsc

N = 100000
D = 128
S = 256
CHUNK = 200
SPLITS = ((0, 104), (104, 96))
NCHUNKS = N // CHUNK
NC = 2
NS = 16
NW = NC * NS
KMAX = (NCHUNKS + NW - 1) // NW
FULL_K = NCHUNKS // NW
REM = NCHUNKS - FULL_K * NW
NBUF = 4


def _sc_pool(x, batch):
    mesh = plsc.VectorSubcoreMesh(core_axis_name="c", subcore_axis_name="s",
                                  num_cores=NC, num_subcores=NS)

    @functools.partial(
        pl.kernel,
        out_type=(
            jax.ShapeDtypeStruct((NC, S, D), jnp.float32),
            jax.ShapeDtypeStruct((NC, S), jnp.float32),
        ),
        mesh=mesh,
        scratch_types=[
            pltpu.VMEM((NBUF, CHUNK, D), jnp.float32),
            pltpu.VMEM((KMAX * CHUNK,), jnp.int32),
            pltpu.VMEM((7 * 16,), jnp.float32),
            pltpu.VMEM((16,), jnp.float32),
            pltpu.VMEM_SHARED((S, D), jnp.float32),
            pltpu.VMEM_SHARED((S,), jnp.float32),
            [pltpu.SemaphoreType.DMA] * NBUF,
            [pltpu.SemaphoreType.DMA] * NBUF,
            pltpu.SemaphoreType.DMA,
        ],
    )
    def pool(x_hbm, b_hbm, sums_hbm, cnts_hbm,
             xbuf, idxs, ones, zb, acc_sh, cnt_sh, dsems, ssems, csem):
        cid = lax.axis_index("c")
        sid = lax.axis_index("s")
        wid = sid * NC + cid

        zero16 = jnp.zeros((16,), jnp.float32)
        one16 = jnp.full((16,), 1.0, jnp.float32)

        zb[...] = zero16
        for i in range(7):
            ones[pl.ds(i * 16, 16)] = one16

        def zrow(i, _):
            for j in range(D // 16):
                xbuf[0, i, pl.ds(j * 16, 16)] = zero16
            return 0

        lax.fori_loop(0, 16, zrow, 0)

        pltpu.sync_copy(xbuf.at[0, pl.ds(0, 16)],
                        acc_sh.at[pl.ds(sid * 16, 16)])
        pltpu.sync_copy(zb, cnt_sh.at[pl.ds(sid * 16, 16)])
        plsc.subcore_barrier()

        has_extra = wid < REM

        def issue(k):
            b = k % NBUF
            base = (k * NW + wid) * CHUNK
            dx = pltpu.async_copy(x_hbm.at[pl.ds(base, CHUNK)],
                                  xbuf.at[b], dsems[b])
            di = pltpu.async_copy(b_hbm.at[pl.ds(base, CHUNK)],
                                  idxs.at[pl.ds(k * CHUNK, CHUNK)], dsems[b])
            return dx, di

        def scatter(k, sync):
            b = k % NBUF
            rds, cds = [], []
            for off, sz in SPLITS:
                sl = idxs.at[pl.ds(k * CHUNK + off, sz)]
                if sync:
                    pltpu.sync_copy(xbuf.at[b, pl.ds(off, sz)],
                                    acc_sh.at[sl], add=True)
                    pltpu.sync_copy(ones.at[pl.ds(0, sz)],
                                    cnt_sh.at[sl], add=True)
                else:
                    rds.append(pltpu.async_copy(
                        xbuf.at[b, pl.ds(off, sz)], acc_sh.at[sl],
                        ssems[b], add=True))
                    cds.append(pltpu.async_copy(
                        ones.at[pl.ds(0, sz)], cnt_sh.at[sl],
                        csem, add=True))
            return rds, cds

        pending, rdesc, cdesc = {}, {}, {}
        for k in range(min(NBUF, FULL_K)):
            pending[k] = issue(k)
        for k in range(FULL_K):
            if k > 0:
                for d in rdesc.pop(k - 1):
                    d.wait()
                nxt = k - 1 + NBUF
                if nxt < FULL_K:
                    pending[nxt] = issue(nxt)
                if k >= 2:
                    for d in cdesc.pop(k - 2):
                        d.wait()
            dx, di = pending.pop(k)
            dx.wait()
            di.wait()
            rdesc[k], cdesc[k] = scatter(k, sync=False)
        for d in rdesc.pop(FULL_K - 1):
            d.wait()
        for cds in cdesc.values():
            for d in cds:
                d.wait()

        @pl.when(has_extra)
        def _():
            dx, di = issue(FULL_K)
            dx.wait()
            di.wait()
            scatter(FULL_K, sync=True)

        plsc.subcore_barrier()

        pltpu.sync_copy(acc_sh.at[pl.ds(sid * 16, 16)],
                        sums_hbm.at[cid, pl.ds(sid * 16, 16)])

        @pl.when(sid == 0)
        def _():
            pltpu.sync_copy(cnt_sh, cnts_hbm.at[cid])

    return pool(x, batch)


def _combine_body(s_ref, c_ref, o_ref):
    s = s_ref[0] + s_ref[1]
    c = c_ref[0] + c_ref[1]
    o_ref[...] = s / jnp.maximum(c, 1.0)


def kernel(x, batch):
    sums, cnts = _sc_pool(x, batch.astype(jnp.int32))
    out = pl.pallas_call(
        _combine_body,
        out_shape=jax.ShapeDtypeStruct((S, D), jnp.float32),
    )(sums, cnts[:, :, None])
    return out

# --- scband reference (transcript-rebuilt; emitter-appended) ---
"""Pipeline reference for scband-basic-node-pool-10582799417471 (READ-ONLY COPY).

The authoritative reference and input builder live on the scoring server;
editing this copy changes nothing except your own understanding.
"""

import jax, jax.numpy as jnp
import numpy as np

NUM_SEGMENTS = 256

def setup_inputs(seed: int = 0) -> dict:
    key = jax.random.key(seed)
    k1, k2 = jax.random.split(key)
    x = jax.random.normal(k1, (100000, 128), dtype=jnp.float32)
    batch = jnp.sort(jax.random.randint(k2, (100000,), 0, NUM_SEGMENTS))
    return {"x": x, "batch": batch}

def reference(x, batch):
    # scatter(x, batch, dim=0, reduce='mean') -> per-segment mean pooling
    sums = jax.ops.segment_sum(x, batch, num_segments=NUM_SEGMENTS)
    counts = jax.ops.segment_sum(jnp.ones((x.shape[0],), dtype=x.dtype), batch, num_segments=NUM_SEGMENTS)
    counts = jnp.clip(counts, 1.0)  # empty segments -> 0 output (divide by 1)
    return sums / counts[:, None]

if __name__ == "__main__":
    import jax
    _d = setup_inputs()
    print(jax.jit(kernel)(*tuple(_d.values())))

</pallas_src>

<mosaic_0001>
#map = affine_map<(d0, d1) -> (0, 0)>
#map1 = affine_map<(d0, d1) -> (0)>
#map2 = affine_map<(d0, d1) -> (0, 0, 0)>
module attributes {stable_mosaic.version = 14 : i64} {
  func.func @pool(%arg0: i32, %arg1: i32, %arg2: memref<100000x128xf32, #tpu.memory_space<hbm>>, %arg3: memref<100000xi32, #tpu.memory_space<hbm>>, %arg4: memref<2x256x128xf32, #tpu.memory_space<hbm>>, %arg5: memref<2x256xf32, #tpu.memory_space<hbm>>, %arg6: memref<4x200x128xf32, #tpu.memory_space<vmem>>, %arg7: memref<3200xi32, #tpu.memory_space<vmem>>, %arg8: memref<112xf32, #tpu.memory_space<vmem>>, %arg9: memref<16xf32, #tpu.memory_space<vmem>>, %arg10: memref<256x128xf32, #tpu.memory_space<vmem_shared>>, %arg11: memref<256xf32, #tpu.memory_space<vmem_shared>>, %arg12: memref<!tpu.dma_semaphore, #tpu.memory_space<semaphore_mem>>, %arg13: memref<!tpu.dma_semaphore, #tpu.memory_space<semaphore_mem>>, %arg14: memref<!tpu.dma_semaphore, #tpu.memory_space<semaphore_mem>>, %arg15: memref<!tpu.dma_semaphore, #tpu.memory_space<semaphore_mem>>, %arg16: memref<!tpu.dma_semaphore, #tpu.memory_space<semaphore_mem>>, %arg17: memref<!tpu.dma_semaphore, #tpu.memory_space<semaphore_mem>>, %arg18: memref<!tpu.dma_semaphore, #tpu.memory_space<semaphore_mem>>, %arg19: memref<!tpu.dma_semaphore, #tpu.memory_space<semaphore_mem>>, %arg20: memref<!tpu.dma_semaphore, #tpu.memory_space<semaphore_mem>>) attributes {dimension_semantics = [#tpu.dimension_semantics<core_parallel>, #tpu.dimension_semantics<subcore_parallel>], iteration_bounds = array<i64: 2, 16>, scalar_prefetch = 0 : i64, scratch_operands = 15 : i64, tpu.core_type = #tpu.core_type<sc_vector_subcore>, window_params = [{transform_indices = #map}, {transform_indices = #map1}, {transform_indices = #map2}, {transform_indices = #map}]} {
    %mul3A = arith.constant 2 : i32
    %mul3A_0 = arith.muli %arg1, %mul3A : i32
    %add3A = arith.addi %mul3A_0, %arg0 : i32
    %broadcast_in_dim3A = arith.constant 0.000000e+00 : f32
    %broadcast_in_dim3A_1 = vector.broadcast %broadcast_in_dim3A : f32 to vector<16xf32>
    %broadcast_in_dim3A_2 = arith.constant 1.000000e+00 : f32
    %broadcast_in_dim3A_3 = vector.broadcast %broadcast_in_dim3A_2 : f32 to vector<16xf32>
    %swap3A = arith.constant 0 : index
    %swap3A_4 = tpu.vector_load %arg9[%swap3A] {strides = array<i32>} : memref<16xf32, #tpu.memory_space<vmem>>, vector<16xf32>,
    %swap3A_5 = vector.shape_cast %swap3A_4 : vector<16xf32> to vector<16xf32>
    %swap3A_6 = vector.shape_cast %broadcast_in_dim3A_1 : vector<16xf32> to vector<16xf32>
    tpu.vector_store %arg9[%swap3A], %swap3A_6 {strides = array<i32>} : memref<16xf32, #tpu.memory_space<vmem>>, vector<16xf32>,
    %swap3A_7 = arith.constant 0 : index
    %swap3A_8 = tpu.vector_load %arg8[%swap3A_7] {strides = array<i32>} : memref<112xf32, #tpu.memory_space<vmem>>, vector<16xf32>,
    %swap3A_9 = vector.shape_cast %swap3A_8 : vector<16xf32> to vector<16xf32>
    %swap3A_10 = vector.shape_cast %broadcast_in_dim3A_3 : vector<16xf32> to vector<16xf32>
    tpu.vector_store %arg8[%swap3A_7], %swap3A_10 {strides = array<i32>} : memref<112xf32, #tpu.memory_space<vmem>>, vector<16xf32>,
    %swap3A_11 = arith.constant 16 : index
    %swap3A_12 = tpu.vector_load %arg8[%swap3A_11] {strides = array<i32>} : memref<112xf32, #tpu.memory_space<vmem>>, vector<16xf32>,
    %swap3A_13 = vector.shape_cast %swap3A_12 : vector<16xf32> to vector<16xf32>
    %swap3A_14 = vector.shape_cast %broadcast_in_dim3A_3 : vector<16xf32> to vector<16xf32>
    tpu.vector_store %arg8[%swap3A_11], %swap3A_14 {strides = array<i32>} : memref<112xf32, #tpu.memory_space<vmem>>, vector<16xf32>,
    %swap3A_15 = arith.constant 32 : index
    %swap3A_16 = tpu.vector_load %arg8[%swap3A_15] {strides = array<i32>} : memref<112xf32, #tpu.memory_space<vmem>>, vector<16xf32>,
    %swap3A_17 = vector.shape_cast %swap3A_16 : vector<16xf32> to vector<16xf32>
    %swap3A_18 = vector.shape_cast %broadcast_in_dim3A_3 : vector<16xf32> to vector<16xf32>
    tpu.vector_store %arg8[%swap3A_15], %swap3A_18 {strides = array<i32>} : memref<112xf32, #tpu.memory_space<vmem>>, vector<16xf32>,
    %swap3A_19 = arith.constant 48 : index
    %swap3A_20 = tpu.vector_load %arg8[%swap3A_19] {strides = array<i32>} : memref<112xf32, #tpu.memory_space<vmem>>, vector<16xf32>,
    %swap3A_21 = vector.shape_cast %swap3A_20 : vector<16xf32> to vector<16xf32>
    %swap3A_22 = vector.shape_cast %broadcast_in_dim3A_3 : vector<16xf32> to vector<16xf32>
    tpu.vector_store %arg8[%swap3A_19], %swap3A_22 {strides = array<i32>} : memref<112xf32, #tpu.memory_space<vmem>>, vector<16xf32>,
    %swap3A_23 = arith.constant 64 : index
    %swap3A_24 = tpu.vector_load %arg8[%swap3A_23] {strides = array<i32>} : memref<112xf32, #tpu.memory_space<vmem>>, vector<16xf32>,
    %swap3A_25 = vector.shape_cast %swap3A_24 : vector<16xf32> to vector<16xf32>
    %swap3A_26 = vector.shape_cast %broadcast_in_dim3A_3 : vector<16xf32> to vector<16xf32>
    tpu.vector_store %arg8[%swap3A_23], %swap3A_26 {strides = array<i32>} : memref<112xf32, #tpu.memory_space<vmem>>, vector<16xf32>,
    %swap3A_27 = arith.constant 80 : index
    %swap3A_28 = tpu.vector_load %arg8[%swap3A_27] {strides = array<i32>} : memref<112xf32, #tpu.memory_space<vmem>>, vector<16xf32>,
    %swap3A_29 = vector.shape_cast %swap3A_28 : vector<16xf32> to vector<16xf32>
    %swap3A_30 = vector.shape_cast %broadcast_in_dim3A_3 : vector<16xf32> to vector<16xf32>
    tpu.vector_store %arg8[%swap3A_27], %swap3A_30 {strides = array<i32>} : memref<112xf32, #tpu.memory_space<vmem>>, vector<16xf32>,
    %swap3A_31 = arith.constant 96 : index
    %swap3A_32 = tpu.vector_load %arg8[%swap3A_31] {strides = array<i32>} : memref<112xf32, #tpu.memory_space<vmem>>, vector<16xf32>,
    %swap3A_33 = vector.shape_cast %swap3A_32 : vector<16xf32> to vector<16xf32>
    %swap3A_34 = vector.shape_cast %broadcast_in_dim3A_3 : vector<16xf32> to vector<16xf32>
    tpu.vector_store %arg8[%swap3A_31], %swap3A_34 {strides = array<i32>} : memref<112xf32, #tpu.memory_space<vmem>>, vector<16xf32>,
    %scan3A = arith.constant 0 : i32
    %scan3A_35 = arith.constant 0 : i32
    %scan3A_36 = arith.constant 16 : i32
    %scan3A_37 = arith.addi %scan3A_35, %scan3A_36 : i32
    %scan3A_38 = arith.constant 1 : i32
    %scan3A_39 = scf.for %scan3A_1644 = %scan3A_35 to %scan3A_37 step %scan3A_38 iter_args(%scan3A_1645 = %scan3A) -> (i32)  : i32 {
      %swap3A_1646 = arith.constant 0 : i32
      %swap3A_1647 = arith.index_cast %swap3A_1646 : i32 to index
      %swap3A_1648 = arith.index_cast %scan3A_1644 : i32 to index
      %swap3A_1649 = arith.constant 0 : index
      %swap3A_1650 = tpu.vector_load %arg6[%swap3A_1647, %swap3A_1648, %swap3A_1649] {strides = array<i32>} : memref<4x200x128xf32, #tpu.memory_space<vmem>>, vector<1x1x16xf32>,
      %swap3A_1651 = vector.shape_cast %swap3A_1650 : vector<1x1x16xf32> to vector<16xf32>
      %swap3A_1652 = vector.shape_cast %broadcast_in_dim3A_1 : vector<16xf32> to vector<1x1x16xf32>
      tpu.vector_store %arg6[%swap3A_1647, %swap3A_1648, %swap3A_1649], %swap3A_1652 {strides = array<i32>} : memref<4x200x128xf32, #tpu.memory_space<vmem>>, vector<1x1x16xf32>,
      %swap3A_1653 = arith.constant 0 : i32
      %swap3A_1654 = arith.index_cast %swap3A_1653 : i32 to index
      %swap3A_1655 = arith.index_cast %scan3A_1644 : i32 to index
      %swap3A_1656 = arith.constant 16 : index
      %swap3A_1657 = tpu.vector_load %arg6[%swap3A_1654, %swap3A_1655, %swap3A_1656] {strides = array<i32>} : memref<4x200x128xf32, #tpu.memory_space<vmem>>, vector<1x1x16xf32>,
      %swap3A_1658 = vector.shape_cast %swap3A_1657 : vector<1x1x16xf32> to vector<16xf32>
      %swap3A_1659 = vector.shape_cast %broadcast_in_dim3A_1 : vector<16xf32> to vector<1x1x16xf32>
      tpu.vector_store %arg6[%swap3A_1654, %swap3A_1655, %swap3A_1656], %swap3A_1659 {strides = array<i32>} : memref<4x200x128xf32, #tpu.memory_space<vmem>>, vector<1x1x16xf32>,
      %swap3A_1660 = arith.constant 0 : i32
      %swap3A_1661 = arith.index_cast %swap3A_1660 : i32 to index
      %swap3A_1662 = arith.index_cast %scan3A_1644 : i32 to index
      %swap3A_1663 = arith.constant 32 : index
      %swap3A_1664 = tpu.vector_load %arg6[%swap3A_1661, %swap3A_1662, %swap3A_1663] {strides = array<i32>} : memref<4x200x128xf32, #tpu.memory_space<vmem>>, vector<1x1x16xf32>,
      %swap3A_1665 = vector.shape_cast %swap3A_1664 : vector<1x1x16xf32> to vector<16xf32>
      %swap3A_1666 = vector.shape_cast %broadcast_in_dim3A_1 : vector<16xf32> to vector<1x1x16xf32>
      tpu.vector_store %arg6[%swap3A_1661, %swap3A_1662, %swap3A_1663], %swap3A_1666 {strides = array<i32>} : memref<4x200x128xf32, #tpu.memory_space<vmem>>, vector<1x1x16xf32>,
      %swap3A_1667 = arith.constant 0 : i32
      %swap3A_1668 = arith.index_cast %swap3A_1667 : i32 to index
      %swap3A_1669 = arith.index_cast %scan3A_1644 : i32 to index
      %swap3A_1670 = arith.constant 48 : index
      %swap3A_1671 = tpu.vector_load %arg6[%swap3A_1668, %swap3A_1669, %swap3A_1670] {strides = array<i32>} : memref<4x200x128xf32, #tpu.memory_space<vmem>>, vector<1x1x16xf32>,
      %swap3A_1672 = vector.shape_cast %swap3A_1671 : vector<1x1x16xf32> to vector<16xf32>
      %swap3A_1673 = vector.shape_cast %broadcast_in_dim3A_1 : vector<16xf32> to vector<1x1x16xf32>
      tpu.vector_store %arg6[%swap3A_1668, %swap3A_1669, %swap3A_1670], %swap3A_1673 {strides = array<i32>} : memref<4x200x128xf32, #tpu.memory_space<vmem>>, vector<1x1x16xf32>,
      %swap3A_1674 = arith.constant 0 : i32
      %swap3A_1675 = arith.index_cast %swap3A_1674 : i32 to index
      %swap3A_1676 = arith.index_cast %scan3A_1644 : i32 to index
      %swap3A_1677 = arith.constant 64 : index
      %swap3A_1678 = tpu.vector_load %arg6[%swap3A_1675, %swap3A_1676, %swap3A_1677] {strides = array<i32>} : memref<4x200x128xf32, #tpu.memory_space<vmem>>, vector<1x1x16xf32>,
      %swap3A_1679 = vector.shape_cast %swap3A_1678 : vector<1x1x16xf32> to vector<16xf32>
      %swap3A_1680 = vector.shape_cast %broadcast_in_dim3A_1 : vector<16xf32> to vector<1x1x16xf32>
      tpu.vector_store %arg6[%swap3A_1675, %swap3A_1676, %swap3A_1677], %swap3A_1680 {strides = array<i32>} : memref<4x200x128xf32, #tpu.memory_space<vmem>>, vector<1x1x16xf32>,
      %swap3A_1681 = arith.constant 0 : i32
      %swap3A_1682 = arith.index_cast %swap3A_1681 : i32 to index
      %swap3A_1683 = arith.index_cast %scan3A_1644 : i32 to index
      %swap3A_1684 = arith.constant 80 : index
      %swap3A_1685 = tpu.vector_load %arg6[%swap3A_1682, %swap3A_1683, %swap3A_1684] {strides = array<i32>} : memref<4x200x128xf32, #tpu.memory_space<vmem>>, vector<1x1x16xf32>,
      %swap3A_1686 = vector.shape_cast %swap3A_1685 : vector<1x1x16xf32> to vector<16xf32>
      %swap3A_1687 = vector.shape_cast %broadcast_in_dim3A_1 : vector<16xf32> to vector<1x1x16xf32>
      tpu.vector_store %arg6[%swap3A_1682, %swap3A_1683, %swap3A_1684], %swap3A_1687 {strides = array<i32>} : memref<4x200x128xf32, #tpu.memory_space<vmem>>, vector<1x1x16xf32>,
      %swap3A_1688 = arith.constant 0 : i32
      %swap3A_1689 = arith.index_cast %swap3A_1688 : i32 to index
      %swap3A_1690 = arith.index_cast %scan3A_1644 : i32 to index
      %swap3A_1691 = arith.constant 96 : index
      %swap3A_1692 = tpu.vector_load %arg6[%swap3A_1689, %swap3A_1690, %swap3A_1691] {strides = array<i32>} : memref<4x200x128xf32, #tpu.memory_space<vmem>>, vector<1x1x16xf32>,
      %swap3A_1693 = vector.shape_cast %swap3A_1692 : vector<1x1x16xf32> to vector<16xf32>
      %swap3A_1694 = vector.shape_cast %broadcast_in_dim3A_1 : vector<16xf32> to vector<1x1x16xf32>
      tpu.vector_store %arg6[%swap3A_1689, %swap3A_1690, %swap3A_1691], %swap3A_1694 {strides = array<i32>} : memref<4x200x128xf32, #tpu.memory_space<vmem>>, vector<1x1x16xf32>,
      %swap3A_1695 = arith.constant 0 : i32
      %swap3A_1696 = arith.index_cast %swap3A_1695 : i32 to index
      %swap3A_1697 = arith.index_cast %scan3A_1644 : i32 to index
      %swap3A_1698 = arith.constant 112 : index
      %swap3A_1699 = tpu.vector_load %arg6[%swap3A_1696, %swap3A_1697, %swap3A_1698] {strides = array<i32>} : memref<4x200x128xf32, #tpu.memory_space<vmem>>, vector<1x1x16xf32>,
      %swap3A_1700 = vector.shape_cast %swap3A_1699 : vector<1x1x16xf32> to vector<16xf32>
      %swap3A_1701 = vector.shape_cast %broadcast_in_dim3A_1 : vector<16xf32> to vector<1x1x16xf32>
      tpu.vector_store %arg6[%swap3A_1696, %swap3A_1697, %swap3A_1698], %swap3A_1701 {strides = array<i32>} : memref<4x200x128xf32, #tpu.memory_space<vmem>>, vector<1x1x16xf32>,
      %scan3A_1702 = arith.constant 0 : i32
      scf.yield %scan3A_1702 : i32
    }
    %scan3A_40 = arith.constant 16 : i32
    %mul3A_41 = arith.constant 16 : i32
    %mul3A_42 = arith.muli %arg1, %mul3A_41 : i32
    %run_scoped3A = arith.constant 0 : i32
    "tpu.region"() ({
      %run_scoped3A_1644 = tpu.sem_alloc : memref<!tpu.dma_semaphore, #tpu.memory_space<semaphore_mem>>
      %dma_start3A_1645 = arith.constant 0 : i32
      %dma_start3A_1646 = arith.constant 0 : i32
      %dma_start3A_1647 = tpu.memref_slice %arg6[%run_scoped3A, %dma_start3A_1645, %dma_start3A_1646] : memref<4x200x128xf32, #tpu.memory_space<vmem>> -> memref<1x16x128xf32, #tpu.memory_space<vmem>>
      %dma_start3A_1648 = tpu.memref_squeeze %dma_start3A_1647 : memref<1x16x128xf32, #tpu.memory_space<vmem>> -> memref<16x128xf32, #tpu.memory_space<vmem>>
      %dma_start3A_1649 = arith.constant 0 : i32
      %dma_start3A_1650 = tpu.memref_slice %arg10[%mul3A_42, %dma_start3A_1649] : memref<256x128xf32, #tpu.memory_space<vmem_shared>> -> memref<16x128xf32, #tpu.memory_space<vmem_shared>>
      %dma_start3A_1651 = arith.constant 0 : i32
      %dma_start3A_1652 = tpu.memref_slice %arg10[%mul3A_42, %dma_start3A_1651] : memref<256x128xf32, #tpu.memory_space<vmem_shared>> -> memref<16x128xf32, #tpu.memory_space<vmem_shared>>
      %dma_start3A_1653 = arith.constant 0 : i32
      %dma_start3A_1654 = arith.constant 0 : i32
      %dma_start3A_1655 = tpu.memref_slice %arg6[%run_scoped3A, %dma_start3A_1653, %dma_start3A_1654] : memref<4x200x128xf32, #tpu.memory_space<vmem>> -> memref<1x16x128xf32, #tpu.memory_space<vmem>>
      %dma_start3A_1656 = tpu.memref_squeeze %dma_start3A_1655 : memref<1x16x128xf32, #tpu.memory_space<vmem>> -> memref<16x128xf32, #tpu.memory_space<vmem>>
      tpu.enqueue_dma source(%dma_start3A_1656 : memref<16x128xf32, #tpu.memory_space<vmem>>) target(%dma_start3A_1652 : memref<16x128xf32, #tpu.memory_space<vmem_shared>>) target_semaphore(%run_scoped3A_1644 : memref<!tpu.dma_semaphore, #tpu.memory_space<semaphore_mem>>)
      %dma_wait3A_1657 = arith.constant 0 : i32
      %dma_wait3A_1658 = arith.constant 0 : i32
      %dma_wait3A_1659 = tpu.memref_slice %arg6[%run_scoped3A, %dma_wait3A_1657, %dma_wait3A_1658] : memref<4x200x128xf32, #tpu.memory_space<vmem>> -> memref<1x16x128xf32, #tpu.memory_space<vmem>>
      %dma_wait3A_1660 = tpu.memref_squeeze %dma_wait3A_1659 : memref<1x16x128xf32, #tpu.memory_space<vmem>> -> memref<16x128xf32, #tpu.memory_space<vmem>>
      %dma_wait3A_1661 = arith.constant 0 : i32
      %dma_wait3A_1662 = tpu.memref_slice %arg10[%mul3A_42, %dma_wait3A_1661] : memref<256x128xf32, #tpu.memory_space<vmem_shared>> -> memref<16x128xf32, #tpu.memory_space<vmem_shared>>
      %dma_wait3A_1663 = arith.constant 0 : i32
      %dma_wait3A_1664 = tpu.memref_slice %arg10[%mul3A_42, %dma_wait3A_1663] : memref<256x128xf32, #tpu.memory_space<vmem_shared>> -> memref<16x128xf32, #tpu.memory_space<vmem_shared>>
      %dma_wait3A_1665 = arith.constant 0 : i32
      %dma_wait3A_1666 = arith.constant 0 : i32
      %dma_wait3A_1667 = tpu.memref_slice %arg6[%run_scoped3A, %dma_wait3A_1665, %dma_wait3A_1666] : memref<4x200x128xf32, #tpu.memory_space<vmem>> -> memref<1x16x128xf32, #tpu.memory_space<vmem>>
      %dma_wait3A_1668 = tpu.memref_squeeze %dma_wait3A_1667 : memref<1x16x128xf32, #tpu.memory_space<vmem>> -> memref<16x128xf32, #tpu.memory_space<vmem>>
      tpu.wait_dma2 semaphore(%run_scoped3A_1644 : memref<!tpu.dma_semaphore, #tpu.memory_space<semaphore_mem>>) src(%dma_wait3A_1668 : memref<16x128xf32, #tpu.memory_space<vmem>>) dst(%dma_wait3A_1664 : memref<16x128xf32, #tpu.memory_space<vmem_shared>>)
      tpu.yield
    }) : () -> ()
    %mul3A_43 = arith.constant 16 : i32
    %mul3A_44 = arith.muli %arg1, %mul3A_43 : i32
    "tpu.region"() ({
      %run_scoped3A_1644 = tpu.sem_alloc : memref<!tpu.dma_semaphore, #tpu.memory_space<semaphore_mem>>
      %dma_start3A_1645 = tpu.memref_slice %arg11[%mul3A_44] : memref<256xf32, #tpu.memory_space<vmem_shared>> -> memref<16xf32, #tpu.memory_space<vmem_shared>>
      %dma_start3A_1646 = tpu.memref_slice %arg11[%mul3A_44] : memref<256xf32, #tpu.memory_space<vmem_shared>> -> memref<16xf32, #tpu.memory_space<vmem_shared>>
      tpu.enqueue_dma source(%arg9 : memref<16xf32, #tpu.memory_space<vmem>>) target(%dma_start3A_1646 : memref<16xf32, #tpu.memory_space<vmem_shared>>) target_semaphore(%run_scoped3A_1644 : memref<!tpu.dma_semaphore, #tpu.memory_space<semaphore_mem>>)
      %dma_wait3A_1647 = tpu.memref_slice %arg11[%mul3A_44] : memref<256xf32, #tpu.memory_space<vmem_shared>> -> memref<16xf32, #tpu.memory_space<vmem_shared>>
      %dma_wait3A_1648 = tpu.memref_slice %arg11[%mul3A_44] : memref<256xf32, #tpu.memory_space<vmem_shared>> -> memref<16xf32, #tpu.memory_space<vmem_shared>>
      tpu.wait_dma2 semaphore(%run_scoped3A_1644 : memref<!tpu.dma_semaphore, #tpu.memory_space<semaphore_mem>>) src(%arg9 : memref<16xf32, #tpu.memory_space<vmem>>) dst(%dma_wait3A_1648 : memref<16xf32, #tpu.memory_space<vmem_shared>>)
      tpu.yield
    }) : () -> ()
    %barrier3A = arith.constant 0 : index
    tpu.barrier barrier_id(%barrier3A)
    %lt3A = arith.constant 20 : i32
    %lt3A_45 = arith.cmpi slt, %add3A, %lt3A : i32
    %add3A_46 = arith.constant 0 : i32
    %add3A_47 = arith.addi %add3A_46, %add3A : i32
    %mul3A_48 = arith.constant 200 : i32
    %mul3A_49 = arith.muli %add3A_47, %mul3A_48 : i32
    %dma_start3A = arith.constant 0 : i32
    %dma_start3A_50 = arith.constant 0 : i32
    %dma_start3A_51 = arith.constant 0 : i32
    %dma_start3A_52 = tpu.memref_slice %arg6[%dma_start3A, %dma_start3A_50, %dma_start3A_51] : memref<4x200x128xf32, #tpu.memory_space<vmem>> -> memref<1x200x128xf32, #tpu.memory_space<vmem>>
    %dma_start3A_53 = tpu.memref_squeeze %dma_start3A_52 : memref<1x200x128xf32, #tpu.memory_space<vmem>> -> memref<200x128xf32, #tpu.memory_space<vmem>>
    %dma_start3A_54 = arith.constant 0 : i32
    %dma_start3A_55 = tpu.memref_slice %arg2[%mul3A_49, %dma_start3A_54] : memref<100000x128xf32, #tpu.memory_space<hbm>> -> memref<200x128xf32, #tpu.memory_space<hbm>>
    %dma_start3A_56 = arith.constant 0 : i32
    %dma_start3A_57 = arith.constant 0 : i32
    %dma_start3A_58 = tpu.memref_slice %arg6[%dma_start3A, %dma_start3A_56, %dma_start3A_57] : memref<4x200x128xf32, #tpu.memory_space<vmem>> -> memref<1x200x128xf32, #tpu.memory_space<vmem>>
    %dma_start3A_59 = tpu.memref_squeeze %dma_start3A_58 : memref<1x200x128xf32, #tpu.memory_space<vmem>> -> memref<200x128xf32, #tpu.memory_space<vmem>>
    %dma_start3A_60 = arith.constant 0 : i32
    %dma_start3A_61 = tpu.memref_slice %arg2[%mul3A_49, %dma_start3A_60] : memref<100000x128xf32, #tpu.memory_space<hbm>> -> memref<200x128xf32, #tpu.memory_space<hbm>>
    tpu.enqueue_dma source(%dma_start3A_61 : memref<200x128xf32, #tpu.memory_space<hbm>>) target(%dma_start3A_59 : memref<200x128xf32, #tpu.memory_space<vmem>>) target_semaphore(%arg12 : memref<!tpu.dma_semaphore, #tpu.memory_space<semaphore_mem>>)
    %dma_start3A_62 = arith.constant 0 : i32
    %dma_start3A_63 = tpu.memref_slice %arg7[%dma_start3A_62] : memref<3200xi32, #tpu.memory_space<vmem>> -> memref<200xi32, #tpu.memory_space<vmem>>
    %dma_start3A_64 = tpu.memref_slice %arg3[%mul3A_49] : memref<100000xi32, #tpu.memory_space<hbm>> -> memref<200xi32, #tpu.memory_space<hbm>>
    %dma_start3A_65 = arith.constant 0 : i32
    %dma_start3A_66 = tpu.memref_slice %arg7[%dma_start3A_65] : memref<3200xi32, #tpu.memory_space<vmem>> -> memref<200xi32, #tpu.memory_space<vmem>>
    %dma_start3A_67 = tpu.memref_slice %arg3[%mul3A_49] : memref<100000xi32, #tpu.memory_space<hbm>> -> memref<200xi32, #tpu.memory_space<hbm>>
    tpu.enqueue_dma source(%dma_start3A_67 : memref<200xi32, #tpu.memory_space<hbm>>) target(%dma_start3A_66 : memref<200xi32, #tpu.memory_space<vmem>>) target_semaphore(%arg12 : memref<!tpu.dma_semaphore, #tpu.memory_space<semaphore_mem>>)
    %add3A_68 = arith.constant 32 : i32
    %add3A_69 = arith.addi %add3A_68, %add3A : i32
    %mul3A_70 = arith.constant 200 : i32
    %mul3A_71 = arith.muli %add3A_69, %mul3A_70 : i32
    %dma_start3A_72 = arith.constant 1 : i32
    %dma_start3A_73 = arith.constant 0 : i32
    %dma_start3A_74 = arith.constant 0 : i32
    %dma_start3A_75 = tpu.memref_slice %arg6[%dma_start3A_72, %dma_start3A_73, %dma_start3A_74] : memref<4x200x128xf32, #tpu.memory_space<vmem>> -> memref<1x200x128xf32, #tpu.memory_space<vmem>>
    %dma_start3A_76 = tpu.memref_squeeze %dma_start3A_75 : memref<1x200x128xf32, #tpu.memory_space<vmem>> -> memref<200x128xf32, #tpu.memory_space<vmem>>
    %dma_start3A_77 = arith.constant 0 : i32
    %dma_start3A_78 = tpu.memref_slice %arg2[%mul3A_71, %dma_start3A_77] : memref<100000x128xf32, #tpu.memory_space<hbm>> -> memref<200x128xf32, #tpu.memory_space<hbm>>
    %dma_start3A_79 = arith.constant 0 : i32
    %dma_start3A_80 = arith.constant 0 : i32
    %dma_start3A_81 = tpu.memref_slice %arg6[%dma_start3A_72, %dma_start3A_79, %dma_start3A_80] : memref<4x200x128xf32, #tpu.memory_space<vmem>> -> memref<1x200x128xf32, #tpu.memory_space<vmem>>
    %dma_start3A_82 = tpu.memref_squeeze %dma_start3A_81 : memref<1x200x128xf32, #tpu.memory_space<vmem>> -> memref<200x128xf32, #tpu.memory_space<vmem>>
    %dma_start3A_83 = arith.constant 0 : i32
    %dma_start3A_84 = tpu.memref_slice %arg2[%mul3A_71, %dma_start3A_83] : memref<100000x128xf32, #tpu.memory_space<hbm>> -> memref<200x128xf32, #tpu.memory_space<hbm>>
    tpu.enqueue_dma source(%dma_start3A_84 : memref<200x128xf32, #tpu.memory_space<hbm>>) target(%dma_start3A_82 : memref<200x128xf32, #tpu.memory_space<vmem>>) target_semaphore(%arg13 : memref<!tpu.dma_semaphore, #tpu.memory_space<semaphore_mem>>)
    %dma_start3A_85 = arith.constant 200 : i32
    %dma_start3A_86 = tpu.memref_slice %arg7[%dma_start3A_85] : memref<3200xi32, #tpu.memory_space<vmem>> -> memref<200xi32, #tpu.memory_space<vmem>>
    %dma_start3A_87 = tpu.memref_slice %arg3[%mul3A_71] : memref<100000xi32, #tpu.memory_space<hbm>> -> memref<200xi32, #tpu.memory_space<hbm>>
    %dma_start3A_88 = arith.constant 200 : i32
    %dma_start3A_89 = tpu.memref_slice %arg7[%dma_start3A_88] : memref<3200xi32, #tpu.memory_space<vmem>> -> memref<200xi32, #tpu.memory_space<vmem>>
    %dma_start3A_90 = tpu.memref_slice %arg3[%mul3A_71] : memref<100000xi32, #tpu.memory_space<hbm>> -> memref<200xi32, #tpu.memory_space<hbm>>
    tpu.enqueue_dma source(%dma_start3A_90 : memref<200xi32, #tpu.memory_space<hbm>>) target(%dma_start3A_89 : memref<200xi32, #tpu.memory_space<vmem>>) target_semaphore(%arg13 : memref<!tpu.dma_semaphore, #tpu.memory_space<semaphore_mem>>)
    %add3A_91 = arith.constant 64 : i32
    %add3A_92 = arith.addi %add3A_91, %add3A : i32
    %mul3A_93 = arith.constant 200 : i32
    %mul3A_94 = arith.muli %add3A_92, %mul3A_93 : i32
    %dma_start3A_95 = arith.constant 2 : i32
    %dma_start3A_96 = arith.constant 0 : i32
    %dma_start3A_97 = arith.constant 0 : i32
    %dma_start3A_98 = tpu.memref_slice %arg6[%dma_start3A_95, %dma_start3A_96, %dma_start3A_97] : memref<4x200x128xf32, #tpu.memory_space<vmem>> -> memref<1x200x128xf32, #tpu.memory_space<vmem>>
    %dma_start3A_99 = tpu.memref_squeeze %dma_start3A_98 : memref<1x200x128xf32, #tpu.memory_space<vmem>> -> memref<200x128xf32, #tpu.memory_space<vmem>>
    %dma_start3A_100 = arith.constant 0 : i32
    %dma_start3A_101 = tpu.memref_slice %arg2[%mul3A_94, %dma_start3A_100] : memref<100000x128xf32, #tpu.memory_space<hbm>> -> memref<200x128xf32, #tpu.memory_space<hbm>>
    %dma_start3A_102 = arith.constant 0 : i32
    %dma_start3A_103 = arith.constant 0 : i32
    %dma_start3A_104 = tpu.memref_slice %arg6[%dma_start3A_95, %dma_start3A_102, %dma_start3A_103] : memref<4x200x128xf32, #tpu.memory_space<vmem>> -> memref<1x200x128xf32, #tpu.memory_space<vmem>>
    %dma_start3A_105 = tpu.memref_squeeze %dma_start3A_104 : memref<1x200x128xf32, #tpu.memory_space<vmem>> -> memref<200x128xf32, #tpu.memory_space<vmem>>
    %dma_start3A_106 = arith.constant 0 : i32
    %dma_start3A_107 = tpu.memref_slice %arg2[%mul3A_94, %dma_start3A_106] : memref<100000x128xf32, #tpu.memory_space<hbm>> -> memref<200x128xf32, #tpu.memory_space<hbm>>
    tpu.enqueue_dma source(%dma_start3A_107 : memref<200x128xf32, #tpu.memory_space<hbm>>) target(%dma_start3A_105 : memref<200x128xf32, #tpu.memory_space<vmem>>) target_semaphore(%arg14 : memref<!tpu.dma_semaphore, #tpu.memory_space<semaphore_mem>>)
    %dma_start3A_108 = arith.constant 400 : i32
    %dma_start3A_109 = tpu.memref_slice %arg7[%dma_start3A_108] : memref<3200xi32, #tpu.memory_space<vmem>> -> memref<200xi32, #tpu.memory_space<vmem>>
    %dma_start3A_110 = tpu.memref_slice %arg3[%mul3A_94] : memref<100000xi32, #tpu.memory_space<hbm>> -> memref<200xi32, #tpu.memory_space<hbm>>
    %dma_start3A_111 = arith.constant 400 : i32
    %dma_start3A_112 = tpu.memref_slice %arg7[%dma_start3A_111] : memref<3200xi32, #tpu.memory_space<vmem>> -> memref<200xi32, #tpu.memory_space<vmem>>
    %dma_start3A_113 = tpu.memref_slice %arg3[%mul3A_94] : memref<100000xi32, #tpu.memory_space<hbm>> -> memref<200xi32, #tpu.memory_space<hbm>>
    tpu.enqueue_dma source(%dma_start3A_113 : memref<200xi32, #tpu.memory_space<hbm>>) target(%dma_start3A_112 : memref<200xi32, #tpu.memory_space<vmem>>) target_semaphore(%arg14 : memref<!tpu.dma_semaphore, #tpu.memory_space<semaphore_mem>>)
    %add3A_114 = arith.constant 96 : i32
    %add3A_115 = arith.addi %add3A_114, %add3A : i32
    %mul3A_116 = arith.constant 200 : i32
    %mul3A_117 = arith.muli %add3A_115, %mul3A_116 : i32
    %dma_start3A_118 = arith.constant 3 : i32
    %dma_start3A_119 = arith.constant 0 : i32
    %dma_start3A_120 = arith.constant 0 : i32
    %dma_start3A_121 = tpu.memref_slice %arg6[%dma_start3A_118, %dma_start3A_119, %dma_start3A_120] : memref<4x200x128xf32, #tpu.memory_space<vmem>> -> memref<1x200x128xf32, #tpu.memory_space<vmem>>
    %dma_start3A_122 = tpu.memref_squeeze %dma_start3A_121 : memref<1x200x128xf32, #tpu.memory_space<vmem>> -> memref<200x128xf32, #tpu.memory_space<vmem>>
    %dma_start3A_123 = arith.constant 0 : i32
    %dma_start3A_124 = tpu.memref_slice %arg2[%mul3A_117, %dma_start3A_123] : memref<100000x128xf32, #tpu.memory_space<hbm>> -> memref<200x128xf32, #tpu.memory_space<hbm>>
    %dma_start3A_125 = arith.constant 0 : i32
    %dma_start3A_126 = arith.constant 0 : i32
    %dma_start3A_127 = tpu.memref_slice %arg6[%dma_start3A_118, %dma_start3A_125, %dma_start3A_126] : memref<4x200x128xf32, #tpu.memory_space<vmem>> -> memref<1x200x128xf32, #tpu.memory_space<vmem>>
    %dma_start3A_128 = tpu.memref_squeeze %dma_start3A_127 : memref<1x200x128xf32, #tpu.memory_space<vmem>> -> memref<200x128xf32, #tpu.memory_space<vmem>>
    %dma_start3A_129 = arith.constant 0 : i32
    %dma_start3A_130 = tpu.memref_slice %arg2[%mul3A_117, %dma_start3A_129] : memref<100000x128xf32, #tpu.memory_space<hbm>> -> memref<200x128xf32, #tpu.memory_space<hbm>>
    tpu.enqueue_dma source(%dma_start3A_130 : memref<200x128xf32, #tpu.memory_space<hbm>>) target(%dma_start3A_128 : memref<200x128xf32, #tpu.memory_space<vmem>>) target_semaphore(%arg15 : memref<!tpu.dma_semaphore, #tpu.memory_space<semaphore_mem>>)
    %dma_start3A_131 = arith.constant 600 : i32
    %dma_start3A_132 = tpu.memref_slice %arg7[%dma_start3A_131] : memref<3200xi32, #tpu.memory_space<vmem>> -> memref<200xi32, #tpu.memory_space<vmem>>
    %dma_start3A_133 = tpu.memref_slice %arg3[%mul3A_117] : memref<100000xi32, #tpu.memory_space<hbm>> -> memref<200xi32, #tpu.memory_space<hbm>>
    %dma_start3A_134 = arith.constant 600 : i32
    %dma_start3A_135 = tpu.memref_slice %arg7[%dma_start3A_134] : memref<3200xi32, #tpu.memory_space<vmem>> -> memref<200xi32, #tpu.memory_space<vmem>>
    %dma_start3A_136 = tpu.memref_slice %arg3[%mul3A_117] : memref<100000xi32, #tpu.memory_space<hbm>> -> memref<200xi32, #tpu.memory_space<hbm>>
    tpu.enqueue_dma source(%dma_start3A_136 : memref<200xi32, #tpu.memory_space<hbm>>) target(%dma_start3A_135 : memref<200xi32, #tpu.memory_space<vmem>>) target_semaphore(%arg15 : memref<!tpu.dma_semaphore, #tpu.memory_space<semaphore_mem>>)
    %dma_wait3A = arith.constant 0 : i32
    %dma_wait3A_137 = arith.constant 0 : i32
    %dma_wait3A_138 = arith.constant 0 : i32
    %dma_wait3A_139 = tpu.memref_slice %arg6[%dma_wait3A, %dma_wait3A_137, %dma_wait3A_138] : memref<4x200x128xf32, #tpu.memory_space<vmem>> -> memref<1x200x128xf32, #tpu.memory_space<vmem>>
    %dma_wait3A_140 = tpu.memref_squeeze %dma_wait3A_139 : memref<1x200x128xf32, #tpu.memory_space<vmem>> -> memref<200x128xf32, #tpu.memory_space<vmem>>
    %dma_wait3A_141 = arith.constant 0 : i32
    %dma_wait3A_142 = tpu.memref_slice %arg2[%mul3A_49, %dma_wait3A_141] : memref<100000x128xf32, #tpu.memory_space<hbm>> -> memref<200x128xf32, #tpu.memory_space<hbm>>
    %dma_wait3A_143 = arith.constant 0 : i32
    %dma_wait3A_144 = arith.constant 0 : i32
    %dma_wait3A_145 = tpu.memref_slice %arg6[%dma_wait3A, %dma_wait3A_143, %dma_wait3A_144] : memref<4x200x128xf32, #tpu.memory_space<vmem>> -> memref<1x200x128xf32, #tpu.memory_space<vmem>>
    %dma_wait3A_146 = tpu.memref_squeeze %dma_wait3A_145 : memref<1x200x128xf32, #tpu.memory_space<vmem>> -> memref<200x128xf32, #tpu.memory_space<vmem>>
    %dma_wait3A_147 = arith.constant 0 : i32
    %dma_wait3A_148 = tpu.memref_slice %arg2[%mul3A_49, %dma_wait3A_147] : memref<100000x128xf32, #tpu.memory_space<hbm>> -> memref<200x128xf32, #tpu.memory_space<hbm>>
    tpu.wait_dma2 semaphore(%arg12 : memref<!tpu.dma_semaphore, #tpu.memory_space<semaphore_mem>>) src(%dma_wait3A_148 : memref<200x128xf32, #tpu.memory_space<hbm>>) dst(%dma_wait3A_146 : memref<200x128xf32, #tpu.memory_space<vmem>>)
    %dma_wait3A_149 = arith.constant 0 : i32
    %dma_wait3A_150 = tpu.memref_slice %arg7[%dma_wait3A_149] : memref<3200xi32, #tpu.memory_space<vmem>> -> memref<200xi32, #tpu.memory_space<vmem>>
    %dma_wait3A_151 = tpu.memref_slice %arg3[%mul3A_49] : memref<100000xi32, #tpu.memory_space<hbm>> -> memref<200xi32, #tpu.memory_space<hbm>>
    %dma_wait3A_152 = arith.constant 0 : i32
    %dma_wait3A_153 = tpu.memref_slice %arg7[%dma_wait3A_152] : memref<3200xi32, #tpu.memory_space<vmem>> -> memref<200xi32, #tpu.memory_space<vmem>>
    %dma_wait3A_154 = tpu.memref_slice %arg3[%mul3A_49] : memref<100000xi32, #tpu.memory_space<hbm>> -> memref<200xi32, #tpu.memory_space<hbm>>
    tpu.wait_dma2 semaphore(%arg12 : memref<!tpu.dma_semaphore, #tpu.memory_space<semaphore_mem>>) src(%dma_wait3A_154 : memref<200xi32, #tpu.memory_space<hbm>>) dst(%dma_wait3A_153 : memref<200xi32, #tpu.memory_space<vmem>>)
    %dma_start3A_155 = arith.constant 0 : i32
    %dma_start3A_156 = arith.constant 0 : i32
    %dma_start3A_157 = arith.constant 0 : i32
    %dma_start3A_158 = tpu.memref_slice %arg6[%dma_start3A_155, %dma_start3A_156, %dma_start3A_157] : memref<4x200x128xf32, #tpu.memory_space<vmem>> -> memref<1x104x128xf32, #tpu.memory_space<vmem>>
    %dma_start3A_159 = tpu.memref_squeeze %dma_start3A_158 : memref<1x104x128xf32, #tpu.memory_space<vmem>> -> memref<104x128xf32, #tpu.memory_space<vmem>>
    %dma_start3A_160 = arith.constant 0 : i32
    %dma_start3A_161 = tpu.memref_slice %arg7[%dma_start3A_160] : memref<3200xi32, #tpu.memory_space<vmem>> -> memref<104xi32, #tpu.memory_space<vmem>>
    %dma_start3A_162 = arith.constant 0 : i32
    %dma_start3A_163 = arith.constant 0 : i32
    %dma_start3A_164 = tpu.memref_slice %arg10[%dma_start3A_162, %dma_start3A_163] : memref<256x128xf32, #tpu.memory_space<vmem_shared>> -> memref<256x128xf32, #tpu.memory_space<vmem_shared>>
    tpu.enqueue_indirect_dma source(%dma_start3A_159 : memref<104x128xf32, #tpu.memory_space<vmem>>) target(%dma_start3A_164 : memref<256x128xf32, #tpu.memory_space<vmem_shared>>) offsets(%dma_start3A_161 : memref<104xi32, #tpu.memory_space<vmem>>) semaphore(%arg16 : memref<!tpu.dma_semaphore, #tpu.memory_space<semaphore_mem>>) {add = true}
    %dma_start3A_165 = arith.constant 0 : i32
    %dma_start3A_166 = tpu.memref_slice %arg8[%dma_start3A_165] : memref<112xf32, #tpu.memory_space<vmem>> -> memref<104xf32, #tpu.memory_space<vmem>>
    %dma_start3A_167 = arith.constant 0 : i32
    %dma_start3A_168 = tpu.memref_slice %arg7[%dma_start3A_167] : memref<3200xi32, #tpu.memory_space<vmem>> -> memref<104xi32, #tpu.memory_space<vmem>>
    %dma_start3A_169 = arith.constant 0 : i32
    %dma_start3A_170 = tpu.memref_slice %arg11[%dma_start3A_169] : memref<256xf32, #tpu.memory_space<vmem_shared>> -> memref<256xf32, #tpu.memory_space<vmem_shared>>
    tpu.enqueue_indirect_dma source(%dma_start3A_166 : memref<104xf32, #tpu.memory_space<vmem>>) target(%dma_start3A_170 : memref<256xf32, #tpu.memory_space<vmem_shared>>) offsets(%dma_start3A_168 : memref<104xi32, #tpu.memory_space<vmem>>) semaphore(%arg20 : memref<!tpu.dma_semaphore, #tpu.memory_space<semaphore_mem>>) {add = true}
    %dma_start3A_171 = arith.constant 0 : i32
    %dma_start3A_172 = arith.constant 104 : i32
    %dma_start3A_173 = arith.constant 0 : i32
    %dma_start3A_174 = tpu.memref_slice %arg6[%dma_start3A_171, %dma_start3A_172, %dma_start3A_173] : memref<4x200x128xf32, #tpu.memory_space<vmem>> -> memref<1x96x128xf32, #tpu.memory_space<vmem>>
    %dma_start3A_175 = tpu.memref_squeeze %dma_start3A_174 : memref<1x96x128xf32, #tpu.memory_space<vmem>> -> memref<96x128xf32, #tpu.memory_space<vmem>>
    %dma_start3A_176 = arith.constant 104 : i32
    %dma_start3A_177 = tpu.memref_slice %arg7[%dma_start3A_176] : memref<3200xi32, #tpu.memory_space<vmem>> -> memref<96xi32, #tpu.memory_space<vmem>>
    %dma_start3A_178 = arith.constant 0 : i32
    %dma_start3A_179 = arith.constant 0 : i32
    %dma_start3A_180 = tpu.memref_slice %arg10[%dma_start3A_178, %dma_start3A_179] : memref<256x128xf32, #tpu.memory_space<vmem_shared>> -> memref<256x128xf32, #tpu.memory_space<vmem_shared>>
    tpu.enqueue_indirect_dma source(%dma_start3A_175 : memref<96x128xf32, #tpu.memory_space<vmem>>) target(%dma_start3A_180 : memref<256x128xf32, #tpu.memory_space<vmem_shared>>) offsets(%dma_start3A_177 : memref<96xi32, #tpu.memory_space<vmem>>) semaphore(%arg16 : memref<!tpu.dma_semaphore, #tpu.memory_space<semaphore_mem>>) {add = true}
    %dma_start3A_181 = arith.constant 0 : i32
    %dma_start3A_182 = tpu.memref_slice %arg8[%dma_start3A_181] : memref<112xf32, #tpu.memory_space<vmem>> -> memref<96xf32, #tpu.memory_space<vmem>>
    %dma_start3A_183 = arith.constant 104 : i32
    %dma_start3A_184 = tpu.memref_slice %arg7[%dma_start3A_183] : memref<3200xi32, #tpu.memory_space<vmem>> -> memref<96xi32, #tpu.memory_space<vmem>>
    %dma_start3A_185 = arith.constant 0 : i32
    %dma_start3A_186 = tpu.memref_slice %arg11[%dma_start3A_185] : memref<256xf32, #tpu.memory_space<vmem_shared>> -> memref<256xf32, #tpu.memory_space<vmem_shared>>
    tpu.enqueue_indirect_dma source(%dma_start3A_182 : memref<96xf32, #tpu.memory_space<vmem>>) target(%dma_start3A_186 : memref<256xf32, #tpu.memory_space<vmem_shared>>) offsets(%dma_start3A_184 : memref<96xi32, #tpu.memory_space<vmem>>) semaphore(%arg20 : memref<!tpu.dma_semaphore, #tpu.memory_space<semaphore_mem>>) {add = true}
    %dma_wait3A_187 = arith.constant 0 : i32
    %dma_wait3A_188 = arith.constant 0 : i32
    %dma_wait3A_189 = arith.constant 0 : i32
    %dma_wait3A_190 = tpu.memref_slice %arg6[%dma_wait3A_187, %dma_wait3A_188, %dma_wait3A_189] : memref<4x200x128xf32, #tpu.memory_space<vmem>> -> memref<1x104x128xf32, #tpu.memory_space<vmem>>
    %dma_wait3A_191 = tpu.memref_squeeze %dma_wait3A_190 : memref<1x104x128xf32, #tpu.memory_space<vmem>> -> memref<104x128xf32, #tpu.memory_space<vmem>>
    %dma_wait3A_192 = arith.constant 0 : i32
    %dma_wait3A_193 = tpu.memref_slice %arg7[%dma_wait3A_192] : memref<3200xi32, #tpu.memory_space<vmem>> -> memref<104xi32, #tpu.memory_space<vmem>>
    %dma_wait3A_194 = arith.constant 0 : i32
    %dma_wait3A_195 = arith.constant 0 : i32
    %dma_wait3A_196 = tpu.memref_slice %arg10[%dma_wait3A_194, %dma_wait3A_195] : memref<256x128xf32, #tpu.memory_space<vmem_shared>> -> memref<256x128xf32, #tpu.memory_space<vmem_shared>>
    tpu.wait_indirect_dma semaphore(%arg16 : memref<!tpu.dma_semaphore, #tpu.memory_space<semaphore_mem>>) src(%dma_wait3A_191 : memref<104x128xf32, #tpu.memory_space<vmem>>) dst(%dma_wait3A_196 : memref<256x128xf32, #tpu.memory_space<vmem_shared>>)
    %dma_wait3A_197 = arith.constant 0 : i32
    %dma_wait3A_198 = arith.constant 104 : i32
    %dma_wait3A_199 = arith.constant 0 : i32
    %dma_wait3A_200 = tpu.memref_slice %arg6[%dma_wait3A_197, %dma_wait3A_198, %dma_wait3A_199] : memref<4x200x128xf32, #tpu.memory_space<vmem>> -> memref<1x96x128xf32, #tpu.memory_space<vmem>>
    %dma_wait3A_201 = tpu.memref_squeeze %dma_wait3A_200 : memref<1x96x128xf32, #tpu.memory_space<vmem>> -> memref<96x128xf32, #tpu.memory_space<vmem>>
    %dma_wait3A_202 = arith.constant 104 : i32
    %dma_wait3A_203 = tpu.memref_slice %arg7[%dma_wait3A_202] : memref<3200xi32, #tpu.memory_space<vmem>> -> memref<96xi32, #tpu.memory_space<vmem>>
    %dma_wait3A_204 = arith.constant 0 : i32
    %dma_wait3A_205 = arith.constant 0 : i32
    %dma_wait3A_206 = tpu.memref_slice %arg10[%dma_wait3A_204, %dma_wait3A_205] : memref<256x128xf32, #tpu.memory_space<vmem_shared>> -> memref<256x128xf32, #tpu.memory_space<vmem_shared>>
    tpu.wait_indirect_dma semaphore(%arg16 : memref<!tpu.dma_semaphore, #tpu.memory_space<semaphore_mem>>) src(%dma_wait3A_201 : memref<96x128xf32, #tpu.memory_space<vmem>>) dst(%dma_wait3A_206 : memref<256x128xf32, #tpu.memory_space<vmem_shared>>)
    %add3A_207 = arith.constant 128 : i32
    %add3A_208 = arith.addi %add3A_207, %add3A : i32
    %mul3A_209 = arith.constant 200 : i32
    %mul3A_210 = arith.muli %add3A_208, %mul3A_209 : i32
    %dma_start3A_211 = arith.constant 0 : i32
    %dma_start3A_212 = arith.constant 0 : i32
    %dma_start3A_213 = arith.constant 0 : i32
    %dma_start3A_214 = tpu.memref_slice %arg6[%dma_start3A_211, %dma_start3A_212, %dma_start3A_213] : memref<4x200x128xf32, #tpu.memory_space<vmem>> -> memref<1x200x128xf32, #tpu.memory_space<vmem>>
    %dma_start3A_215 = tpu.memref_squeeze %dma_start3A_214 : memref<1x200x128xf32, #tpu.memory_space<vmem>> -> memref<200x128xf32, #tpu.memory_space<vmem>>
    %dma_start3A_216 = arith.constant 0 : i32
    %dma_start3A_217 = tpu.memref_slice %arg2[%mul3A_210, %dma_start3A_216] : memref<100000x128xf32, #tpu.memory_space<hbm>> -> memref<200x128xf32, #tpu.memory_space<hbm>>
    %dma_start3A_218 = arith.constant 0 : i32
    %dma_start3A_219 = arith.constant 0 : i32
    %dma_start3A_220 = tpu.memref_slice %arg6[%dma_start3A_211, %dma_start3A_218, %dma_start3A_219] : memref<4x200x128xf32, #tpu.memory_space<vmem>> -> memref<1x200x128xf32, #tpu.memory_space<vmem>>
    %dma_start3A_221 = tpu.memref_squeeze %dma_start3A_220 : memref<1x200x128xf32, #tpu.memory_space<vmem>> -> memref<200x128xf32, #tpu.memory_space<vmem>>
    %dma_start3A_222 = arith.constant 0 : i32
    %dma_start3A_223 = tpu.memref_slice %arg2[%mul3A_210, %dma_start3A_222] : memref<100000x128xf32, #tpu.memory_space<hbm>> -> memref<200x128xf32, #tpu.memory_space<hbm>>
    tpu.enqueue_dma source(%dma_start3A_223 : memref<200x128xf32, #tpu.memory_space<hbm>>) target(%dma_start3A_221 : memref<200x128xf32, #tpu.memory_space<vmem>>) target_semaphore(%arg12 : memref<!tpu.dma_semaphore, #tpu.memory_space<semaphore_mem>>)
    %dma_start3A_224 = arith.constant 800 : i32
    %dma_start3A_225 = tpu.memref_slice %arg7[%dma_start3A_224] : memref<3200xi32, #tpu.memory_space<vmem>> -> memref<200xi32, #tpu.memory_space<vmem>>
    %dma_start3A_226 = tpu.memref_slice %arg3[%mul3A_210] : memref<100000xi32, #tpu.memory_space<hbm>> -> memref<200xi32, #tpu.memory_space<hbm>>
    %dma_start3A_227 = arith.constant 800 : i32
    %dma_start3A_228 = tpu.memref_slice %arg7[%dma_start3A_227] : memref<3200xi32, #tpu.memory_space<vmem>> -> memref<200xi32, #tpu.memory_space<vmem>>
    %dma_start3A_229 = tpu.memref_slice %arg3[%mul3A_210] : memref<100000xi32, #tpu.memory_space<hbm>> -> memref<200xi32, #tpu.memory_space<hbm>>
    tpu.enqueue_dma source(%dma_start3A_229 : memref<200xi32, #tpu.memory_space<hbm>>) target(%dma_start3A_228 : memref<200xi32, #tpu.memory_space<vmem>>) target_semaphore(%arg12 : memref<!tpu.dma_semaphore, #tpu.memory_space<semaphore_mem>>)
    %dma_wait3A_230 = arith.constant 1 : i32
    %dma_wait3A_231 = arith.constant 0 : i32
    %dma_wait3A_232 = arith.constant 0 : i32
    %dma_wait3A_233 = tpu.memref_slice %arg6[%dma_wait3A_230, %dma_wait3A_231, %dma_wait3A_232] : memref<4x200x128xf32, #tpu.memory_space<vmem>> -> memref<1x200x128xf32, #tpu.memory_space<vmem>>
    %dma_wait3A_234 = tpu.memref_squeeze %dma_wait3A_233 : memref<1x200x128xf32, #tpu.memory_space<vmem>> -> memref<200x128xf32, #tpu.memory_space<vmem>>
    %dma_wait3A_235 = arith.constant 0 : i32
    %dma_wait3A_236 = tpu.memref_slice %arg2[%mul3A_71, %dma_wait3A_235] : memref<100000x128xf32, #tpu.memory_space<hbm>> -> memref<200x128xf32, #tpu.memory_space<hbm>>
    %dma_wait3A_237 = arith.constant 0 : i32
    %dma_wait3A_238 = arith.constant 0 : i32
    %dma_wait3A_239 = tpu.memref_slice %arg6[%dma_wait3A_230, %dma_wait3A_237, %dma_wait3A_238] : memref<4x200x128xf32, #tpu.memory_space<vmem>> -> memref<1x200x128xf32, #tpu.memory_space<vmem>>
    %dma_wait3A_240 = tpu.memref_squeeze %dma_wait3A_239 : memref<1x200x128xf32, #tpu.memory_space<vmem>> -> memref<200x128xf32, #tpu.memory_space<vmem>>
    %dma_wait3A_241 = arith.constant 0 : i32
    %dma_wait3A_242 = tpu.memref_slice %arg2[%mul3A_71, %dma_wait3A_241] : memref<100000x128xf32, #tpu.memory_space<hbm>> -> memref<200x128xf32, #tpu.memory_space<hbm>>
    tpu.wait_dma2 semaphore(%arg13 : memref<!tpu.dma_semaphore, #tpu.memory_space<semaphore_mem>>) src(%dma_wait3A_242 : memref<200x128xf32, #tpu.memory_space<hbm>>) dst(%dma_wait3A_240 : memref<200x128xf32, #tpu.memory_space<vmem>>)
    %dma_wait3A_243 = arith.constant 200 : i32
    %dma_wait3A_244 = tpu.memref_slice %arg7[%dma_wait3A_243] : memref<3200xi32, #tpu.memory_space<vmem>> -> memref<200xi32, #tpu.memory_space<vmem>>
    %dma_wait3A_245 = tpu.memref_slice %arg3[%mul3A_71] : memref<100000xi32, #tpu.memory_space<hbm>> -> memref<200xi32, #tpu.memory_space<hbm>>
    %dma_wait3A_246 = arith.constant 200 : i32
    %dma_wait3A_247 = tpu.memref_slice %arg7[%dma_wait3A_246] : memref<3200xi32, #tpu.memory_space<vmem>> -> memref<200xi32, #tpu.memory_space<vmem>>
    %dma_wait3A_248 = tpu.memref_slice %arg3[%mul3A_71] : memref<100000xi32, #tpu.memory_space<hbm>> -> memref<200xi32, #tpu.memory_space<hbm>>
    tpu.wait_dma2 semaphore(%arg13 : memref<!tpu.dma_semaphore, #tpu.memory_space<semaphore_mem>>) src(%dma_wait3A_248 : memref<200xi32, #tpu.memory_space<hbm>>) dst(%dma_wait3A_247 : memref<200xi32, #tpu.memory_space<vmem>>)
    %dma_start3A_249 = arith.constant 1 : i32
    %dma_start3A_250 = arith.constant 0 : i32
    %dma_start3A_251 = arith.constant 0 : i32
    %dma_start3A_252 = tpu.memref_slice %arg6[%dma_start3A_249, %dma_start3A_250, %dma_start3A_251] : memref<4x200x128xf32, #tpu.memory_space<vmem>> -> memref<1x104x128xf32, #tpu.memory_space<vmem>>
    %dma_start3A_253 = tpu.memref_squeeze %dma_start3A_252 : memref<1x104x128xf32, #tpu.memory_space<vmem>> -> memref<104x128xf32, #tpu.memory_space<vmem>>
    %dma_start3A_254 = arith.constant 200 : i32
    %dma_start3A_255 = tpu.memref_slice %arg7[%dma_start3A_254] : memref<3200xi32, #tpu.memory_space<vmem>> -> memref<104xi32, #tpu.memory_space<vmem>>
    %dma_start3A_256 = arith.constant 0 : i32
    %dma_start3A_257 = arith.constant 0 : i32
    %dma_start3A_258 = tpu.memref_slice %arg10[%dma_start3A_256, %dma_start3A_257] : memref<256x128xf32, #tpu.memory_space<vmem_shared>> -> memref<256x128xf32, #tpu.memory_space<vmem_shared>>
    tpu.enqueue_indirect_dma source(%dma_start3A_253 : memref<104x128xf32, #tpu.memory_space<vmem>>) target(%dma_start3A_258 : memref<256x128xf32, #tpu.memory_space<vmem_shared>>) offsets(%dma_start3A_255 : memref<104xi32, #tpu.memory_space<vmem>>) semaphore(%arg17 : memref<!tpu.dma_semaphore, #tpu.memory_space<semaphore_mem>>) {add = true}
    %dma_start3A_259 = arith.constant 0 : i32
    %dma_start3A_260 = tpu.memref_slice %arg8[%dma_start3A_259] : memref<112xf32, #tpu.memory_space<vmem>> -> memref<104xf32, #tpu.memory_space<vmem>>
    %dma_start3A_261 = arith.constant 200 : i32
    %dma_start3A_262 = tpu.memref_slice %arg7[%dma_start3A_261] : memref<3200xi32, #tpu.memory_space<vmem>> -> memref<104xi32, #tpu.memory_space<vmem>>
    %dma_start3A_263 = arith.constant 0 : i32
    %dma_start3A_264 = tpu.memref_slice %arg11[%dma_start3A_263] : memref<256xf32, #tpu.memory_space<vmem_shared>> -> memref<256xf32, #tpu.memory_space<vmem_shared>>
    tpu.enqueue_indirect_dma source(%dma_start3A_260 : memref<104xf32, #tpu.memory_space<vmem>>) target(%dma_start3A_264 : memref<256xf32, #tpu.memory_space<vmem_shared>>) offsets(%dma_start3A_262 : memref<104xi32, #tpu.memory_space<vmem>>) semaphore(%arg20 : memref<!tpu.dma_semaphore, #tpu.memory_space<semaphore_mem>>) {add = true}
    %dma_start3A_265 = arith.constant 1 : i32
    %dma_start3A_266 = arith.constant 104 : i32
    %dma_start3A_267 = arith.constant 0 : i32
    %dma_start3A_268 = tpu.memref_slice %arg6[%dma_start3A_265, %dma_start3A_266, %dma_start3A_267] : memref<4x200x128xf32, #tpu.memory_space<vmem>> -> memref<1x96x128xf32, #tpu.memory_space<vmem>>
    %dma_start3A_269 = tpu.memref_squeeze %dma_start3A_268 : memref<1x96x128xf32, #tpu.memory_space<vmem>> -> memref<96x128xf32, #tpu.memory_space<vmem>>
    %dma_start3A_270 = arith.constant 304 : i32
    %dma_start3A_271 = tpu.memref_slice %arg7[%dma_start3A_270] : memref<3200xi32, #tpu.memory_space<vmem>> -> memref<96xi32, #tpu.memory_space<vmem>>
    %dma_start3A_272 = arith.constant 0 : i32
    %dma_start3A_273 = arith.constant 0 : i32
    %dma_start3A_274 = tpu.memref_slice %arg10[%dma_start3A_272, %dma_start3A_273] : memref<256x128xf32, #tpu.memory_space<vmem_shared>> -> memref<256x128xf32, #tpu.memory_space<vmem_shared>>
    tpu.enqueue_indirect_dma source(%dma_start3A_269 : memref<96x128xf32, #tpu.memory_space<vmem>>) target(%dma_start3A_274 : memref<256x128xf32, #tpu.memory_space<vmem_shared>>) offsets(%dma_start3A_271 : memref<96xi32, #tpu.memory_space<vmem>>) semaphore(%arg17 : memref<!tpu.dma_semaphore, #tpu.memory_space<semaphore_mem>>) {add = true}
    %dma_start3A_275 = arith.constant 0 : i32
    %dma_start3A_276 = tpu.memref_slice %arg8[%dma_start3A_275] : memref<112xf32, #tpu.memory_space<vmem>> -> memref<96xf32, #tpu.memory_space<vmem>>
    %dma_start3A_277 = arith.constant 304 : i32
    %dma_start3A_278 = tpu.memref_slice %arg7[%dma_start3A_277] : memref<3200xi32, #tpu.memory_space<vmem>> -> memref<96xi32, #tpu.memory_space<vmem>>
    %dma_start3A_279 = arith.constant 0 : i32
    %dma_start3A_280 = tpu.memref_slice %arg11[%dma_start3A_279] : memref<256xf32, #tpu.memory_space<vmem_shared>> -> memref<256xf32, #tpu.memory_space<vmem_shared>>
    tpu.enqueue_indirect_dma source(%dma_start3A_276 : memref<96xf32, #tpu.memory_space<vmem>>) target(%dma_start3A_280 : memref<256xf32, #tpu.memory_space<vmem_shared>>) offsets(%dma_start3A_278 : memref<96xi32, #tpu.memory_space<vmem>>) semaphore(%arg20 : memref<!tpu.dma_semaphore, #tpu.memory_space<semaphore_mem>>) {add = true}
    %dma_wait3A_281 = arith.constant 1 : i32
    %dma_wait3A_282 = arith.constant 0 : i32
    %dma_wait3A_283 = arith.constant 0 : i32
    %dma_wait3A_284 = tpu.memref_slice %arg6[%dma_wait3A_281, %dma_wait3A_282, %dma_wait3A_283] : memref<4x200x128xf32, #tpu.memory_space<vmem>> -> memref<1x104x128xf32, #tpu.memory_space<vmem>>
    %dma_wait3A_285 = tpu.memref_squeeze %dma_wait3A_284 : memref<1x104x128xf32, #tpu.memory_space<vmem>> -> memref<104x128xf32, #tpu.memory_space<vmem>>
    %dma_wait3A_286 = arith.constant 200 : i32
    %dma_wait3A_287 = tpu.memref_slice %arg7[%dma_wait3A_286] : memref<3200xi32, #tpu.memory_space<vmem>> -> memref<104xi32, #tpu.memory_space<vmem>>
    %dma_wait3A_288 = arith.constant 0 : i32
    %dma_wait3A_289 = arith.constant 0 : i32
    %dma_wait3A_290 = tpu.memref_slice %arg10[%dma_wait3A_288, %dma_wait3A_289] : memref<256x128xf32, #tpu.memory_space<vmem_shared>> -> memref<256x128xf32, #tpu.memory_space<vmem_shared>>
    tpu.wait_indirect_dma semaphore(%arg17 : memref<!tpu.dma_semaphore, #tpu.memory_space<semaphore_mem>>) src(%dma_wait3A_285 : memref<104x128xf32, #tpu.memory_space<vmem>>) dst(%dma_wait3A_290 : memref<256x128xf32, #tpu.memory_space<vmem_shared>>)
    %dma_wait3A_291 = arith.constant 1 : i32
    %dma_wait3A_292 = arith.constant 104 : i32
    %dma_wait3A_293 = arith.constant 0 : i32
    %dma_wait3A_294 = tpu.memref_slice %arg6[%dma_wait3A_291, %dma_wait3A_292, %dma_wait3A_293] : memref<4x200x128xf32, #tpu.memory_space<vmem>> -> memref<1x96x128xf32, #tpu.memory_space<vmem>>
    %dma_wait3A_295 = tpu.memref_squeeze %dma_wait3A_294 : memref<1x96x128xf32, #tpu.memory_space<vmem>> -> memref<96x128xf32, #tpu.memory_space<vmem>>
    %dma_wait3A_296 = arith.constant 304 : i32
    %dma_wait3A_297 = tpu.memref_slice %arg7[%dma_wait3A_296] : memref<3200xi32, #tpu.memory_space<vmem>> -> memref<96xi32, #tpu.memory_space<vmem>>
    %dma_wait3A_298 = arith.constant 0 : i32
    %dma_wait3A_299 = arith.constant 0 : i32
    %dma_wait3A_300 = tpu.memref_slice %arg10[%dma_wait3A_298, %dma_wait3A_299] : memref<256x128xf32, #tpu.memory_space<vmem_shared>> -> memref<256x128xf32, #tpu.memory_space<vmem_shared>>
    tpu.wait_indirect_dma semaphore(%arg17 : memref<!tpu.dma_semaphore, #tpu.memory_space<semaphore_mem>>) src(%dma_wait3A_295 : memref<96x128xf32, #tpu.memory_space<vmem>>) dst(%dma_wait3A_300 : memref<256x128xf32, #tpu.memory_space<vmem_shared>>)
    %add3A_301 = arith.constant 160 : i32
    %add3A_302 = arith.addi %add3A_301, %add3A : i32
    %mul3A_303 = arith.constant 200 : i32
    %mul3A_304 = arith.muli %add3A_302, %mul3A_303 : i32
    %dma_start3A_305 = arith.constant 1 : i32
    %dma_start3A_306 = arith.constant 0 : i32
    %dma_start3A_307 = arith.constant 0 : i32
    %dma_start3A_308 = tpu.memref_slice %arg6[%dma_start3A_305, %dma_start3A_306, %dma_start3A_307] : memref<4x200x128xf32, #tpu.memory_space<vmem>> -> memref<1x200x128xf32, #tpu.memory_space<vmem>>
    %dma_start3A_309 = tpu.memref_squeeze %dma_start3A_308 : memref<1x200x128xf32, #tpu.memory_space<vmem>> -> memref<200x128xf32, #tpu.memory_space<vmem>>
    %dma_start3A_310 = arith.constant 0 : i32
    %dma_start3A_311 = tpu.memref_slice %arg2[%mul3A_304, %dma_start3A_310] : memref<100000x128xf32, #tpu.memory_space<hbm>> -> memref<200x128xf32, #tpu.memory_space<hbm>>
    %dma_start3A_312 = arith.constant 0 : i32
    %dma_start3A_313 = arith.constant 0 : i32
    %dma_start3A_314 = tpu.memref_slice %arg6[%dma_start3A_305, %dma_start3A_312, %dma_start3A_313] : memref<4x200x128xf32, #tpu.memory_space<vmem>> -> memref<1x200x128xf32, #tpu.memory_space<vmem>>
    %dma_start3A_315 = tpu.memref_squeeze %dma_start3A_314 : memref<1x200x128xf32, #tpu.memory_space<vmem>> -> memref<200x128xf32, #tpu.memory_space<vmem>>
    %dma_start3A_316 = arith.constant 0 : i32
    %dma_start3A_317 = tpu.memref_slice %arg2[%mul3A_304, %dma_start3A_316] : memref<100000x128xf32, #tpu.memory_space<hbm>> -> memref<200x128xf32, #tpu.memory_space<hbm>>
    tpu.enqueue_dma source(%dma_start3A_317 : memref<200x128xf32, #tpu.memory_space<hbm>>) target(%dma_start3A_315 : memref<200x128xf32, #tpu.memory_space<vmem>>) target_semaphore(%arg13 : memref<!tpu.dma_semaphore, #tpu.memory_space<semaphore_mem>>)
    %dma_start3A_318 = arith.constant 1000 : i32
    %dma_start3A_319 = tpu.memref_slice %arg7[%dma_start3A_318] : memref<3200xi32, #tpu.memory_space<vmem>> -> memref<200xi32, #tpu.memory_space<vmem>>
    %dma_start3A_320 = tpu.memref_slice %arg3[%mul3A_304] : memref<100000xi32, #tpu.memory_space<hbm>> -> memref<200xi32, #tpu.memory_space<hbm>>
    %dma_start3A_321 = arith.constant 1000 : i32
    %dma_start3A_322 = tpu.memref_slice %arg7[%dma_start3A_321] : memref<3200xi32, #tpu.memory_space<vmem>> -> memref<200xi32, #tpu.memory_space<vmem>>
    %dma_start3A_323 = tpu.memref_slice %arg3[%mul3A_304] : memref<100000xi32, #tpu.memory_space<hbm>> -> memref<200xi32, #tpu.memory_space<hbm>>
    tpu.enqueue_dma source(%dma_start3A_323 : memref<200xi32, #tpu.memory_space<hbm>>) target(%dma_start3A_322 : memref<200xi32, #tpu.memory_space<vmem>>) target_semaphore(%arg13 : memref<!tpu.dma_semaphore, #tpu.memory_space<semaphore_mem>>)
    %dma_wait3A_324 = arith.constant 0 : i32
    %dma_wait3A_325 = tpu.memref_slice %arg8[%dma_wait3A_324] : memref<112xf32, #tpu.memory_space<vmem>> -> memref<104xf32, #tpu.memory_space<vmem>>
    %dma_wait3A_326 = arith.constant 0 : i32
    %dma_wait3A_327 = tpu.memref_slice %arg7[%dma_wait3A_326] : memref<3200xi32, #tpu.memory_space<vmem>> -> memref<104xi32, #tpu.memory_space<vmem>>
    %dma_wait3A_328 = arith.constant 0 : i32
    %dma_wait3A_329 = tpu.memref_slice %arg11[%dma_wait3A_328] : memref<256xf32, #tpu.memory_space<vmem_shared>> -> memref<256xf32, #tpu.memory_space<vmem_shared>>
    tpu.wait_indirect_dma semaphore(%arg20 : memref<!tpu.dma_semaphore, #tpu.memory_space<semaphore_mem>>) src(%dma_wait3A_325 : memref<104xf32, #tpu.memory_space<vmem>>) dst(%dma_wait3A_329 : memref<256xf32, #tpu.memory_space<vmem_shared>>)
    %dma_wait3A_330 = arith.constant 0 : i32
    %dma_wait3A_331 = tpu.memref_slice %arg8[%dma_wait3A_330] : memref<112xf32, #tpu.memory_space<vmem>> -> memref<96xf32, #tpu.memory_space<vmem>>
    %dma_wait3A_332 = arith.constant 104 : i32
    %dma_wait3A_333 = tpu.memref_slice %arg7[%dma_wait3A_332] : memref<3200xi32, #tpu.memory_space<vmem>> -> memref<96xi32, #tpu.memory_space<vmem>>
    %dma_wait3A_334 = arith.constant 0 : i32
    %dma_wait3A_335 = tpu.memref_slice %arg11[%dma_wait3A_334] : memref<256xf32, #tpu.memory_space<vmem_shared>> -> memref<256xf32, #tpu.memory_space<vmem_shared>>
    tpu.wait_indirect_dma semaphore(%arg20 : memref<!tpu.dma_semaphore, #tpu.memory_space<semaphore_mem>>) src(%dma_wait3A_331 : memref<96xf32, #tpu.memory_space<vmem>>) dst(%dma_wait3A_335 : memref<256xf32, #tpu.memory_space<vmem_shared>>)
    %dma_wait3A_336 = arith.constant 2 : i32
    %dma_wait3A_337 = arith.constant 0 : i32
    %dma_wait3A_338 = arith.constant 0 : i32
    %dma_wait3A_339 = tpu.memref_slice %arg6[%dma_wait3A_336, %dma_wait3A_337, %dma_wait3A_338] : memref<4x200x128xf32, #tpu.memory_space<vmem>> -> memref<1x200x128xf32, #tpu.memory_space<vmem>>
    %dma_wait3A_340 = tpu.memref_squeeze %dma_wait3A_339 : memref<1x200x128xf32, #tpu.memory_space<vmem>> -> memref<200x128xf32, #tpu.memory_space<vmem>>
    %dma_wait3A_341 = arith.constant 0 : i32
    %dma_wait3A_342 = tpu.memref_slice %arg2[%mul3A_94, %dma_wait3A_341] : memref<100000x128xf32, #tpu.memory_space<hbm>> -> memref<200x128xf32, #tpu.memory_space<hbm>>
    %dma_wait3A_343 = arith.constant 0 : i32
    %dma_wait3A_344 = arith.constant 0 : i32
    %dma_wait3A_345 = tpu.memref_slice %arg6[%dma_wait3A_336, %dma_wait3A_343, %dma_wait3A_344] : memref<4x200x128xf32, #tpu.memory_space<vmem>> -> memref<1x200x128xf32, #tpu.memory_space<vmem>>
    %dma_wait3A_346 = tpu.memref_squeeze %dma_wait3A_345 : memref<1x200x128xf32, #tpu.memory_space<vmem>> -> memref<200x128xf32, #tpu.memory_space<vmem>>
    %dma_wait3A_347 = arith.constant 0 : i32
    %dma_wait3A_348 = tpu.memref_slice %arg2[%mul3A_94, %dma_wait3A_347] : memref<100000x128xf32, #tpu.memory_space<hbm>> -> memref<200x128xf32, #tpu.memory_space<hbm>>
    tpu.wait_dma2 semaphore(%arg14 : memref<!tpu.dma_semaphore, #tpu.memory_space<semaphore_mem>>) src(%dma_wait3A_348 : memref<200x128xf32, #tpu.memory_space<hbm>>) dst(%dma_wait3A_346 : memref<200x128xf32, #tpu.memory_space<vmem>>)
    %dma_wait3A_349 = arith.constant 400 : i32
    %dma_wait3A_350 = tpu.memref_slice %arg7[%dma_wait3A_349] : memref<3200xi32, #tpu.memory_space<vmem>> -> memref<200xi32, #tpu.memory_space<vmem>>
    %dma_wait3A_351 = tpu.memref_slice %arg3[%mul3A_94] : memref<100000xi32, #tpu.memory_space<hbm>> -> memref<200xi32, #tpu.memory_space<hbm>>
    %dma_wait3A_352 = arith.constant 400 : i32
    %dma_wait3A_353 = tpu.memref_slice %arg7[%dma_wait3A_352] : memref<3200xi32, #tpu.memory_space<vmem>> -> memref<200xi32, #tpu.memory_space<vmem>>
    %dma_wait3A_354 = tpu.memref_slice %arg3[%mul3A_94] : memref<100000xi32, #tpu.memory_space<hbm>> -> memref<200xi32, #tpu.memory_space<hbm>>
    tpu.wait_dma2 semaphore(%arg14 : memref<!tpu.dma_semaphore, #tpu.memory_space<semaphore_mem>>) src(%dma_wait3A_354 : memref<200xi32, #tpu.memory_space<hbm>>) dst(%dma_wait3A_353 : memref<200xi32, #tpu.memory_space<vmem>>)
    %dma_start3A_355 = arith.constant 2 : i32
    %dma_start3A_356 = arith.constant 0 : i32
    %dma_start3A_357 = arith.constant 0 : i32
    %dma_start3A_358 = tpu.memref_slice %arg6[%dma_start3A_355, %dma_start3A_356, %dma_start3A_357] : memref<4x200x128xf32, #tpu.memory_space<vmem>> -> memref<1x104x128xf32, #tpu.memory_space<vmem>>
    %dma_start3A_359 = tpu.memref_squeeze %dma_start3A_358 : memref<1x104x128xf32, #tpu.memory_space<vmem>> -> memref<104x128xf32, #tpu.memory_space<vmem>>
    %dma_start3A_360 = arith.constant 400 : i32
    %dma_start3A_361 = tpu.memref_slice %arg7[%dma_start3A_360] : memref<3200xi32, #tpu.memory_space<vmem>> -> memref<104xi32, #tpu.memory_space<vmem>>
    %dma_start3A_362 = arith.constant 0 : i32
    %dma_start3A_363 = arith.constant 0 : i32
    %dma_start3A_364 = tpu.memref_slice %arg10[%dma_start3A_362, %dma_start3A_363] : memref<256x128xf32, #tpu.memory_space<vmem_shared>> -> memref<256x128xf32, #tpu.memory_space<vmem_shared>>
    tpu.enqueue_indirect_dma source(%dma_start3A_359 : memref<104x128xf32, #tpu.memory_space<vmem>>) target(%dma_start3A_364 : memref<256x128xf32, #tpu.memory_space<vmem_shared>>) offsets(%dma_start3A_361 : memref<104xi32, #tpu.memory_space<vmem>>) semaphore(%arg18 : memref<!tpu.dma_semaphore, #tpu.memory_space<semaphore_mem>>) {add = true}
    %dma_start3A_365 = arith.constant 0 : i32
    %dma_start3A_366 = tpu.memref_slice %arg8[%dma_start3A_365] : memref<112xf32, #tpu.memory_space<vmem>> -> memref<104xf32, #tpu.memory_space<vmem>>
    %dma_start3A_367 = arith.constant 400 : i32
    %dma_start3A_368 = tpu.memref_slice %arg7[%dma_start3A_367] : memref<3200xi32, #tpu.memory_space<vmem>> -> memref<104xi32, #tpu.memory_space<vmem>>
    %dma_start3A_369 = arith.constant 0 : i32
    %dma_start3A_370 = tpu.memref_slice %arg11[%dma_start3A_369] : memref<256xf32, #tpu.memory_space<vmem_shared>> -> memref<256xf32, #tpu.memory_space<vmem_shared>>
    tpu.enqueue_indirect_dma source(%dma_start3A_366 : memref<104xf32, #tpu.memory_space<vmem>>) target(%dma_start3A_370 : memref<256xf32, #tpu.memory_space<vmem_shared>>) offsets(%dma_start3A_368 : memref<104xi32, #tpu.memory_space<vmem>>) semaphore(%arg20 : memref<!tpu.dma_semaphore, #tpu.memory_space<semaphore_mem>>) {add = true}
    %dma_start3A_371 = arith.constant 2 : i32
    %dma_start3A_372 = arith.constant 104 : i32
    %dma_start3A_373 = arith.constant 0 : i32
    %dma_start3A_374 = tpu.memref_slice %arg6[%dma_start3A_371, %dma_start3A_372, %dma_start3A_373] : memref<4x200x128xf32, #tpu.memory_space<vmem>> -> memref<1x96x128xf32, #tpu.memory_space<vmem>>
    %dma_start3A_375 = tpu.memref_squeeze %dma_start3A_374 : memref<1x96x128xf32, #tpu.memory_space<vmem>> -> memref<96x128xf32, #tpu.memory_space<vmem>>
    %dma_start3A_376 = arith.constant 504 : i32
    %dma_start3A_377 = tpu.memref_slice %arg7[%dma_start3A_376] : memref<3200xi32, #tpu.memory_space<vmem>> -> memref<96xi32, #tpu.memory_space<vmem>>
    %dma_start3A_378 = arith.constant 0 : i32
    %dma_start3A_379 = arith.constant 0 : i32
    %dma_start3A_380 = tpu.memref_slice %arg10[%dma_start3A_378, %dma_start3A_379] : memref<256x128xf32, #tpu.memory_space<vmem_shared>> -> memref<256x128xf32, #tpu.memory_space<vmem_shared>>
    tpu.enqueue_indirect_dma source(%dma_start3A_375 : memref<96x128xf32, #tpu.memory_space<vmem>>) target(%dma_start3A_380 : memref<256x128xf32, #tpu.memory_space<vmem_shared>>) offsets(%dma_start3A_377 : memref<96xi32, #tpu.memory_space<vmem>>) semaphore(%arg18 : memref<!tpu.dma_semaphore, #tpu.memory_space<semaphore_mem>>) {add = true}
    %dma_start3A_381 = arith.constant 0 : i32
    %dma_start3A_382 = tpu.memref_slice %arg8[%dma_start3A_381] : memref<112xf32, #tpu.memory_space<vmem>> -> memref<96xf32, #tpu.memory_space<vmem>>
    %dma_start3A_383 = arith.constant 504 : i32
    %dma_start3A_384 = tpu.memref_slice %arg7[%dma_start3A_383] : memref<3200xi32, #tpu.memory_space<vmem>> -> memref<96xi32, #tpu.memory_space<vmem>>
    %dma_start3A_385 = arith.constant 0 : i32
    %dma_start3A_386 = tpu.memref_slice %arg11[%dma_start3A_385] : memref<256xf32, #tpu.memory_space<vmem_shared>> -> memref<256xf32, #tpu.memory_space<vmem_shared>>
    tpu.enqueue_indirect_dma source(%dma_start3A_382 : memref<96xf32, #tpu.memory_space<vmem>>) target(%dma_start3A_386 : memref<256xf32, #tpu.memory_space<vmem_shared>>) offsets(%dma_start3A_384 : memref<96xi32, #tpu.memory_space<vmem>>) semaphore(%arg20 : memref<!tpu.dma_semaphore, #tpu.memory_space<semaphore_mem>>) {add = true}
    %dma_wait3A_387 = arith.constant 2 : i32
    %dma_wait3A_388 = arith.constant 0 : i32
    %dma_wait3A_389 = arith.constant 0 : i32
    %dma_wait3A_390 = tpu.memref_slice %arg6[%dma_wait3A_387, %dma_wait3A_388, %dma_wait3A_389] : memref<4x200x128xf32, #tpu.memory_space<vmem>> -> memref<1x104x128xf32, #tpu.memory_space<vmem>>
    %dma_wait3A_391 = tpu.memref_squeeze %dma_wait3A_390 : memref<1x104x128xf32, #tpu.memory_space<vmem>> -> memref<104x128xf32, #tpu.memory_space<vmem>>
    %dma_wait3A_392 = arith.constant 400 : i32
    %dma_wait3A_393 = tpu.memref_slice %arg7[%dma_wait3A_392] : memref<3200xi32, #tpu.memory_space<vmem>> -> memref<104xi32, #tpu.memory_space<vmem>>
    %dma_wait3A_394 = arith.constant 0 : i32
    %dma_wait3A_395 = arith.constant 0 : i32
    %dma_wait3A_396 = tpu.memref_slice %arg10[%dma_wait3A_394, %dma_wait3A_395] : memref<256x128xf32, #tpu.memory_space<vmem_shared>> -> memref<256x128xf32, #tpu.memory_space<vmem_shared>>
    tpu.wait_indirect_dma semaphore(%arg18 : memref<!tpu.dma_semaphore, #tpu.memory_space<semaphore_mem>>) src(%dma_wait3A_391 : memref<104x128xf32, #tpu.memory_space<vmem>>) dst(%dma_wait3A_396 : memref<256x128xf32, #tpu.memory_space<vmem_shared>>)
    %dma_wait3A_397 = arith.constant 2 : i32
    %dma_wait3A_398 = arith.constant 104 : i32
    %dma_wait3A_399 = arith.constant 0 : i32
    %dma_wait3A_400 = tpu.memref_slice %arg6[%dma_wait3A_397, %dma_wait3A_398, %dma_wait3A_399] : memref<4x200x128xf32, #tpu.memory_space<vmem>> -> memref<1x96x128xf32, #tpu.memory_space<vmem>>
    %dma_wait3A_401 = tpu.memref_squeeze %dma_wait3A_400 : memref<1x96x128xf32, #tpu.memory_space<vmem>> -> memref<96x128xf32, #tpu.memory_space<vmem>>
    %dma_wait3A_402 = arith.constant 504 : i32
    %dma_wait3A_403 = tpu.memref_slice %arg7[%dma_wait3A_402] : memref<3200xi32, #tpu.memory_space<vmem>> -> memref<96xi32, #tpu.memory_space<vmem>>
    %dma_wait3A_404 = arith.constant 0 : i32
    %dma_wait3A_405 = arith.constant 0 : i32
    %dma_wait3A_406 = tpu.memref_slice %arg10[%dma_wait3A_404, %dma_wait3A_405] : memref<256x128xf32, #tpu.memory_space<vmem_shared>> -> memref<256x128xf32, #tpu.memory_space<vmem_shared>>
    tpu.wait_indirect_dma semaphore(%arg18 : memref<!tpu.dma_semaphore, #tpu.memory_space<semaphore_mem>>) src(%dma_wait3A_401 : memref<96x128xf32, #tpu.memory_space<vmem>>) dst(%dma_wait3A_406 : memref<256x128xf32, #tpu.memory_space<vmem_shared>>)
    %add3A_407 = arith.constant 192 : i32
    %add3A_408 = arith.addi %add3A_407, %add3A : i32
    %mul3A_409 = arith.constant 200 : i32
    %mul3A_410 = arith.muli %add3A_408, %mul3A_409 : i32
    %dma_start3A_411 = arith.constant 2 : i32
    %dma_start3A_412 = arith.constant 0 : i32
    %dma_start3A_413 = arith.constant 0 : i32
    %dma_start3A_414 = tpu.memref_slice %arg6[%dma_start3A_411, %dma_start3A_412, %dma_start3A_413] : memref<4x200x128xf32, #tpu.memory_space<vmem>> -> memref<1x200x128xf32, #tpu.memory_space<vmem>>
    %dma_start3A_415 = tpu.memref_squeeze %dma_start3A_414 : memref<1x200x128xf32, #tpu.memory_space<vmem>> -> memref<200x128xf32, #tpu.memory_space<vmem>>
    %dma_start3A_416 = arith.constant 0 : i32
    %dma_start3A_417 = tpu.memref_slice %arg2[%mul3A_410, %dma_start3A_416] : memref<100000x128xf32, #tpu.memory_space<hbm>> -> memref<200x128xf32, #tpu.memory_space<hbm>>
    %dma_start3A_418 = arith.constant 0 : i32
    %dma_start3A_419 = arith.constant 0 : i32
    %dma_start3A_420 = tpu.memref_slice %arg6[%dma_start3A_411, %dma_start3A_418, %dma_start3A_419] : memref<4x200x128xf32, #tpu.memory_space<vmem>> -> memref<1x200x128xf32, #tpu.memory_space<vmem>>
    %dma_start3A_421 = tpu.memref_squeeze %dma_start3A_420 : memref<1x200x128xf32, #tpu.memory_space<vmem>> -> memref<200x128xf32, #tpu.memory_space<vmem>>
    %dma_start3A_422 = arith.constant 0 : i32
    %dma_start3A_423 = tpu.memref_slice %arg2[%mul3A_410, %dma_start3A_422] : memref<100000x128xf32, #tpu.memory_space<hbm>> -> memref<200x128xf32, #tpu.memory_space<hbm>>
    tpu.enqueue_dma source(%dma_start3A_423 : memref<200x128xf32, #tpu.memory_space<hbm>>) target(%dma_start3A_421 : memref<200x128xf32, #tpu.memory_space<vmem>>) target_semaphore(%arg14 : memref<!tpu.dma_semaphore, #tpu.memory_space<semaphore_mem>>)
    %dma_start3A_424 = arith.constant 1200 : i32
    %dma_start3A_425 = tpu.memref_slice %arg7[%dma_start3A_424] : memref<3200xi32, #tpu.memory_space<vmem>> -> memref<200xi32, #tpu.memory_space<vmem>>
    %dma_start3A_426 = tpu.memref_slice %arg3[%mul3A_410] : memref<100000xi32, #tpu.memory_space<hbm>> -> memref<200xi32, #tpu.memory_space<hbm>>
    %dma_start3A_427 = arith.constant 1200 : i32
    %dma_start3A_428 = tpu.memref_slice %arg7[%dma_start3A_427] : memref<3200xi32, #tpu.memory_space<vmem>> -> memref<200xi32, #tpu.memory_space<vmem>>
    %dma_start3A_429 = tpu.memref_slice %arg3[%mul3A_410] : memref<100000xi32, #tpu.memory_space<hbm>> -> memref<200xi32, #tpu.memory_space<hbm>>
    tpu.enqueue_dma source(%dma_start3A_429 : memref<200xi32, #tpu.memory_space<hbm>>) target(%dma_start3A_428 : memref<200xi32, #tpu.memory_space<vmem>>) target_semaphore(%arg14 : memref<!tpu.dma_semaphore, #tpu.memory_space<semaphore_mem>>)
    %dma_wait3A_430 = arith.constant 0 : i32
    %dma_wait3A_431 = tpu.memref_slice %arg8[%dma_wait3A_430] : memref<112xf32, #tpu.memory_space<vmem>> -> memref<104xf32, #tpu.memory_space<vmem>>
    %dma_wait3A_432 = arith.constant 200 : i32
    %dma_wait3A_433 = tpu.memref_slice %arg7[%dma_wait3A_432] : memref<3200xi32, #tpu.memory_space<vmem>> -> memref<104xi32, #tpu.memory_space<vmem>>
    %dma_wait3A_434 = arith.constant 0 : i32
    %dma_wait3A_435 = tpu.memref_slice %arg11[%dma_wait3A_434] : memref<256xf32, #tpu.memory_space<vmem_shared>> -> memref<256xf32, #tpu.memory_space<vmem_shared>>
    tpu.wait_indirect_dma semaphore(%arg20 : memref<!tpu.dma_semaphore, #tpu.memory_space<semaphore_mem>>) src(%dma_wait3A_431 : memref<104xf32, #tpu.memory_space<vmem>>) dst(%dma_wait3A_435 : memref<256xf32, #tpu.memory_space<vmem_shared>>)
    %dma_wait3A_436 = arith.constant 0 : i32
    %dma_wait3A_437 = tpu.memref_slice %arg8[%dma_wait3A_436] : memref<112xf32, #tpu.memory_space<vmem>> -> memref<96xf32, #tpu.memory_space<vmem>>
    %dma_wait3A_438 = arith.constant 304 : i32
    %dma_wait3A_439 = tpu.memref_slice %arg7[%dma_wait3A_438] : memref<3200xi32, #tpu.memory_space<vmem>> -> memref<96xi32, #tpu.memory_space<vmem>>
    %dma_wait3A_440 = arith.constant 0 : i32
    %dma_wait3A_441 = tpu.memref_slice %arg11[%dma_wait3A_440] : memref<256xf32, #tpu.memory_space<vmem_shared>> -> memref<256xf32, #tpu.memory_space<vmem_shared>>
    tpu.wait_indirect_dma semaphore(%arg20 : memref<!tpu.dma_semaphore, #tpu.memory_space<semaphore_mem>>) src(%dma_wait3A_437 : memref<96xf32, #tpu.memory_space<vmem>>) dst(%dma_wait3A_441 : memref<256xf32, #tpu.memory_space<vmem_shared>>)
    %dma_wait3A_442 = arith.constant 3 : i32
    %dma_wait3A_443 = arith.constant 0 : i32
    %dma_wait3A_444 = arith.constant 0 : i32
    %dma_wait3A_445 = tpu.memref_slice %arg6[%dma_wait3A_442, %dma_wait3A_443, %dma_wait3A_444] : memref<4x200x128xf32, #tpu.memory_space<vmem>> -> memref<1x200x128xf32, #tpu.memory_space<vmem>>
    %dma_wait3A_446 = tpu.memref_squeeze %dma_wait3A_445 : memref<1x200x128xf32, #tpu.memory_space<vmem>> -> memref<200x128xf32, #tpu.memory_space<vmem>>
    %dma_wait3A_447 = arith.constant 0 : i32
    %dma_wait3A_448 = tpu.memref_slice %arg2[%mul3A_117, %dma_wait3A_447] : memref<100000x128xf32, #tpu.memory_space<hbm>> -> memref<200x128xf32, #tpu.memory_space<hbm>>
    %dma_wait3A_449 = arith.constant 0 : i32
    %dma_wait3A_450 = arith.constant 0 : i32
    %dma_wait3A_451 = tpu.memref_slice %arg6[%dma_wait3A_442, %dma_wait3A_449, %dma_wait3A_450] : memref<4x200x128xf32, #tpu.memory_space<vmem>> -> memref<1x200x128xf32, #tpu.memory_space<vmem>>
    %dma_wait3A_452 = tpu.memref_squeeze %dma_wait3A_451 : memref<1x200x128xf32, #tpu.memory_space<vmem>> -> memref<200x128xf32, #tpu.memory_space<vmem>>
    %dma_wait3A_453 = arith.constant 0 : i32
    %dma_wait3A_454 = tpu.memref_slice %arg2[%mul3A_117, %dma_wait3A_453] : memref<100000x128xf32, #tpu.memory_space<hbm>> -> memref<200x128xf32, #tpu.memory_space<hbm>>
    tpu.wait_dma2 semaphore(%arg15 : memref<!tpu.dma_semaphore, #tpu.memory_space<semaphore_mem>>) src(%dma_wait3A_454 : memref<200x128xf32, #tpu.memory_space<hbm>>) dst(%dma_wait3A_452 : memref<200x128xf32, #tpu.memory_space<vmem>>)
    %dma_wait3A_455 = arith.constant 600 : i32
    %dma_wait3A_456 = tpu.memref_slice %arg7[%dma_wait3A_455] : memref<3200xi32, #tpu.memory_space<vmem>> -> memref<200xi32, #tpu.memory_space<vmem>>
    %dma_wait3A_457 = tpu.memref_slice %arg3[%mul3A_117] : memref<100000xi32, #tpu.memory_space<hbm>> -> memref<200xi32, #tpu.memory_space<hbm>>
    %dma_wait3A_458 = arith.constant 600 : i32
    %dma_wait3A_459 = tpu.memref_slice %arg7[%dma_wait3A_458] : memref<3200xi32, #tpu.memory_space<vmem>> -> memref<200xi32, #tpu.memory_space<vmem>>
    %dma_wait3A_460 = tpu.memref_slice %arg3[%mul3A_117] : memref<100000xi32, #tpu.memory_space<hbm>> -> memref<200xi32, #tpu.memory_space<hbm>>
    tpu.wait_dma2 semaphore(%arg15 : memref<!tpu.dma_semaphore, #tpu.memory_space<semaphore_mem>>) src(%dma_wait3A_460 : memref<200xi32, #tpu.memory_space<hbm>>) dst(%dma_wait3A_459 : memref<200xi32, #tpu.memory_space<vmem>>)
    %dma_start3A_461 = arith.constant 3 : i32
    %dma_start3A_462 = arith.constant 0 : i32
    %dma_start3A_463 = arith.constant 0 : i32
    %dma_start3A_464 = tpu.memref_slice %arg6[%dma_start3A_461, %dma_start3A_462, %dma_start3A_463] : memref<4x200x128xf32, #tpu.memory_space<vmem>> -> memref<1x104x128xf32, #tpu.memory_space<vmem>>
    %dma_start3A_465 = tpu.memref_squeeze %dma_start3A_464 : memref<1x104x128xf32, #tpu.memory_space<vmem>> -> memref<104x128xf32, #tpu.memory_space<vmem>>
    %dma_start3A_466 = arith.constant 600 : i32
    %dma_start3A_467 = tpu.memref_slice %arg7[%dma_start3A_466] : memref<3200xi32, #tpu.memory_space<vmem>> -> memref<104xi32, #tpu.memory_space<vmem>>
    %dma_start3A_468 = arith.constant 0 : i32
    %dma_start3A_469 = arith.constant 0 : i32
    %dma_start3A_470 = tpu.memref_slice %arg10[%dma_start3A_468, %dma_start3A_469] : memref<256x128xf32, #tpu.memory_space<vmem_shared>> -> memref<256x128xf32, #tpu.memory_space<vmem_shared>>
    tpu.enqueue_indirect_dma source(%dma_start3A_465 : memref<104x128xf32, #tpu.memory_space<vmem>>) target(%dma_start3A_470 : memref<256x128xf32, #tpu.memory_space<vmem_shared>>) offsets(%dma_start3A_467 : memref<104xi32, #tpu.memory_space<vmem>>) semaphore(%arg19 : memref<!tpu.dma_semaphore, #tpu.memory_space<semaphore_mem>>) {add = true}
    %dma_start3A_471 = arith.constant 0 : i32
    %dma_start3A_472 = tpu.memref_slice %arg8[%dma_start3A_471] : memref<112xf32, #tpu.memory_space<vmem>> -> memref<104xf32, #tpu.memory_space<vmem>>
    %dma_start3A_473 = arith.constant 600 : i32
    %dma_start3A_474 = tpu.memref_slice %arg7[%dma_start3A_473] : memref<3200xi32, #tpu.memory_space<vmem>> -> memref<104xi32, #tpu.memory_space<vmem>>
    %dma_start3A_475 = arith.constant 0 : i32
    %dma_start3A_476 = tpu.memref_slice %arg11[%dma_start3A_475] : memref<256xf32, #tpu.memory_space<vmem_shared>> -> memref<256xf32, #tpu.memory_space<vmem_shared>>
    tpu.enqueue_indirect_dma source(%dma_start3A_472 : memref<104xf32, #tpu.memory_space<vmem>>) target(%dma_start3A_476 : memref<256xf32, #tpu.memory_space<vmem_shared>>) offsets(%dma_start3A_474 : memref<104xi32, #tpu.memory_space<vmem>>) semaphore(%arg20 : memref<!tpu.dma_semaphore, #tpu.memory_space<semaphore_mem>>) {add = true}
    %dma_start3A_477 = arith.constant 3 : i32
    %dma_start3A_478 = arith.constant 104 : i32
    %dma_start3A_479 = arith.constant 0 : i32
    %dma_start3A_480 = tpu.memref_slice %arg6[%dma_start3A_477, %dma_start3A_478, %dma_start3A_479] : memref<4x200x128xf32, #tpu.memory_space<vmem>> -> memref<1x96x128xf32, #tpu.memory_space<vmem>>
    %dma_start3A_481 = tpu.memref_squeeze %dma_start3A_480 : memref<1x96x128xf32, #tpu.memory_space<vmem>> -> memref<96x128xf32, #tpu.memory_space<vmem>>
    %dma_start3A_482 = arith.constant 704 : i32
    %dma_start3A_483 = tpu.memref_slice %arg7[%dma_start3A_482] : memref<3200xi32, #tpu.memory_space<vmem>> -> memref<96xi32, #tpu.memory_space<vmem>>
    %dma_start3A_484 = arith.constant 0 : i32
    %dma_start3A_485 = arith.constant 0 : i32
    %dma_start3A_486 = tpu.memref_slice %arg10[%dma_start3A_484, %dma_start3A_485] : memref<256x128xf32, #tpu.memory_space<vmem_shared>> -> memref<256x128xf32, #tpu.memory_space<vmem_shared>>
    tpu.enqueue_indirect_dma source(%dma_start3A_481 : memref<96x128xf32, #tpu.memory_space<vmem>>) target(%dma_start3A_486 : memref<256x128xf32, #tpu.memory_space<vmem_shared>>) offsets(%dma_start3A_483 : memref<96xi32, #tpu.memory_space<vmem>>) semaphore(%arg19 : memref<!tpu.dma_semaphore, #tpu.memory_space<semaphore_mem>>) {add = true}
    %dma_start3A_487 = arith.constant 0 : i32
    %dma_start3A_488 = tpu.memref_slice %arg8[%dma_start3A_487] : memref<112xf32, #tpu.memory_space<vmem>> -> memref<96xf32, #tpu.memory_space<vmem>>
    %dma_start3A_489 = arith.constant 704 : i32
    %dma_start3A_490 = tpu.memref_slice %arg7[%dma_start3A_489] : memref<3200xi32, #tpu.memory_space<vmem>> -> memref<96xi32, #tpu.memory_space<vmem>>
    %dma_start3A_491 = arith.constant 0 : i32
    %dma_start3A_492 = tpu.memref_slice %arg11[%dma_start3A_491] : memref<256xf32, #tpu.memory_space<vmem_shared>> -> memref<256xf32, #tpu.memory_space<vmem_shared>>
    tpu.enqueue_indirect_dma source(%dma_start3A_488 : memref<96xf32, #tpu.memory_space<vmem>>) target(%dma_start3A_492 : memref<256xf32, #tpu.memory_space<vmem_shared>>) offsets(%dma_start3A_490 : memref<96xi32, #tpu.memory_space<vmem>>) semaphore(%arg20 : memref<!tpu.dma_semaphore, #tpu.memory_space<semaphore_mem>>) {add = true}
    %dma_wait3A_493 = arith.constant 3 : i32
    %dma_wait3A_494 = arith.constant 0 : i32
    %dma_wait3A_495 = arith.constant 0 : i32
    %dma_wait3A_496 = tpu.memref_slice %arg6[%dma_wait3A_493, %dma_wait3A_494, %dma_wait3A_495] : memref<4x200x128xf32, #tpu.memory_space<vmem>> -> memref<1x104x128xf32, #tpu.memory_space<vmem>>
    %dma_wait3A_497 = tpu.memref_squeeze %dma_wait3A_496 : memref<1x104x128xf32, #tpu.memory_space<vmem>> -> memref<104x128xf32, #tpu.memory_space<vmem>>
    %dma_wait3A_498 = arith.constant 600 : i32
    %dma_wait3A_499 = tpu.memref_slice %arg7[%dma_wait3A_498] : memref<3200xi32, #tpu.memory_space<vmem>> -> memref<104xi32, #tpu.memory_space<vmem>>
    %dma_wait3A_500 = arith.constant 0 : i32
    %dma_wait3A_501 = arith.constant 0 : i32
    %dma_wait3A_502 = tpu.memref_slice %arg10[%dma_wait3A_500, %dma_wait3A_501] : memref<256x128xf32, #tpu.memory_space<vmem_shared>> -> memref<256x128xf32, #tpu.memory_space<vmem_shared>>
    tpu.wait_indirect_dma semaphore(%arg19 : memref<!tpu.dma_semaphore, #tpu.memory_space<semaphore_mem>>) src(%dma_wait3A_497 : memref<104x128xf32, #tpu.memory_space<vmem>>) dst(%dma_wait3A_502 : memref<256x128xf32, #tpu.memory_space<vmem_shared>>)
    %dma_wait3A_503 = arith.constant 3 : i32
    %dma_wait3A_504 = arith.constant 104 : i32
    %dma_wait3A_505 = arith.constant 0 : i32
    %dma_wait3A_506 = tpu.memref_slice %arg6[%dma_wait3A_503, %dma_wait3A_504, %dma_wait3A_505] : memref<4x200x128xf32, #tpu.memory_space<vmem>> -> memref<1x96x128xf32, #tpu.memory_space<vmem>>
    %dma_wait3A_507 = tpu.memref_squeeze %dma_wait3A_506 : memref<1x96x128xf32, #tpu.memory_space<vmem>> -> memref<96x128xf32, #tpu.memory_space<vmem>>
    %dma_wait3A_508 = arith.constant 704 : i32
    %dma_wait3A_509 = tpu.memref_slice %arg7[%dma_wait3A_508] : memref<3200xi32, #tpu.memory_space<vmem>> -> memref<96xi32, #tpu.memory_space<vmem>>
    %dma_wait3A_510 = arith.constant 0 : i32
    %dma_wait3A_511 = arith.constant 0 : i32
    %dma_wait3A_512 = tpu.memref_slice %arg10[%dma_wait3A_510, %dma_wait3A_511] : memref<256x128xf32, #tpu.memory_space<vmem_shared>> -> memref<256x128xf32, #tpu.memory_space<vmem_shared>>
    tpu.wait_indirect_dma semaphore(%arg19 : memref<!tpu.dma_semaphore, #tpu.memory_space<semaphore_mem>>) src(%dma_wait3A_507 : memref<96x128xf32, #tpu.memory_space<vmem>>) dst(%dma_wait3A_512 : memref<256x128xf32, #tpu.memory_space<vmem_shared>>)
    %add3A_513 = arith.constant 224 : i32
    %add3A_514 = arith.addi %add3A_513, %add3A : i32
    %mul3A_515 = arith.constant 200 : i32
    %mul3A_516 = arith.muli %add3A_514, %mul3A_515 : i32
    %dma_start3A_517 = arith.constant 3 : i32
    %dma_start3A_518 = arith.constant 0 : i32
    %dma_start3A_519 = arith.constant 0 : i32
    %dma_start3A_520 = tpu.memref_slice %arg6[%dma_start3A_517, %dma_start3A_518, %dma_start3A_519] : memref<4x200x128xf32, #tpu.memory_space<vmem>> -> memref<1x200x128xf32, #tpu.memory_space<vmem>>
    %dma_start3A_521 = tpu.memref_squeeze %dma_start3A_520 : memref<1x200x128xf32, #tpu.memory_space<vmem>> -> memref<200x128xf32, #tpu.memory_space<vmem>>
    %dma_start3A_522 = arith.constant 0 : i32
    %dma_start3A_523 = tpu.memref_slice %arg2[%mul3A_516, %dma_start3A_522] : memref<100000x128xf32, #tpu.memory_space<hbm>> -> memref<200x128xf32, #tpu.memory_space<hbm>>
    %dma_start3A_524 = arith.constant 0 : i32
    %dma_start3A_525 = arith.constant 0 : i32
    %dma_start3A_526 = tpu.memref_slice %arg6[%dma_start3A_517, %dma_start3A_524, %dma_start3A_525] : memref<4x200x128xf32, #tpu.memory_space<vmem>> -> memref<1x200x128xf32, #tpu.memory_space<vmem>>
    %dma_start3A_527 = tpu.memref_squeeze %dma_start3A_526 : memref<1x200x128xf32, #tpu.memory_space<vmem>> -> memref<200x128xf32, #tpu.memory_space<vmem>>
    %dma_start3A_528 = arith.constant 0 : i32
    %dma_start3A_529 = tpu.memref_slice %arg2[%mul3A_516, %dma_start3A_528] : memref<100000x128xf32, #tpu.memory_space<hbm>> -> memref<200x128xf32, #tpu.memory_space<hbm>>
    tpu.enqueue_dma source(%dma_start3A_529 : memref<200x128xf32, #tpu.memory_space<hbm>>) target(%dma_start3A_527 : memref<200x128xf32, #tpu.memory_space<vmem>>) target_semaphore(%arg15 : memref<!tpu.dma_semaphore, #tpu.memory_space<semaphore_mem>>)
    %dma_start3A_530 = arith.constant 1400 : i32
    %dma_start3A_531 = tpu.memref_slice %arg7[%dma_start3A_530] : memref<3200xi32, #tpu.memory_space<vmem>> -> memref<200xi32, #tpu.memory_space<vmem>>
    %dma_start3A_532 = tpu.memref_slice %arg3[%mul3A_516] : memref<100000xi32, #tpu.memory_space<hbm>> -> memref<200xi32, #tpu.memory_space<hbm>>
    %dma_start3A_533 = arith.constant 1400 : i32
    %dma_start3A_534 = tpu.memref_slice %arg7[%dma_start3A_533] : memref<3200xi32, #tpu.memory_space<vmem>> -> memref<200xi32, #tpu.memory_space<vmem>>
    %dma_start3A_535 = tpu.memref_slice %arg3[%mul3A_516] : memref<100000xi32, #tpu.memory_space<hbm>> -> memref<200xi32, #tpu.memory_space<hbm>>
    tpu.enqueue_dma source(%dma_start3A_535 : memref<200xi32, #tpu.memory_space<hbm>>) target(%dma_start3A_534 : memref<200xi32, #tpu.memory_space<vmem>>) target_semaphore(%arg15 : memref<!tpu.dma_semaphore, #tpu.memory_space<semaphore_mem>>)
    %dma_wait3A_536 = arith.constant 0 : i32
    %dma_wait3A_537 = tpu.memref_slice %arg8[%dma_wait3A_536] : memref<112xf32, #tpu.memory_space<vmem>> -> memref<104xf32, #tpu.memory_space<vmem>>
    %dma_wait3A_538 = arith.constant 400 : i32
    %dma_wait3A_539 = tpu.memref_slice %arg7[%dma_wait3A_538] : memref<3200xi32, #tpu.memory_space<vmem>> -> memref<104xi32, #tpu.memory_space<vmem>>
    %dma_wait3A_540 = arith.constant 0 : i32
    %dma_wait3A_541 = tpu.memref_slice %arg11[%dma_wait3A_540] : memref<256xf32, #tpu.memory_space<vmem_shared>> -> memref<256xf32, #tpu.memory_space<vmem_shared>>
    tpu.wait_indirect_dma semaphore(%arg20 : memref<!tpu.dma_semaphore, #tpu.memory_space<semaphore_mem>>) src(%dma_wait3A_537 : memref<104xf32, #tpu.memory_space<vmem>>) dst(%dma_wait3A_541 : memref<256xf32, #tpu.memory_space<vmem_shared>>)
    %dma_wait3A_542 = arith.constant 0 : i32
    %dma_wait3A_543 = tpu.memref_slice %arg8[%dma_wait3A_542] : memref<112xf32, #tpu.memory_space<vmem>> -> memref<96xf32, #tpu.memory_space<vmem>>
    %dma_wait3A_544 = arith.constant 504 : i32
    %dma_wait3A_545 = tpu.memref_slice %arg7[%dma_wait3A_544] : memref<3200xi32, #tpu.memory_space<vmem>> -> memref<96xi32, #tpu.memory_space<vmem>>
    %dma_wait3A_546 = arith.constant 0 : i32
    %dma_wait3A_547 = tpu.memref_slice %arg11[%dma_wait3A_546] : memref<256xf32, #tpu.memory_space<vmem_shared>> -> memref<256xf32, #tpu.memory_space<vmem_shared>>
    tpu.wait_indirect_dma semaphore(%arg20 : memref<!tpu.dma_semaphore, #tpu.memory_space<semaphore_mem>>) src(%dma_wait3A_543 : memref<96xf32, #tpu.memory_space<vmem>>) dst(%dma_wait3A_547 : memref<256xf32, #tpu.memory_space<vmem_shared>>)
    %dma_wait3A_548 = arith.constant 0 : i32
    %dma_wait3A_549 = arith.constant 0 : i32
    %dma_wait3A_550 = arith.constant 0 : i32
    %dma_wait3A_551 = tpu.memref_slice %arg6[%dma_wait3A_548, %dma_wait3A_549, %dma_wait3A_550] : memref<4x200x128xf32, #tpu.memory_space<vmem>> -> memref<1x200x128xf32, #tpu.memory_space<vmem>>
    %dma_wait3A_552 = tpu.memref_squeeze %dma_wait3A_551 : memref<1x200x128xf32, #tpu.memory_space<vmem>> -> memref<200x128xf32, #tpu.memory_space<vmem>>
    %dma_wait3A_553 = arith.constant 0 : i32
    %dma_wait3A_554 = tpu.memref_slice %arg2[%mul3A_210, %dma_wait3A_553] : memref<100000x128xf32, #tpu.memory_space<hbm>> -> memref<200x128xf32, #tpu.memory_space<hbm>>
    %dma_wait3A_555 = arith.constant 0 : i32
    %dma_wait3A_556 = arith.constant 0 : i32
    %dma_wait3A_557 = tpu.memref_slice %arg6[%dma_wait3A_548, %dma_wait3A_555, %dma_wait3A_556] : memref<4x200x128xf32, #tpu.memory_space<vmem>> -> memref<1x200x128xf32, #tpu.memory_space<vmem>>
    %dma_wait3A_558 = tpu.memref_squeeze %dma_wait3A_557 : memref<1x200x128xf32, #tpu.memory_space<vmem>> -> memref<200x128xf32, #tpu.memory_space<vmem>>
    %dma_wait3A_559 = arith.constant 0 : i32
    %dma_wait3A_560 = tpu.memref_slice %arg2[%mul3A_210, %dma_wait3A_559] : memref<100000x128xf32, #tpu.memory_space<hbm>> -> memref<200x128xf32, #tpu.memory_space<hbm>>
    tpu.wait_dma2 semaphore(%arg12 : memref<!tpu.dma_semaphore, #tpu.memory_space<semaphore_mem>>) src(%dma_wait3A_560 : memref<200x128xf32, #tpu.memory_space<hbm>>) dst(%dma_wait3A_558 : memref<200x128xf32, #tpu.memory_space<vmem>>)
    %dma_wait3A_561 = arith.constant 800 : i32
    %dma_wait3A_562 = tpu.memref_slice %arg7[%dma_wait3A_561] : memref<3200xi32, #tpu.memory_space<vmem>> -> memref<200xi32, #tpu.memory_space<vmem>>
    %dma_wait3A_563 = tpu.memref_slice %arg3[%mul3A_210] : memref<100000xi32, #tpu.memory_space<hbm>> -> memref<200xi32, #tpu.memory_space<hbm>>
    %dma_wait3A_564 = arith.constant 800 : i32
    %dma_wait3A_565 = tpu.memref_slice %arg7[%dma_wait3A_564] : memref<3200xi32, #tpu.memory_space<vmem>> -> memref<200xi32, #tpu.memory_space<vmem>>
    %dma_wait3A_566 = tpu.memref_slice %arg3[%mul3A_210] : memref<100000xi32, #tpu.memory_space<hbm>> -> memref<200xi32, #tpu.memory_space<hbm>>
    tpu.wait_dma2 semaphore(%arg12 : memref<!tpu.dma_semaphore, #tpu.memory_space<semaphore_mem>>) src(%dma_wait3A_566 : memref<200xi32, #tpu.memory_space<hbm>>) dst(%dma_wait3A_565 : memref<200xi32, #tpu.memory_space<vmem>>)
    %dma_start3A_567 = arith.constant 0 : i32
    %dma_start3A_568 = arith.constant 0 : i32
    %dma_start3A_569 = arith.constant 0 : i32
    %dma_start3A_570 = tpu.memref_slice %arg6[%dma_start3A_567, %dma_start3A_568, %dma_start3A_569] : memref<4x200x128xf32, #tpu.memory_space<vmem>> -> memref<1x104x128xf32, #tpu.memory_space<vmem>>
    %dma_start3A_571 = tpu.memref_squeeze %dma_start3A_570 : memref<1x104x128xf32, #tpu.memory_space<vmem>> -> memref<104x128xf32, #tpu.memory_space<vmem>>
    %dma_start3A_572 = arith.constant 800 : i32
    %dma_start3A_573 = tpu.memref_slice %arg7[%dma_start3A_572] : memref<3200xi32, #tpu.memory_space<vmem>> -> memref<104xi32, #tpu.memory_space<vmem>>
    %dma_start3A_574 = arith.constant 0 : i32
    %dma_start3A_575 = arith.constant 0 : i32
    %dma_start3A_576 = tpu.memref_slice %arg10[%dma_start3A_574, %dma_start3A_575] : memref<256x128xf32, #tpu.memory_space<vmem_shared>> -> memref<256x128xf32, #tpu.memory_space<vmem_shared>>
    tpu.enqueue_indirect_dma source(%dma_start3A_571 : memref<104x128xf32, #tpu.memory_space<vmem>>) target(%dma_start3A_576 : memref<256x128xf32, #tpu.memory_space<vmem_shared>>) offsets(%dma_start3A_573 : memref<104xi32, #tpu.memory_space<vmem>>) semaphore(%arg16 : memref<!tpu.dma_semaphore, #tpu.memory_space<semaphore_mem>>) {add = true}
    %dma_start3A_577 = arith.constant 0 : i32
    %dma_start3A_578 = tpu.memref_slice %arg8[%dma_start3A_577] : memref<112xf32, #tpu.memory_space<vmem>> -> memref<104xf32, #tpu.memory_space<vmem>>
    %dma_start3A_579 = arith.constant 800 : i32
    %dma_start3A_580 = tpu.memref_slice %arg7[%dma_start3A_579] : memref<3200xi32, #tpu.memory_space<vmem>> -> memref<104xi32, #tpu.memory_space<vmem>>
    %dma_start3A_581 = arith.constant 0 : i32
    %dma_start3A_582 = tpu.memref_slice %arg11[%dma_start3A_581] : memref<256xf32, #tpu.memory_space<vmem_shared>> -> memref<256xf32, #tpu.memory_space<vmem_shared>>
    tpu.enqueue_indirect_dma source(%dma_start3A_578 : memref<104xf32, #tpu.memory_space<vmem>>) target(%dma_start3A_582 : memref<256xf32, #tpu.memory_space<vmem_shared>>) offsets(%dma_start3A_580 : memref<104xi32, #tpu.memory_space<vmem>>) semaphore(%arg20 : memref<!tpu.dma_semaphore, #tpu.memory_space<semaphore_mem>>) {add = true}
    %dma_start3A_583 = arith.constant 0 : i32
    %dma_start3A_584 = arith.constant 104 : i32
    %dma_start3A_585 = arith.constant 0 : i32
    %dma_start3A_586 = tpu.memref_slice %arg6[%dma_start3A_583, %dma_start3A_584, %dma_start3A_585] : memref<4x200x128xf32, #tpu.memory_space<vmem>> -> memref<1x96x128xf32, #tpu.memory_space<vmem>>
    %dma_start3A_587 = tpu.memref_squeeze %dma_start3A_586 : memref<1x96x128xf32, #tpu.memory_space<vmem>> -> memref<96x128xf32, #tpu.memory_space<vmem>>
    %dma_start3A_588 = arith.constant 904 : i32
    %dma_start3A_589 = tpu.memref_slice %arg7[%dma_start3A_588] : memref<3200xi32, #tpu.memory_space<vmem>> -> memref<96xi32, #tpu.memory_space<vmem>>
    %dma_start3A_590 = arith.constant 0 : i32
    %dma_start3A_591 = arith.constant 0 : i32
    %dma_start3A_592 = tpu.memref_slice %arg10[%dma_start3A_590, %dma_start3A_591] : memref<256x128xf32, #tpu.memory_space<vmem_shared>> -> memref<256x128xf32, #tpu.memory_space<vmem_shared>>
    tpu.enqueue_indirect_dma source(%dma_start3A_587 : memref<96x128xf32, #tpu.memory_space<vmem>>) target(%dma_start3A_592 : memref<256x128xf32, #tpu.memory_space<vmem_shared>>) offsets(%dma_start3A_589 : memref<96xi32, #tpu.memory_space<vmem>>) semaphore(%arg16 : memref<!tpu.dma_semaphore, #tpu.memory_space<semaphore_mem>>) {add = true}
    %dma_start3A_593 = arith.constant 0 : i32
    %dma_start3A_594 = tpu.memref_slice %arg8[%dma_start3A_593] : memref<112xf32, #tpu.memory_space<vmem>> -> memref<96xf32, #tpu.memory_space<vmem>>
    %dma_start3A_595 = arith.constant 904 : i32
    %dma_start3A_596 = tpu.memref_slice %arg7[%dma_start3A_595] : memref<3200xi32, #tpu.memory_space<vmem>> -> memref<96xi32, #tpu.memory_space<vmem>>
    %dma_start3A_597 = arith.constant 0 : i32
    %dma_start3A_598 = tpu.memref_slice %arg11[%dma_start3A_597] : memref<256xf32, #tpu.memory_space<vmem_shared>> -> memref<256xf32, #tpu.memory_space<vmem_shared>>
    tpu.enqueue_indirect_dma source(%dma_start3A_594 : memref<96xf32, #tpu.memory_space<vmem>>) target(%dma_start3A_598 : memref<256xf32, #tpu.memory_space<vmem_shared>>) offsets(%dma_start3A_596 : memref<96xi32, #tpu.memory_space<vmem>>) semaphore(%arg20 : memref<!tpu.dma_semaphore, #tpu.memory_space<semaphore_mem>>) {add = true}
    %dma_wait3A_599 = arith.constant 0 : i32
    %dma_wait3A_600 = arith.constant 0 : i32
    %dma_wait3A_601 = arith.constant 0 : i32
    %dma_wait3A_602 = tpu.memref_slice %arg6[%dma_wait3A_599, %dma_wait3A_600, %dma_wait3A_601] : memref<4x200x128xf32, #tpu.memory_space<vmem>> -> memref<1x104x128xf32, #tpu.memory_space<vmem>>
    %dma_wait3A_603 = tpu.memref_squeeze %dma_wait3A_602 : memref<1x104x128xf32, #tpu.memory_space<vmem>> -> memref<104x128xf32, #tpu.memory_space<vmem>>
    %dma_wait3A_604 = arith.constant 800 : i32
    %dma_wait3A_605 = tpu.memref_slice %arg7[%dma_wait3A_604] : memref<3200xi32, #tpu.memory_space<vmem>> -> memref<104xi32, #tpu.memory_space<vmem>>
    %dma_wait3A_606 = arith.constant 0 : i32
    %dma_wait3A_607 = arith.constant 0 : i32
    %dma_wait3A_608 = tpu.memref_slice %arg10[%dma_wait3A_606, %dma_wait3A_607] : memref<256x128xf32, #tpu.memory_space<vmem_shared>> -> memref<256x128xf32, #tpu.memory_space<vmem_shared>>
    tpu.wait_indirect_dma semaphore(%arg16 : memref<!tpu.dma_semaphore, #tpu.memory_space<semaphore_mem>>) src(%dma_wait3A_603 : memref<104x128xf32, #tpu.memory_space<vmem>>) dst(%dma_wait3A_608 : memref<256x128xf32, #tpu.memory_space<vmem_shared>>)
    %dma_wait3A_609 = arith.constant 0 : i32
    %dma_wait3A_610 = arith.constant 104 : i32
    %dma_wait3A_611 = arith.constant 0 : i32
    %dma_wait3A_612 = tpu.memref_slice %arg6[%dma_wait3A_609, %dma_wait3A_610, %dma_wait3A_611] : memref<4x200x128xf32, #tpu.memory_space<vmem>> -> memref<1x96x128xf32, #tpu.memory_space<vmem>>
    %dma_wait3A_613 = tpu.memref_squeeze %dma_wait3A_612 : memref<1x96x128xf32, #tpu.memory_space<vmem>> -> memref<96x128xf32, #tpu.memory_space<vmem>>
    %dma_wait3A_614 = arith.constant 904 : i32
    %dma_wait3A_615 = tpu.memref_slice %arg7[%dma_wait3A_614] : memref<3200xi32, #tpu.memory_space<vmem>> -> memref<96xi32, #tpu.memory_space<vmem>>
    %dma_wait3A_616 = arith.constant 0 : i32
    %dma_wait3A_617 = arith.constant 0 : i32
    %dma_wait3A_618 = tpu.memref_slice %arg10[%dma_wait3A_616, %dma_wait3A_617] : memref<256x128xf32, #tpu.memory_space<vmem_shared>> -> memref<256x128xf32, #tpu.memory_space<vmem_shared>>
    tpu.wait_indirect_dma semaphore(%arg16 : memref<!tpu.dma_semaphore, #tpu.memory_space<semaphore_mem>>) src(%dma_wait3A_613 : memref<96x128xf32, #tpu.memory_space<vmem>>) dst(%dma_wait3A_618 : memref<256x128xf32, #tpu.memory_space<vmem_shared>>)
    %add3A_619 = arith.constant 256 : i32
    %add3A_620 = arith.addi %add3A_619, %add3A : i32
    %mul3A_621 = arith.constant 200 : i32
    %mul3A_622 = arith.muli %add3A_620, %mul3A_621 : i32
    %dma_start3A_623 = arith.constant 0 : i32
    %dma_start3A_624 = arith.constant 0 : i32
    %dma_start3A_625 = arith.constant 0 : i32
    %dma_start3A_626 = tpu.memref_slice %arg6[%dma_start3A_623, %dma_start3A_624, %dma_start3A_625] : memref<4x200x128xf32, #tpu.memory_space<vmem>> -> memref<1x200x128xf32, #tpu.memory_space<vmem>>
    %dma_start3A_627 = tpu.memref_squeeze %dma_start3A_626 : memref<1x200x128xf32, #tpu.memory_space<vmem>> -> memref<200x128xf32, #tpu.memory_space<vmem>>
    %dma_start3A_628 = arith.constant 0 : i32
    %dma_start3A_629 = tpu.memref_slice %arg2[%mul3A_622, %dma_start3A_628] : memref<100000x128xf32, #tpu.memory_space<hbm>> -> memref<200x128xf32, #tpu.memory_space<hbm>>
    %dma_start3A_630 = arith.constant 0 : i32
    %dma_start3A_631 = arith.constant 0 : i32
    %dma_start3A_632 = tpu.memref_slice %arg6[%dma_start3A_623, %dma_start3A_630, %dma_start3A_631] : memref<4x200x128xf32, #tpu.memory_space<vmem>> -> memref<1x200x128xf32, #tpu.memory_space<vmem>>
    %dma_start3A_633 = tpu.memref_squeeze %dma_start3A_632 : memref<1x200x128xf32, #tpu.memory_space<vmem>> -> memref<200x128xf32, #tpu.memory_space<vmem>>
    %dma_start3A_634 = arith.constant 0 : i32
    %dma_start3A_635 = tpu.memref_slice %arg2[%mul3A_622, %dma_start3A_634] : memref<100000x128xf32, #tpu.memory_space<hbm>> -> memref<200x128xf32, #tpu.memory_space<hbm>>
    tpu.enqueue_dma source(%dma_start3A_635 : memref<200x128xf32, #tpu.memory_space<hbm>>) target(%dma_start3A_633 : memref<200x128xf32, #tpu.memory_space<vmem>>) target_semaphore(%arg12 : memref<!tpu.dma_semaphore, #tpu.memory_space<semaphore_mem>>)
    %dma_start3A_636 = arith.constant 1600 : i32
    %dma_start3A_637 = tpu.memref_slice %arg7[%dma_start3A_636] : memref<3200xi32, #tpu.memory_space<vmem>> -> memref<200xi32, #tpu.memory_space<vmem>>
    %dma_start3A_638 = tpu.memref_slice %arg3[%mul3A_622] : memref<100000xi32, #tpu.memory_space<hbm>> -> memref<200xi32, #tpu.memory_space<hbm>>
    %dma_start3A_639 = arith.constant 1600 : i32
    %dma_start3A_640 = tpu.memref_slice %arg7[%dma_start3A_639] : memref<3200xi32, #tpu.memory_space<vmem>> -> memref<200xi32, #tpu.memory_space<vmem>>
    %dma_start3A_641 = tpu.memref_slice %arg3[%mul3A_622] : memref<100000xi32, #tpu.memory_space<hbm>> -> memref<200xi32, #tpu.memory_space<hbm>>
    tpu.enqueue_dma source(%dma_start3A_641 : memref<200xi32, #tpu.memory_space<hbm>>) target(%dma_start3A_640 : memref<200xi32, #tpu.memory_space<vmem>>) target_semaphore(%arg12 : memref<!tpu.dma_semaphore, #tpu.memory_space<semaphore_mem>>)
    %dma_wait3A_642 = arith.constant 0 : i32
    %dma_wait3A_643 = tpu.memref_slice %arg8[%dma_wait3A_642] : memref<112xf32, #tpu.memory_space<vmem>> -> memref<104xf32, #tpu.memory_space<vmem>>
    %dma_wait3A_644 = arith.constant 600 : i32
    %dma_wait3A_645 = tpu.memref_slice %arg7[%dma_wait3A_644] : memref<3200xi32, #tpu.memory_space<vmem>> -> memref<104xi32, #tpu.memory_space<vmem>>
    %dma_wait3A_646 = arith.constant 0 : i32
    %dma_wait3A_647 = tpu.memref_slice %arg11[%dma_wait3A_646] : memref<256xf32, #tpu.memory_space<vmem_shared>> -> memref<256xf32, #tpu.memory_space<vmem_shared>>
    tpu.wait_indirect_dma semaphore(%arg20 : memref<!tpu.dma_semaphore, #tpu.memory_space<semaphore_mem>>) src(%dma_wait3A_643 : memref<104xf32, #tpu.memory_space<vmem>>) dst(%dma_wait3A_647 : memref<256xf32, #tpu.memory_space<vmem_shared>>)
    %dma_wait3A_648 = arith.constant 0 : i32
    %dma_wait3A_649 = tpu.memref_slice %arg8[%dma_wait3A_648] : memref<112xf32, #tpu.memory_space<vmem>> -> memref<96xf32, #tpu.memory_space<vmem>>
    %dma_wait3A_650 = arith.constant 704 : i32
    %dma_wait3A_651 = tpu.memref_slice %arg7[%dma_wait3A_650] : memref<3200xi32, #tpu.memory_space<vmem>> -> memref<96xi32, #tpu.memory_space<vmem>>
    %dma_wait3A_652 = arith.constant 0 : i32
    %dma_wait3A_653 = tpu.memref_slice %arg11[%dma_wait3A_652] : memref<256xf32, #tpu.memory_space<vmem_shared>> -> memref<256xf32, #tpu.memory_space<vmem_shared>>
    tpu.wait_indirect_dma semaphore(%arg20 : memref<!tpu.dma_semaphore, #tpu.memory_space<semaphore_mem>>) src(%dma_wait3A_649 : memref<96xf32, #tpu.memory_space<vmem>>) dst(%dma_wait3A_653 : memref<256xf32, #tpu.memory_space<vmem_shared>>)
    %dma_wait3A_654 = arith.constant 1 : i32
    %dma_wait3A_655 = arith.constant 0 : i32
    %dma_wait3A_656 = arith.constant 0 : i32
    %dma_wait3A_657 = tpu.memref_slice %arg6[%dma_wait3A_654, %dma_wait3A_655, %dma_wait3A_656] : memref<4x200x128xf32, #tpu.memory_space<vmem>> -> memref<1x200x128xf32, #tpu.memory_space<vmem>>
    %dma_wait3A_658 = tpu.memref_squeeze %dma_wait3A_657 : memref<1x200x128xf32, #tpu.memory_space<vmem>> -> memref<200x128xf32, #tpu.memory_space<vmem>>
    %dma_wait3A_659 = arith.constant 0 : i32
    %dma_wait3A_660 = tpu.memref_slice %arg2[%mul3A_304, %dma_wait3A_659] : memref<100000x128xf32, #tpu.memory_space<hbm>> -> memref<200x128xf32, #tpu.memory_space<hbm>>
    %dma_wait3A_661 = arith.constant 0 : i32
    %dma_wait3A_662 = arith.constant 0 : i32
    %dma_wait3A_663 = tpu.memref_slice %arg6[%dma_wait3A_654, %dma_wait3A_661, %dma_wait3A_662] : memref<4x200x128xf32, #tpu.memory_space<vmem>> -> memref<1x200x128xf32, #tpu.memory_space<vmem>>
    %dma_wait3A_664 = tpu.memref_squeeze %dma_wait3A_663 : memref<1x200x128xf32, #tpu.memory_space<vmem>> -> memref<200x128xf32, #tpu.memory_space<vmem>>
    %dma_wait3A_665 = arith.constant 0 : i32
    %dma_wait3A_666 = tpu.memref_slice %arg2[%mul3A_304, %dma_wait3A_665] : memref<100000x128xf32, #tpu.memory_space<hbm>> -> memref<200x128xf32, #tpu.memory_space<hbm>>
    tpu.wait_dma2 semaphore(%arg13 : memref<!tpu.dma_semaphore, #tpu.memory_space<semaphore_mem>>) src(%dma_wait3A_666 : memref<200x128xf32, #tpu.memory_space<hbm>>) dst(%dma_wait3A_664 : memref<200x128xf32, #tpu.memory_space<vmem>>)
    %dma_wait3A_667 = arith.constant 1000 : i32
    %dma_wait3A_668 = tpu.memref_slice %arg7[%dma_wait3A_667] : memref<3200xi32, #tpu.memory_space<vmem>> -> memref<200xi32, #tpu.memory_space<vmem>>
    %dma_wait3A_669 = tpu.memref_slice %arg3[%mul3A_304] : memref<100000xi32, #tpu.memory_space<hbm>> -> memref<200xi32, #tpu.memory_space<hbm>>
    %dma_wait3A_670 = arith.constant 1000 : i32
    %dma_wait3A_671 = tpu.memref_slice %arg7[%dma_wait3A_670] : memref<3200xi32, #tpu.memory_space<vmem>> -> memref<200xi32, #tpu.memory_space<vmem>>
    %dma_wait3A_672 = tpu.memref_slice %arg3[%mul3A_304] : memref<100000xi32, #tpu.memory_space<hbm>> -> memref<200xi32, #tpu.memory_space<hbm>>
    tpu.wait_dma2 semaphore(%arg13 : memref<!tpu.dma_semaphore, #tpu.memory_space<semaphore_mem>>) src(%dma_wait3A_672 : memref<200xi32, #tpu.memory_space<hbm>>) dst(%dma_wait3A_671 : memref<200xi32, #tpu.memory_space<vmem>>)
    %dma_start3A_673 = arith.constant 1 : i32
    %dma_start3A_674 = arith.constant 0 : i32
    %dma_start3A_675 = arith.constant 0 : i32
    %dma_start3A_676 = tpu.memref_slice %arg6[%dma_start3A_673, %dma_start3A_674, %dma_start3A_675] : memref<4x200x128xf32, #tpu.memory_space<vmem>> -> memref<1x104x128xf32, #tpu.memory_space<vmem>>
    %dma_start3A_677 = tpu.memref_squeeze %dma_start3A_676 : memref<1x104x128xf32, #tpu.memory_space<vmem>> -> memref<104x128xf32, #tpu.memory_space<vmem>>
    %dma_start3A_678 = arith.constant 1000 : i32
    %dma_start3A_679 = tpu.memref_slice %arg7[%dma_start3A_678] : memref<3200xi32, #tpu.memory_space<vmem>> -> memref<104xi32, #tpu.memory_space<vmem>>
    %dma_start3A_680 = arith.constant 0 : i32
    %dma_start3A_681 = arith.constant 0 : i32
    %dma_start3A_682 = tpu.memref_slice %arg10[%dma_start3A_680, %dma_start3A_681] : memref<256x128xf32, #tpu.memory_space<vmem_shared>> -> memref<256x128xf32, #tpu.memory_space<vmem_shared>>
    tpu.enqueue_indirect_dma source(%dma_start3A_677 : memref<104x128xf32, #tpu.memory_space<vmem>>) target(%dma_start3A_682 : memref<256x128xf32, #tpu.memory_space<vmem_shared>>) offsets(%dma_start3A_679 : memref<104xi32, #tpu.memory_space<vmem>>) semaphore(%arg17 : memref<!tpu.dma_semaphore, #tpu.memory_space<semaphore_mem>>) {add = true}
    %dma_start3A_683 = arith.constant 0 : i32
    %dma_start3A_684 = tpu.memref_slice %arg8[%dma_start3A_683] : memref<112xf32, #tpu.memory_space<vmem>> -> memref<104xf32, #tpu.memory_space<vmem>>
    %dma_start3A_685 = arith.constant 1000 : i32
    %dma_start3A_686 = tpu.memref_slice %arg7[%dma_start3A_685] : memref<3200xi32, #tpu.memory_space<vmem>> -> memref<104xi32, #tpu.memory_space<vmem>>
    %dma_start3A_687 = arith.constant 0 : i32
    %dma_start3A_688 = tpu.memref_slice %arg11[%dma_start3A_687] : memref<256xf32, #tpu.memory_space<vmem_shared>> -> memref<256xf32, #tpu.memory_space<vmem_shared>>
    tpu.enqueue_indirect_dma source(%dma_start3A_684 : memref<104xf32, #tpu.memory_space<vmem>>) target(%dma_start3A_688 : memref<256xf32, #tpu.memory_space<vmem_shared>>) offsets(%dma_start3A_686 : memref<104xi32, #tpu.memory_space<vmem>>) semaphore(%arg20 : memref<!tpu.dma_semaphore, #tpu.memory_space<semaphore_mem>>) {add = true}
    %dma_start3A_689 = arith.constant 1 : i32
    %dma_start3A_690 = arith.constant 104 : i32
    %dma_start3A_691 = arith.constant 0 : i32
    %dma_start3A_692 = tpu.memref_slice %arg6[%dma_start3A_689, %dma_start3A_690, %dma_start3A_691] : memref<4x200x128xf32, #tpu.memory_space<vmem>> -> memref<1x96x128xf32, #tpu.memory_space<vmem>>
    %dma_start3A_693 = tpu.memref_squeeze %dma_start3A_692 : memref<1x96x128xf32, #tpu.memory_space<vmem>> -> memref<96x128xf32, #tpu.memory_space<vmem>>
    %dma_start3A_694 = arith.constant 1104 : i32
    %dma_start3A_695 = tpu.memref_slice %arg7[%dma_start3A_694] : memref<3200xi32, #tpu.memory_space<vmem>> -> memref<96xi32, #tpu.memory_space<vmem>>
    %dma_start3A_696 = arith.constant 0 : i32
    %dma_start3A_697 = arith.constant 0 : i32
    %dma_start3A_698 = tpu.memref_slice %arg10[%dma_start3A_696, %dma_start3A_697] : memref<256x128xf32, #tpu.memory_space<vmem_shared>> -> memref<256x128xf32, #tpu.memory_space<vmem_shared>>
    tpu.enqueue_indirect_dma source(%dma_start3A_693 : memref<96x128xf32, #tpu.memory_space<vmem>>) target(%dma_start3A_698 : memref<256x128xf32, #tpu.memory_space<vmem_shared>>) offsets(%dma_start3A_695 : memref<96xi32, #tpu.memory_space<vmem>>) semaphore(%arg17 : memref<!tpu.dma_semaphore, #tpu.memory_space<semaphore_mem>>) {add = true}
    %dma_start3A_699 = arith.constant 0 : i32
    %dma_start3A_700 = tpu.memref_slice %arg8[%dma_start3A_699] : memref<112xf32, #tpu.memory_space<vmem>> -> memref<96xf32, #tpu.memory_space<vmem>>
    %dma_start3A_701 = arith.constant 1104 : i32
    %dma_start3A_702 = tpu.memref_slice %arg7[%dma_start3A_701] : memref<3200xi32, #tpu.memory_space<vmem>> -> memref<96xi32, #tpu.memory_space<vmem>>
    %dma_start3A_703 = arith.constant 0 : i32
    %dma_start3A_704 = tpu.memref_slice %arg11[%dma_start3A_703] : memref<256xf32, #tpu.memory_space<vmem_shared>> -> memref<256xf32, #tpu.memory_space<vmem_shared>>
    tpu.enqueue_indirect_dma source(%dma_start3A_700 : memref<96xf32, #tpu.memory_space<vmem>>) target(%dma_start3A_704 : memref<256xf32, #tpu.memory_space<vmem_shared>>) offsets(%dma_start3A_702 : memref<96xi32, #tpu.memory_space<vmem>>) semaphore(%arg20 : memref<!tpu.dma_semaphore, #tpu.memory_space<semaphore_mem>>) {add = true}
    %dma_wait3A_705 = arith.constant 1 : i32
    %dma_wait3A_706 = arith.constant 0 : i32
    %dma_wait3A_707 = arith.constant 0 : i32
    %dma_wait3A_708 = tpu.memref_slice %arg6[%dma_wait3A_705, %dma_wait3A_706, %dma_wait3A_707] : memref<4x200x128xf32, #tpu.memory_space<vmem>> -> memref<1x104x128xf32, #tpu.memory_space<vmem>>
    %dma_wait3A_709 = tpu.memref_squeeze %dma_wait3A_708 : memref<1x104x128xf32, #tpu.memory_space<vmem>> -> memref<104x128xf32, #tpu.memory_space<vmem>>
    %dma_wait3A_710 = arith.constant 1000 : i32
    %dma_wait3A_711 = tpu.memref_slice %arg7[%dma_wait3A_710] : memref<3200xi32, #tpu.memory_space<vmem>> -> memref<104xi32, #tpu.memory_space<vmem>>
    %dma_wait3A_712 = arith.constant 0 : i32
    %dma_wait3A_713 = arith.constant 0 : i32
    %dma_wait3A_714 = tpu.memref_slice %arg10[%dma_wait3A_712, %dma_wait3A_713] : memref<256x128xf32, #tpu.memory_space<vmem_shared>> -> memref<256x128xf32, #tpu.memory_space<vmem_shared>>
    tpu.wait_indirect_dma semaphore(%arg17 : memref<!tpu.dma_semaphore, #tpu.memory_space<semaphore_mem>>) src(%dma_wait3A_709 : memref<104x128xf32, #tpu.memory_space<vmem>>) dst(%dma_wait3A_714 : memref<256x128xf32, #tpu.memory_space<vmem_shared>>)
    %dma_wait3A_715 = arith.constant 1 : i32
    %dma_wait3A_716 = arith.constant 104 : i32
    %dma_wait3A_717 = arith.constant 0 : i32
    %dma_wait3A_718 = tpu.memref_slice %arg6[%dma_wait3A_715, %dma_wait3A_716, %dma_wait3A_717] : memref<4x200x128xf32, #tpu.memory_space<vmem>> -> memref<1x96x128xf32, #tpu.memory_space<vmem>>
    %dma_wait3A_719 = tpu.memref_squeeze %dma_wait3A_718 : memref<1x96x128xf32, #tpu.memory_space<vmem>> -> memref<96x128xf32, #tpu.memory_space<vmem>>
    %dma_wait3A_720 = arith.constant 1104 : i32
    %dma_wait3A_721 = tpu.memref_slice %arg7[%dma_wait3A_720] : memref<3200xi32, #tpu.memory_space<vmem>> -> memref<96xi32, #tpu.memory_space<vmem>>
    %dma_wait3A_722 = arith.constant 0 : i32
    %dma_wait3A_723 = arith.constant 0 : i32
    %dma_wait3A_724 = tpu.memref_slice %arg10[%dma_wait3A_722, %dma_wait3A_723] : memref<256x128xf32, #tpu.memory_space<vmem_shared>> -> memref<256x128xf32, #tpu.memory_space<vmem_shared>>
    tpu.wait_indirect_dma semaphore(%arg17 : memref<!tpu.dma_semaphore, #tpu.memory_space<semaphore_mem>>) src(%dma_wait3A_719 : memref<96x128xf32, #tpu.memory_space<vmem>>) dst(%dma_wait3A_724 : memref<256x128xf32, #tpu.memory_space<vmem_shared>>)
    %add3A_725 = arith.constant 288 : i32
    %add3A_726 = arith.addi %add3A_725, %add3A : i32
    %mul3A_727 = arith.constant 200 : i32
    %mul3A_728 = arith.muli %add3A_726, %mul3A_727 : i32
    %dma_start3A_729 = arith.constant 1 : i32
    %dma_start3A_730 = arith.constant 0 : i32
    %dma_start3A_731 = arith.constant 0 : i32
    %dma_start3A_732 = tpu.memref_slice %arg6[%dma_start3A_729, %dma_start3A_730, %dma_start3A_731] : memref<4x200x128xf32, #tpu.memory_space<vmem>> -> memref<1x200x128xf32, #tpu.memory_space<vmem>>
    %dma_start3A_733 = tpu.memref_squeeze %dma_start3A_732 : memref<1x200x128xf32, #tpu.memory_space<vmem>> -> memref<200x128xf32, #tpu.memory_space<vmem>>
    %dma_start3A_734 = arith.constant 0 : i32
    %dma_start3A_735 = tpu.memref_slice %arg2[%mul3A_728, %dma_start3A_734] : memref<100000x128xf32, #tpu.memory_space<hbm>> -> memref<200x128xf32, #tpu.memory_space<hbm>>
    %dma_start3A_736 = arith.constant 0 : i32
    %dma_start3A_737 = arith.constant 0 : i32
    %dma_start3A_738 = tpu.memref_slice %arg6[%dma_start3A_729, %dma_start3A_736, %dma_start3A_737] : memref<4x200x128xf32, #tpu.memory_space<vmem>> -> memref<1x200x128xf32, #tpu.memory_space<vmem>>
    %dma_start3A_739 = tpu.memref_squeeze %dma_start3A_738 : memref<1x200x128xf32, #tpu.memory_space<vmem>> -> memref<200x128xf32, #tpu.memory_space<vmem>>
    %dma_start3A_740 = arith.constant 0 : i32
    %dma_start3A_741 = tpu.memref_slice %arg2[%mul3A_728, %dma_start3A_740] : memref<100000x128xf32, #tpu.memory_space<hbm>> -> memref<200x128xf32, #tpu.memory_space<hbm>>
    tpu.enqueue_dma source(%dma_start3A_741 : memref<200x128xf32, #tpu.memory_space<hbm>>) target(%dma_start3A_739 : memref<200x128xf32, #tpu.memory_space<vmem>>) target_semaphore(%arg13 : memref<!tpu.dma_semaphore, #tpu.memory_space<semaphore_mem>>)
    %dma_start3A_742 = arith.constant 1800 : i32
    %dma_start3A_743 = tpu.memref_slice %arg7[%dma_start3A_742] : memref<3200xi32, #tpu.memory_space<vmem>> -> memref<200xi32, #tpu.memory_space<vmem>>
    %dma_start3A_744 = tpu.memref_slice %arg3[%mul3A_728] : memref<100000xi32, #tpu.memory_space<hbm>> -> memref<200xi32, #tpu.memory_space<hbm>>
    %dma_start3A_745 = arith.constant 1800 : i32
    %dma_start3A_746 = tpu.memref_slice %arg7[%dma_start3A_745] : memref<3200xi32, #tpu.memory_space<vmem>> -> memref<200xi32, #tpu.memory_space<vmem>>
    %dma_start3A_747 = tpu.memref_slice %arg3[%mul3A_728] : memref<100000xi32, #tpu.memory_space<hbm>> -> memref<200xi32, #tpu.memory_space<hbm>>
    tpu.enqueue_dma source(%dma_start3A_747 : memref<200xi32, #tpu.memory_space<hbm>>) target(%dma_start3A_746 : memref<200xi32, #tpu.memory_space<vmem>>) target_semaphore(%arg13 : memref<!tpu.dma_semaphore, #tpu.memory_space<semaphore_mem>>)
    %dma_wait3A_748 = arith.constant 0 : i32
    %dma_wait3A_749 = tpu.memref_slice %arg8[%dma_wait3A_748] : memref<112xf32, #tpu.memory_space<vmem>> -> memref<104xf32, #tpu.memory_space<vmem>>
    %dma_wait3A_750 = arith.constant 800 : i32
    %dma_wait3A_751 = tpu.memref_slice %arg7[%dma_wait3A_750] : memref<3200xi32, #tpu.memory_space<vmem>> -> memref<104xi32, #tpu.memory_space<vmem>>
    %dma_wait3A_752 = arith.constant 0 : i32
    %dma_wait3A_753 = tpu.memref_slice %arg11[%dma_wait3A_752] : memref<256xf32, #tpu.memory_space<vmem_shared>> -> memref<256xf32, #tpu.memory_space<vmem_shared>>
    tpu.wait_indirect_dma semaphore(%arg20 : memref<!tpu.dma_semaphore, #tpu.memory_space<semaphore_mem>>) src(%dma_wait3A_749 : memref<104xf32, #tpu.memory_space<vmem>>) dst(%dma_wait3A_753 : memref<256xf32, #tpu.memory_space<vmem_shared>>)
    %dma_wait3A_754 = arith.constant 0 : i32
    %dma_wait3A_755 = tpu.memref_slice %arg8[%dma_wait3A_754] : memref<112xf32, #tpu.memory_space<vmem>> -> memref<96xf32, #tpu.memory_space<vmem>>
    %dma_wait3A_756 = arith.constant 904 : i32
    %dma_wait3A_757 = tpu.memref_slice %arg7[%dma_wait3A_756] : memref<3200xi32, #tpu.memory_space<vmem>> -> memref<96xi32, #tpu.memory_space<vmem>>
    %dma_wait3A_758 = arith.constant 0 : i32
    %dma_wait3A_759 = tpu.memref_slice %arg11[%dma_wait3A_758] : memref<256xf32, #tpu.memory_space<vmem_shared>> -> memref<256xf32, #tpu.memory_space<vmem_shared>>
    tpu.wait_indirect_dma semaphore(%arg20 : memref<!tpu.dma_semaphore, #tpu.memory_space<semaphore_mem>>) src(%dma_wait3A_755 : memref<96xf32, #tpu.memory_space<vmem>>) dst(%dma_wait3A_759 : memref<256xf32, #tpu.memory_space<vmem_shared>>)
    %dma_wait3A_760 = arith.constant 2 : i32
    %dma_wait3A_761 = arith.constant 0 : i32
    %dma_wait3A_762 = arith.constant 0 : i32
    %dma_wait3A_763 = tpu.memref_slice %arg6[%dma_wait3A_760, %dma_wait3A_761, %dma_wait3A_762] : memref<4x200x128xf32, #tpu.memory_space<vmem>> -> memref<1x200x128xf32, #tpu.memory_space<vmem>>
    %dma_wait3A_764 = tpu.memref_squeeze %dma_wait3A_763 : memref<1x200x128xf32, #tpu.memory_space<vmem>> -> memref<200x128xf32, #tpu.memory_space<vmem>>
    %dma_wait3A_765 = arith.constant 0 : i32
    %dma_wait3A_766 = tpu.memref_slice %arg2[%mul3A_410, %dma_wait3A_765] : memref<100000x128xf32, #tpu.memory_space<hbm>> -> memref<200x128xf32, #tpu.memory_space<hbm>>
    %dma_wait3A_767 = arith.constant 0 : i32
    %dma_wait3A_768 = arith.constant 0 : i32
    %dma_wait3A_769 = tpu.memref_slice %arg6[%dma_wait3A_760, %dma_wait3A_767, %dma_wait3A_768] : memref<4x200x128xf32, #tpu.memory_space<vmem>> -> memref<1x200x128xf32, #tpu.memory_space<vmem>>
    %dma_wait3A_770 = tpu.memref_squeeze %dma_wait3A_769 : memref<1x200x128xf32, #tpu.memory_space<vmem>> -> memref<200x128xf32, #tpu.memory_space<vmem>>
    %dma_wait3A_771 = arith.constant 0 : i32
    %dma_wait3A_772 = tpu.memref_slice %arg2[%mul3A_410, %dma_wait3A_771] : memref<100000x128xf32, #tpu.memory_space<hbm>> -> memref<200x128xf32, #tpu.memory_space<hbm>>
    tpu.wait_dma2 semaphore(%arg14 : memref<!tpu.dma_semaphore, #tpu.memory_space<semaphore_mem>>) src(%dma_wait3A_772 : memref<200x128xf32, #tpu.memory_space<hbm>>) dst(%dma_wait3A_770 : memref<200x128xf32, #tpu.memory_space<vmem>>)
    %dma_wait3A_773 = arith.constant 1200 : i32
    %dma_wait3A_774 = tpu.memref_slice %arg7[%dma_wait3A_773] : memref<3200xi32, #tpu.memory_space<vmem>> -> memref<200xi32, #tpu.memory_space<vmem>>
    %dma_wait3A_775 = tpu.memref_slice %arg3[%mul3A_410] : memref<100000xi32, #tpu.memory_space<hbm>> -> memref<200xi32, #tpu.memory_space<hbm>>
    %dma_wait3A_776 = arith.constant 1200 : i32
    %dma_wait3A_777 = tpu.memref_slice %arg7[%dma_wait3A_776] : memref<3200xi32, #tpu.memory_space<vmem>> -> memref<200xi32, #tpu.memory_space<vmem>>
    %dma_wait3A_778 = tpu.memref_slice %arg3[%mul3A_410] : memref<100000xi32, #tpu.memory_space<hbm>> -> memref<200xi32, #tpu.memory_space<hbm>>
    tpu.wait_dma2 semaphore(%arg14 : memref<!tpu.dma_semaphore, #tpu.memory_space<semaphore_mem>>) src(%dma_wait3A_778 : memref<200xi32, #tpu.memory_space<hbm>>) dst(%dma_wait3A_777 : memref<200xi32, #tpu.memory_space<vmem>>)
    %dma_start3A_779 = arith.constant 2 : i32
    %dma_start3A_780 = arith.constant 0 : i32
    %dma_start3A_781 = arith.constant 0 : i32
    %dma_start3A_782 = tpu.memref_slice %arg6[%dma_start3A_779, %dma_start3A_780, %dma_start3A_781] : memref<4x200x128xf32, #tpu.memory_space<vmem>> -> memref<1x104x128xf32, #tpu.memory_space<vmem>>
    %dma_start3A_783 = tpu.memref_squeeze %dma_start3A_782 : memref<1x104x128xf32, #tpu.memory_space<vmem>> -> memref<104x128xf32, #tpu.memory_space<vmem>>
    %dma_start3A_784 = arith.constant 1200 : i32
    %dma_start3A_785 = tpu.memref_slice %arg7[%dma_start3A_784] : memref<3200xi32, #tpu.memory_space<vmem>> -> memref<104xi32, #tpu.memory_space<vmem>>
    %dma_start3A_786 = arith.constant 0 : i32
    %dma_start3A_787 = arith.constant 0 : i32
    %dma_start3A_788 = tpu.memref_slice %arg10[%dma_start3A_786, %dma_start3A_787] : memref<256x128xf32, #tpu.memory_space<vmem_shared>> -> memref<256x128xf32, #tpu.memory_space<vmem_shared>>
    tpu.enqueue_indirect_dma source(%dma_start3A_783 : memref<104x128xf32, #tpu.memory_space<vmem>>) target(%dma_start3A_788 : memref<256x128xf32, #tpu.memory_space<vmem_shared>>) offsets(%dma_start3A_785 : memref<104xi32, #tpu.memory_space<vmem>>) semaphore(%arg18 : memref<!tpu.dma_semaphore, #tpu.memory_space<semaphore_mem>>) {add = true}
    %dma_start3A_789 = arith.constant 0 : i32
    %dma_start3A_790 = tpu.memref_slice %arg8[%dma_start3A_789] : memref<112xf32, #tpu.memory_space<vmem>> -> memref<104xf32, #tpu.memory_space<vmem>>
    %dma_start3A_791 = arith.constant 1200 : i32
    %dma_start3A_792 = tpu.memref_slice %arg7[%dma_start3A_791] : memref<3200xi32, #tpu.memory_space<vmem>> -> memref<104xi32, #tpu.memory_space<vmem>>
    %dma_start3A_793 = arith.constant 0 : i32
    %dma_start3A_794 = tpu.memref_slice %arg11[%dma_start3A_793] : memref<256xf32, #tpu.memory_space<vmem_shared>> -> memref<256xf32, #tpu.memory_space<vmem_shared>>
    tpu.enqueue_indirect_dma source(%dma_start3A_790 : memref<104xf32, #tpu.memory_space<vmem>>) target(%dma_start3A_794 : memref<256xf32, #tpu.memory_space<vmem_shared>>) offsets(%dma_start3A_792 : memref<104xi32, #tpu.memory_space<vmem>>) semaphore(%arg20 : memref<!tpu.dma_semaphore, #tpu.memory_space<semaphore_mem>>) {add = true}
    %dma_start3A_795 = arith.constant 2 : i32
    %dma_start3A_796 = arith.constant 104 : i32
    %dma_start3A_797 = arith.constant 0 : i32
    %dma_start3A_798 = tpu.memref_slice %arg6[%dma_start3A_795, %dma_start3A_796, %dma_start3A_797] : memref<4x200x128xf32, #tpu.memory_space<vmem>> -> memref<1x96x128xf32, #tpu.memory_space<vmem>>
    %dma_start3A_799 = tpu.memref_squeeze %dma_start3A_798 : memref<1x96x128xf32, #tpu.memory_space<vmem>> -> memref<96x128xf32, #tpu.memory_space<vmem>>
    %dma_start3A_800 = arith.constant 1304 : i32
    %dma_start3A_801 = tpu.memref_slice %arg7[%dma_start3A_800] : memref<3200xi32, #tpu.memory_space<vmem>> -> memref<96xi32, #tpu.memory_space<vmem>>
    %dma_start3A_802 = arith.constant 0 : i32
    %dma_start3A_803 = arith.constant 0 : i32
    %dma_start3A_804 = tpu.memref_slice %arg10[%dma_start3A_802, %dma_start3A_803] : memref<256x128xf32, #tpu.memory_space<vmem_shared>> -> memref<256x128xf32, #tpu.memory_space<vmem_shared>>
    tpu.enqueue_indirect_dma source(%dma_start3A_799 : memref<96x128xf32, #tpu.memory_space<vmem>>) target(%dma_start3A_804 : memref<256x128xf32, #tpu.memory_space<vmem_shared>>) offsets(%dma_start3A_801 : memref<96xi32, #tpu.memory_space<vmem>>) semaphore(%arg18 : memref<!tpu.dma_semaphore, #tpu.memory_space<semaphore_mem>>) {add = true}
    %dma_start3A_805 = arith.constant 0 : i32
    %dma_start3A_806 = tpu.memref_slice %arg8[%dma_start3A_805] : memref<112xf32, #tpu.memory_space<vmem>> -> memref<96xf32, #tpu.memory_space<vmem>>
    %dma_start3A_807 = arith.constant 1304 : i32
    %dma_start3A_808 = tpu.memref_slice %arg7[%dma_start3A_807] : memref<3200xi32, #tpu.memory_space<vmem>> -> memref<96xi32, #tpu.memory_space<vmem>>
    %dma_start3A_809 = arith.constant 0 : i32
    %dma_start3A_810 = tpu.memref_slice %arg11[%dma_start3A_809] : memref<256xf32, #tpu.memory_space<vmem_shared>> -> memref<256xf32, #tpu.memory_space<vmem_shared>>
    tpu.enqueue_indirect_dma source(%dma_start3A_806 : memref<96xf32, #tpu.memory_space<vmem>>) target(%dma_start3A_810 : memref<256xf32, #tpu.memory_space<vmem_shared>>) offsets(%dma_start3A_808 : memref<96xi32, #tpu.memory_space<vmem>>) semaphore(%arg20 : memref<!tpu.dma_semaphore, #tpu.memory_space<semaphore_mem>>) {add = true}
    %dma_wait3A_811 = arith.constant 2 : i32
    %dma_wait3A_812 = arith.constant 0 : i32
    %dma_wait3A_813 = arith.constant 0 : i32
    %dma_wait3A_814 = tpu.memref_slice %arg6[%dma_wait3A_811, %dma_wait3A_812, %dma_wait3A_813] : memref<4x200x128xf32, #tpu.memory_space<vmem>> -> memref<1x104x128xf32, #tpu.memory_space<vmem>>
    %dma_wait3A_815 = tpu.memref_squeeze %dma_wait3A_814 : memref<1x104x128xf32, #tpu.memory_space<vmem>> -> memref<104x128xf32, #tpu.memory_space<vmem>>
    %dma_wait3A_816 = arith.constant 1200 : i32
    %dma_wait3A_817 = tpu.memref_slice %arg7[%dma_wait3A_816] : memref<3200xi32, #tpu.memory_space<vmem>> -> memref<104xi32, #tpu.memory_space<vmem>>
    %dma_wait3A_818 = arith.constant 0 : i32
    %dma_wait3A_819 = arith.constant 0 : i32
    %dma_wait3A_820 = tpu.memref_slice %arg10[%dma_wait3A_818, %dma_wait3A_819] : memref<256x128xf32, #tpu.memory_space<vmem_shared>> -> memref<256x128xf32, #tpu.memory_space<vmem_shared>>
    tpu.wait_indirect_dma semaphore(%arg18 : memref<!tpu.dma_semaphore, #tpu.memory_space<semaphore_mem>>) src(%dma_wait3A_815 : memref<104x128xf32, #tpu.memory_space<vmem>>) dst(%dma_wait3A_820 : memref<256x128xf32, #tpu.memory_space<vmem_shared>>)
    %dma_wait3A_821 = arith.constant 2 : i32
    %dma_wait3A_822 = arith.constant 104 : i32
    %dma_wait3A_823 = arith.constant 0 : i32
    %dma_wait3A_824 = tpu.memref_slice %arg6[%dma_wait3A_821, %dma_wait3A_822, %dma_wait3A_823] : memref<4x200x128xf32, #tpu.memory_space<vmem>> -> memref<1x96x128xf32, #tpu.memory_space<vmem>>
    %dma_wait3A_825 = tpu.memref_squeeze %dma_wait3A_824 : memref<1x96x128xf32, #tpu.memory_space<vmem>> -> memref<96x128xf32, #tpu.memory_space<vmem>>
    %dma_wait3A_826 = arith.constant 1304 : i32
    %dma_wait3A_827 = tpu.memref_slice %arg7[%dma_wait3A_826] : memref<3200xi32, #tpu.memory_space<vmem>> -> memref<96xi32, #tpu.memory_space<vmem>>
    %dma_wait3A_828 = arith.constant 0 : i32
    %dma_wait3A_829 = arith.constant 0 : i32
    %dma_wait3A_830 = tpu.memref_slice %arg10[%dma_wait3A_828, %dma_wait3A_829] : memref<256x128xf32, #tpu.memory_space<vmem_shared>> -> memref<256x128xf32, #tpu.memory_space<vmem_shared>>
    tpu.wait_indirect_dma semaphore(%arg18 : memref<!tpu.dma_semaphore, #tpu.memory_space<semaphore_mem>>) src(%dma_wait3A_825 : memref<96x128xf32, #tpu.memory_space<vmem>>) dst(%dma_wait3A_830 : memref<256x128xf32, #tpu.memory_space<vmem_shared>>)
    %add3A_831 = arith.constant 320 : i32
    %add3A_832 = arith.addi %add3A_831, %add3A : i32
    %mul3A_833 = arith.constant 200 : i32
    %mul3A_834 = arith.muli %add3A_832, %mul3A_833 : i32
    %dma_start3A_835 = arith.constant 2 : i32
    %dma_start3A_836 = arith.constant 0 : i32
    %dma_start3A_837 = arith.constant 0 : i32
    %dma_start3A_838 = tpu.memref_slice %arg6[%dma_start3A_835, %dma_start3A_836, %dma_start3A_837] : memref<4x200x128xf32, #tpu.memory_space<vmem>> -> memref<1x200x128xf32, #tpu.memory_space<vmem>>
    %dma_start3A_839 = tpu.memref_squeeze %dma_start3A_838 : memref<1x200x128xf32, #tpu.memory_space<vmem>> -> memref<200x128xf32, #tpu.memory_space<vmem>>
    %dma_start3A_840 = arith.constant 0 : i32
    %dma_start3A_841 = tpu.memref_slice %arg2[%mul3A_834, %dma_start3A_840] : memref<100000x128xf32, #tpu.memory_space<hbm>> -> memref<200x128xf32, #tpu.memory_space<hbm>>
    %dma_start3A_842 = arith.constant 0 : i32
    %dma_start3A_843 = arith.constant 0 : i32
    %dma_start3A_844 = tpu.memref_slice %arg6[%dma_start3A_835, %dma_start3A_842, %dma_start3A_843] : memref<4x200x128xf32, #tpu.memory_space<vmem>> -> memref<1x200x128xf32, #tpu.memory_space<vmem>>
    %dma_start3A_845 = tpu.memref_squeeze %dma_start3A_844 : memref<1x200x128xf32, #tpu.memory_space<vmem>> -> memref<200x128xf32, #tpu.memory_space<vmem>>
    %dma_start3A_846 = arith.constant 0 : i32
    %dma_start3A_847 = tpu.memref_slice %arg2[%mul3A_834, %dma_start3A_846] : memref<100000x128xf32, #tpu.memory_space<hbm>> -> memref<200x128xf32, #tpu.memory_space<hbm>>
    tpu.enqueue_dma source(%dma_start3A_847 : memref<200x128xf32, #tpu.memory_space<hbm>>) target(%dma_start3A_845 : memref<200x128xf32, #tpu.memory_space<vmem>>) target_semaphore(%arg14 : memref<!tpu.dma_semaphore, #tpu.memory_space<semaphore_mem>>)
    %dma_start3A_848 = arith.constant 2000 : i32
    %dma_start3A_849 = tpu.memref_slice %arg7[%dma_start3A_848] : memref<3200xi32, #tpu.memory_space<vmem>> -> memref<200xi32, #tpu.memory_space<vmem>>
    %dma_start3A_850 = tpu.memref_slice %arg3[%mul3A_834] : memref<100000xi32, #tpu.memory_space<hbm>> -> memref<200xi32, #tpu.memory_space<hbm>>
    %dma_start3A_851 = arith.constant 2000 : i32
    %dma_start3A_852 = tpu.memref_slice %arg7[%dma_start3A_851] : memref<3200xi32, #tpu.memory_space<vmem>> -> memref<200xi32, #tpu.memory_space<vmem>>
    %dma_start3A_853 = tpu.memref_slice %arg3[%mul3A_834] : memref<100000xi32, #tpu.memory_space<hbm>> -> memref<200xi32, #tpu.memory_space<hbm>>
    tpu.enqueue_dma source(%dma_start3A_853 : memref<200xi32, #tpu.memory_space<hbm>>) target(%dma_start3A_852 : memref<200xi32, #tpu.memory_space<vmem>>) target_semaphore(%arg14 : memref<!tpu.dma_semaphore, #tpu.memory_space<semaphore_mem>>)
    %dma_wait3A_854 = arith.constant 0 : i32
    %dma_wait3A_855 = tpu.memref_slice %arg8[%dma_wait3A_854] : memref<112xf32, #tpu.memory_space<vmem>> -> memref<104xf32, #tpu.memory_space<vmem>>
    %dma_wait3A_856 = arith.constant 1000 : i32
    %dma_wait3A_857 = tpu.memref_slice %arg7[%dma_wait3A_856] : memref<3200xi32, #tpu.memory_space<vmem>> -> memref<104xi32, #tpu.memory_space<vmem>>
    %dma_wait3A_858 = arith.constant 0 : i32
    %dma_wait3A_859 = tpu.memref_slice %arg11[%dma_wait3A_858] : memref<256xf32, #tpu.memory_space<vmem_shared>> -> memref<256xf32, #tpu.memory_space<vmem_shared>>
    tpu.wait_indirect_dma semaphore(%arg20 : memref<!tpu.dma_semaphore, #tpu.memory_space<semaphore_mem>>) src(%dma_wait3A_855 : memref<104xf32, #tpu.memory_space<vmem>>) dst(%dma_wait3A_859 : memref<256xf32, #tpu.memory_space<vmem_shared>>)
    %dma_wait3A_860 = arith.constant 0 : i32
    %dma_wait3A_861 = tpu.memref_slice %arg8[%dma_wait3A_860] : memref<112xf32, #tpu.memory_space<vmem>> -> memref<96xf32, #tpu.memory_space<vmem>>
    %dma_wait3A_862 = arith.constant 1104 : i32
    %dma_wait3A_863 = tpu.memref_slice %arg7[%dma_wait3A_862] : memref<3200xi32, #tpu.memory_space<vmem>> -> memref<96xi32, #tpu.memory_space<vmem>>
    %dma_wait3A_864 = arith.constant 0 : i32
    %dma_wait3A_865 = tpu.memref_slice %arg11[%dma_wait3A_864] : memref<256xf32, #tpu.memory_space<vmem_shared>> -> memref<256xf32, #tpu.memory_space<vmem_shared>>
    tpu.wait_indirect_dma semaphore(%arg20 : memref<!tpu.dma_semaphore, #tpu.memory_space<semaphore_mem>>) src(%dma_wait3A_861 : memref<96xf32, #tpu.memory_space<vmem>>) dst(%dma_wait3A_865 : memref<256xf32, #tpu.memory_space<vmem_shared>>)
    %dma_wait3A_866 = arith.constant 3 : i32
    %dma_wait3A_867 = arith.constant 0 : i32
    %dma_wait3A_868 = arith.constant 0 : i32
    %dma_wait3A_869 = tpu.memref_slice %arg6[%dma_wait3A_866, %dma_wait3A_867, %dma_wait3A_868] : memref<4x200x128xf32, #tpu.memory_space<vmem>> -> memref<1x200x128xf32, #tpu.memory_space<vmem>>
    %dma_wait3A_870 = tpu.memref_squeeze %dma_wait3A_869 : memref<1x200x128xf32, #tpu.memory_space<vmem>> -> memref<200x128xf32, #tpu.memory_space<vmem>>
    %dma_wait3A_871 = arith.constant 0 : i32
    %dma_wait3A_872 = tpu.memref_slice %arg2[%mul3A_516, %dma_wait3A_871] : memref<100000x128xf32, #tpu.memory_space<hbm>> -> memref<200x128xf32, #tpu.memory_space<hbm>>
    %dma_wait3A_873 = arith.constant 0 : i32
    %dma_wait3A_874 = arith.constant 0 : i32
    %dma_wait3A_875 = tpu.memref_slice %arg6[%dma_wait3A_866, %dma_wait3A_873, %dma_wait3A_874] : memref<4x200x128xf32, #tpu.memory_space<vmem>> -> memref<1x200x128xf32, #tpu.memory_space<vmem>>
    %dma_wait3A_876 = tpu.memref_squeeze %dma_wait3A_875 : memref<1x200x128xf32, #tpu.memory_space<vmem>> -> memref<200x128xf32, #tpu.memory_space<vmem>>
    %dma_wait3A_877 = arith.constant 0 : i32
    %dma_wait3A_878 = tpu.memref_slice %arg2[%mul3A_516, %dma_wait3A_877] : memref<100000x128xf32, #tpu.memory_space<hbm>> -> memref<200x128xf32, #tpu.memory_space<hbm>>
    tpu.wait_dma2 semaphore(%arg15 : memref<!tpu.dma_semaphore, #tpu.memory_space<semaphore_mem>>) src(%dma_wait3A_878 : memref<200x128xf32, #tpu.memory_space<hbm>>) dst(%dma_wait3A_876 : memref<200x128xf32, #tpu.memory_space<vmem>>)
    %dma_wait3A_879 = arith.constant 1400 : i32
    %dma_wait3A_880 = tpu.memref_slice %arg7[%dma_wait3A_879] : memref<3200xi32, #tpu.memory_space<vmem>> -> memref<200xi32, #tpu.memory_space<vmem>>
    %dma_wait3A_881 = tpu.memref_slice %arg3[%mul3A_516] : memref<100000xi32, #tpu.memory_space<hbm>> -> memref<200xi32, #tpu.memory_space<hbm>>
    %dma_wait3A_882 = arith.constant 1400 : i32
    %dma_wait3A_883 = tpu.memref_slice %arg7[%dma_wait3A_882] : memref<3200xi32, #tpu.memory_space<vmem>> -> memref<200xi32, #tpu.memory_space<vmem>>
    %dma_wait3A_884 = tpu.memref_slice %arg3[%mul3A_516] : memref<100000xi32, #tpu.memory_space<hbm>> -> memref<200xi32, #tpu.memory_space<hbm>>
    tpu.wait_dma2 semaphore(%arg15 : memref<!tpu.dma_semaphore, #tpu.memory_space<semaphore_mem>>) src(%dma_wait3A_884 : memref<200xi32, #tpu.memory_space<hbm>>) dst(%dma_wait3A_883 : memref<200xi32, #tpu.memory_space<vmem>>)
    %dma_start3A_885 = arith.constant 3 : i32
    %dma_start3A_886 = arith.constant 0 : i32
    %dma_start3A_887 = arith.constant 0 : i32
    %dma_start3A_888 = tpu.memref_slice %arg6[%dma_start3A_885, %dma_start3A_886, %dma_start3A_887] : memref<4x200x128xf32, #tpu.memory_space<vmem>> -> memref<1x104x128xf32, #tpu.memory_space<vmem>>
    %dma_start3A_889 = tpu.memref_squeeze %dma_start3A_888 : memref<1x104x128xf32, #tpu.memory_space<vmem>> -> memref<104x128xf32, #tpu.memory_space<vmem>>
    %dma_start3A_890 = arith.constant 1400 : i32
    %dma_start3A_891 = tpu.memref_slice %arg7[%dma_start3A_890] : memref<3200xi32, #tpu.memory_space<vmem>> -> memref<104xi32, #tpu.memory_space<vmem>>
    %dma_start3A_892 = arith.constant 0 : i32
    %dma_start3A_893 = arith.constant 0 : i32
    %dma_start3A_894 = tpu.memref_slice %arg10[%dma_start3A_892, %dma_start3A_893] : memref<256x128xf32, #tpu.memory_space<vmem_shared>> -> memref<256x128xf32, #tpu.memory_space<vmem_shared>>
    tpu.enqueue_indirect_dma source(%dma_start3A_889 : memref<104x128xf32, #tpu.memory_space<vmem>>) target(%dma_start3A_894 : memref<256x128xf32, #tpu.memory_space<vmem_shared>>) offsets(%dma_start3A_891 : memref<104xi32, #tpu.memory_space<vmem>>) semaphore(%arg19 : memref<!tpu.dma_semaphore, #tpu.memory_space<semaphore_mem>>) {add = true}
    %dma_start3A_895 = arith.constant 0 : i32
    %dma_start3A_896 = tpu.memref_slice %arg8[%dma_start3A_895] : memref<112xf32, #tpu.memory_space<vmem>> -> memref<104xf32, #tpu.memory_space<vmem>>
    %dma_start3A_897 = arith.constant 1400 : i32
    %dma_start3A_898 = tpu.memref_slice %arg7[%dma_start3A_897] : memref<3200xi32, #tpu.memory_space<vmem>> -> memref<104xi32, #tpu.memory_space<vmem>>
    %dma_start3A_899 = arith.constant 0 : i32
    %dma_start3A_900 = tpu.memref_slice %arg11[%dma_start3A_899] : memref<256xf32, #tpu.memory_space<vmem_shared>> -> memref<256xf32, #tpu.memory_space<vmem_shared>>
    tpu.enqueue_indirect_dma source(%dma_start3A_896 : memref<104xf32, #tpu.memory_space<vmem>>) target(%dma_start3A_900 : memref<256xf32, #tpu.memory_space<vmem_shared>>) offsets(%dma_start3A_898 : memref<104xi32, #tpu.memory_space<vmem>>) semaphore(%arg20 : memref<!tpu.dma_semaphore, #tpu.memory_space<semaphore_mem>>) {add = true}
    %dma_start3A_901 = arith.constant 3 : i32
    %dma_start3A_902 = arith.constant 104 : i32
    %dma_start3A_903 = arith.constant 0 : i32
    %dma_start3A_904 = tpu.memref_slice %arg6[%dma_start3A_901, %dma_start3A_902, %dma_start3A_903] : memref<4x200x128xf32, #tpu.memory_space<vmem>> -> memref<1x96x128xf32, #tpu.memory_space<vmem>>
    %dma_start3A_905 = tpu.memref_squeeze %dma_start3A_904 : memref<1x96x128xf32, #tpu.memory_space<vmem>> -> memref<96x128xf32, #tpu.memory_space<vmem>>
    %dma_start3A_906 = arith.constant 1504 : i32
    %dma_start3A_907 = tpu.memref_slice %arg7[%dma_start3A_906] : memref<3200xi32, #tpu.memory_space<vmem>> -> memref<96xi32, #tpu.memory_space<vmem>>
    %dma_start3A_908 = arith.constant 0 : i32
    %dma_start3A_909 = arith.constant 0 : i32
    %dma_start3A_910 = tpu.memref_slice %arg10[%dma_start3A_908, %dma_start3A_909] : memref<256x128xf32, #tpu.memory_space<vmem_shared>> -> memref<256x128xf32, #tpu.memory_space<vmem_shared>>
    tpu.enqueue_indirect_dma source(%dma_start3A_905 : memref<96x128xf32, #tpu.memory_space<vmem>>) target(%dma_start3A_910 : memref<256x128xf32, #tpu.memory_space<vmem_shared>>) offsets(%dma_start3A_907 : memref<96xi32, #tpu.memory_space<vmem>>) semaphore(%arg19 : memref<!tpu.dma_semaphore, #tpu.memory_space<semaphore_mem>>) {add = true}
    %dma_start3A_911 = arith.constant 0 : i32
    %dma_start3A_912 = tpu.memref_slice %arg8[%dma_start3A_911] : memref<112xf32, #tpu.memory_space<vmem>> -> memref<96xf32, #tpu.memory_space<vmem>>
    %dma_start3A_913 = arith.constant 1504 : i32
    %dma_start3A_914 = tpu.memref_slice %arg7[%dma_start3A_913] : memref<3200xi32, #tpu.memory_space<vmem>> -> memref<96xi32, #tpu.memory_space<vmem>>
    %dma_start3A_915 = arith.constant 0 : i32
    %dma_start3A_916 = tpu.memref_slice %arg11[%dma_start3A_915] : memref<256xf32, #tpu.memory_space<vmem_shared>> -> memref<256xf32, #tpu.memory_space<vmem_shared>>
    tpu.enqueue_indirect_dma source(%dma_start3A_912 : memref<96xf32, #tpu.memory_space<vmem>>) target(%dma_start3A_916 : memref<256xf32, #tpu.memory_space<vmem_shared>>) offsets(%dma_start3A_914 : memref<96xi32, #tpu.memory_space<vmem>>) semaphore(%arg20 : memref<!tpu.dma_semaphore, #tpu.memory_space<semaphore_mem>>) {add = true}
    %dma_wait3A_917 = arith.constant 3 : i32
    %dma_wait3A_918 = arith.constant 0 : i32
    %dma_wait3A_919 = arith.constant 0 : i32
    %dma_wait3A_920 = tpu.memref_slice %arg6[%dma_wait3A_917, %dma_wait3A_918, %dma_wait3A_919] : memref<4x200x128xf32, #tpu.memory_space<vmem>> -> memref<1x104x128xf32, #tpu.memory_space<vmem>>
    %dma_wait3A_921 = tpu.memref_squeeze %dma_wait3A_920 : memref<1x104x128xf32, #tpu.memory_space<vmem>> -> memref<104x128xf32, #tpu.memory_space<vmem>>
    %dma_wait3A_922 = arith.constant 1400 : i32
    %dma_wait3A_923 = tpu.memref_slice %arg7[%dma_wait3A_922] : memref<3200xi32, #tpu.memory_space<vmem>> -> memref<104xi32, #tpu.memory_space<vmem>>
    %dma_wait3A_924 = arith.constant 0 : i32
    %dma_wait3A_925 = arith.constant 0 : i32
    %dma_wait3A_926 = tpu.memref_slice %arg10[%dma_wait3A_924, %dma_wait3A_925] : memref<256x128xf32, #tpu.memory_space<vmem_shared>> -> memref<256x128xf32, #tpu.memory_space<vmem_shared>>
    tpu.wait_indirect_dma semaphore(%arg19 : memref<!tpu.dma_semaphore, #tpu.memory_space<semaphore_mem>>) src(%dma_wait3A_921 : memref<104x128xf32, #tpu.memory_space<vmem>>) dst(%dma_wait3A_926 : memref<256x128xf32, #tpu.memory_space<vmem_shared>>)
    %dma_wait3A_927 = arith.constant 3 : i32
    %dma_wait3A_928 = arith.constant 104 : i32
    %dma_wait3A_929 = arith.constant 0 : i32
    %dma_wait3A_930 = tpu.memref_slice %arg6[%dma_wait3A_927, %dma_wait3A_928, %dma_wait3A_929] : memref<4x200x128xf32, #tpu.memory_space<vmem>> -> memref<1x96x128xf32, #tpu.memory_space<vmem>>
    %dma_wait3A_931 = tpu.memref_squeeze %dma_wait3A_930 : memref<1x96x128xf32, #tpu.memory_space<vmem>> -> memref<96x128xf32, #tpu.memory_space<vmem>>
    %dma_wait3A_932 = arith.constant 1504 : i32
    %dma_wait3A_933 = tpu.memref_slice %arg7[%dma_wait3A_932] : memref<3200xi32, #tpu.memory_space<vmem>> -> memref<96xi32, #tpu.memory_space<vmem>>
    %dma_wait3A_934 = arith.constant 0 : i32
    %dma_wait3A_935 = arith.constant 0 : i32
    %dma_wait3A_936 = tpu.memref_slice %arg10[%dma_wait3A_934, %dma_wait3A_935] : memref<256x128xf32, #tpu.memory_space<vmem_shared>> -> memref<256x128xf32, #tpu.memory_space<vmem_shared>>
    tpu.wait_indirect_dma semaphore(%arg19 : memref<!tpu.dma_semaphore, #tpu.memory_space<semaphore_mem>>) src(%dma_wait3A_931 : memref<96x128xf32, #tpu.memory_space<vmem>>) dst(%dma_wait3A_936 : memref<256x128xf32, #tpu.memory_space<vmem_shared>>)
    %add3A_937 = arith.constant 352 : i32
    %add3A_938 = arith.addi %add3A_937, %add3A : i32
    %mul3A_939 = arith.constant 200 : i32
    %mul3A_940 = arith.muli %add3A_938, %mul3A_939 : i32
    %dma_start3A_941 = arith.constant 3 : i32
    %dma_start3A_942 = arith.constant 0 : i32
    %dma_start3A_943 = arith.constant 0 : i32
    %dma_start3A_944 = tpu.memref_slice %arg6[%dma_start3A_941, %dma_start3A_942, %dma_start3A_943] : memref<4x200x128xf32, #tpu.memory_space<vmem>> -> memref<1x200x128xf32, #tpu.memory_space<vmem>>
    %dma_start3A_945 = tpu.memref_squeeze %dma_start3A_944 : memref<1x200x128xf32, #tpu.memory_space<vmem>> -> memref<200x128xf32, #tpu.memory_space<vmem>>
    %dma_start3A_946 = arith.constant 0 : i32
    %dma_start3A_947 = tpu.memref_slice %arg2[%mul3A_940, %dma_start3A_946] : memref<100000x128xf32, #tpu.memory_space<hbm>> -> memref<200x128xf32, #tpu.memory_space<hbm>>
    %dma_start3A_948 = arith.constant 0 : i32
    %dma_start3A_949 = arith.constant 0 : i32
    %dma_start3A_950 = tpu.memref_slice %arg6[%dma_start3A_941, %dma_start3A_948, %dma_start3A_949] : memref<4x200x128xf32, #tpu.memory_space<vmem>> -> memref<1x200x128xf32, #tpu.memory_space<vmem>>
    %dma_start3A_951 = tpu.memref_squeeze %dma_start3A_950 : memref<1x200x128xf32, #tpu.memory_space<vmem>> -> memref<200x128xf32, #tpu.memory_space<vmem>>
    %dma_start3A_952 = arith.constant 0 : i32
    %dma_start3A_953 = tpu.memref_slice %arg2[%mul3A_940, %dma_start3A_952] : memref<100000x128xf32, #tpu.memory_space<hbm>> -> memref<200x128xf32, #tpu.memory_space<hbm>>
    tpu.enqueue_dma source(%dma_start3A_953 : memref<200x128xf32, #tpu.memory_space<hbm>>) target(%dma_start3A_951 : memref<200x128xf32, #tpu.memory_space<vmem>>) target_semaphore(%arg15 : memref<!tpu.dma_semaphore, #tpu.memory_space<semaphore_mem>>)
    %dma_start3A_954 = arith.constant 2200 : i32
    %dma_start3A_955 = tpu.memref_slice %arg7[%dma_start3A_954] : memref<3200xi32, #tpu.memory_space<vmem>> -> memref<200xi32, #tpu.memory_space<vmem>>
    %dma_start3A_956 = tpu.memref_slice %arg3[%mul3A_940] : memref<100000xi32, #tpu.memory_space<hbm>> -> memref<200xi32, #tpu.memory_space<hbm>>
    %dma_start3A_957 = arith.constant 2200 : i32
    %dma_start3A_958 = tpu.memref_slice %arg7[%dma_start3A_957] : memref<3200xi32, #tpu.memory_space<vmem>> -> memref<200xi32, #tpu.memory_space<vmem>>
    %dma_start3A_959 = tpu.memref_slice %arg3[%mul3A_940] : memref<100000xi32, #tpu.memory_space<hbm>> -> memref<200xi32, #tpu.memory_space<hbm>>
    tpu.enqueue_dma source(%dma_start3A_959 : memref<200xi32, #tpu.memory_space<hbm>>) target(%dma_start3A_958 : memref<200xi32, #tpu.memory_space<vmem>>) target_semaphore(%arg15 : memref<!tpu.dma_semaphore, #tpu.memory_space<semaphore_mem>>)
    %dma_wait3A_960 = arith.constant 0 : i32
    %dma_wait3A_961 = tpu.memref_slice %arg8[%dma_wait3A_960] : memref<112xf32, #tpu.memory_space<vmem>> -> memref<104xf32, #tpu.memory_space<vmem>>
    %dma_wait3A_962 = arith.constant 1200 : i32
    %dma_wait3A_963 = tpu.memref_slice %arg7[%dma_wait3A_962] : memref<3200xi32, #tpu.memory_space<vmem>> -> memref<104xi32, #tpu.memory_space<vmem>>
    %dma_wait3A_964 = arith.constant 0 : i32
    %dma_wait3A_965 = tpu.memref_slice %arg11[%dma_wait3A_964] : memref<256xf32, #tpu.memory_space<vmem_shared>> -> memref<256xf32, #tpu.memory_space<vmem_shared>>
    tpu.wait_indirect_dma semaphore(%arg20 : memref<!tpu.dma_semaphore, #tpu.memory_space<semaphore_mem>>) src(%dma_wait3A_961 : memref<104xf32, #tpu.memory_space<vmem>>) dst(%dma_wait3A_965 : memref<256xf32, #tpu.memory_space<vmem_shared>>)
    %dma_wait3A_966 = arith.constant 0 : i32
    %dma_wait3A_967 = tpu.memref_slice %arg8[%dma_wait3A_966] : memref<112xf32, #tpu.memory_space<vmem>> -> memref<96xf32, #tpu.memory_space<vmem>>
    %dma_wait3A_968 = arith.constant 1304 : i32
    %dma_wait3A_969 = tpu.memref_slice %arg7[%dma_wait3A_968] : memref<3200xi32, #tpu.memory_space<vmem>> -> memref<96xi32, #tpu.memory_space<vmem>>
    %dma_wait3A_970 = arith.constant 0 : i32
    %dma_wait3A_971 = tpu.memref_slice %arg11[%dma_wait3A_970] : memref<256xf32, #tpu.memory_space<vmem_shared>> -> memref<256xf32, #tpu.memory_space<vmem_shared>>
    tpu.wait_indirect_dma semaphore(%arg20 : memref<!tpu.dma_semaphore, #tpu.memory_space<semaphore_mem>>) src(%dma_wait3A_967 : memref<96xf32, #tpu.memory_space<vmem>>) dst(%dma_wait3A_971 : memref<256xf32, #tpu.memory_space<vmem_shared>>)
    %dma_wait3A_972 = arith.constant 0 : i32
    %dma_wait3A_973 = arith.constant 0 : i32
    %dma_wait3A_974 = arith.constant 0 : i32
    %dma_wait3A_975 = tpu.memref_slice %arg6[%dma_wait3A_972, %dma_wait3A_973, %dma_wait3A_974] : memref<4x200x128xf32, #tpu.memory_space<vmem>> -> memref<1x200x128xf32, #tpu.memory_space<vmem>>
    %dma_wait3A_976 = tpu.memref_squeeze %dma_wait3A_975 : memref<1x200x128xf32, #tpu.memory_space<vmem>> -> memref<200x128xf32, #tpu.memory_space<vmem>>
    %dma_wait3A_977 = arith.constant 0 : i32
    %dma_wait3A_978 = tpu.memref_slice %arg2[%mul3A_622, %dma_wait3A_977] : memref<100000x128xf32, #tpu.memory_space<hbm>> -> memref<200x128xf32, #tpu.memory_space<hbm>>
    %dma_wait3A_979 = arith.constant 0 : i32
    %dma_wait3A_980 = arith.constant 0 : i32
    %dma_wait3A_981 = tpu.memref_slice %arg6[%dma_wait3A_972, %dma_wait3A_979, %dma_wait3A_980] : memref<4x200x128xf32, #tpu.memory_space<vmem>> -> memref<1x200x128xf32, #tpu.memory_space<vmem>>
    %dma_wait3A_982 = tpu.memref_squeeze %dma_wait3A_981 : memref<1x200x128xf32, #tpu.memory_space<vmem>> -> memref<200x128xf32, #tpu.memory_space<vmem>>
    %dma_wait3A_983 = arith.constant 0 : i32
    %dma_wait3A_984 = tpu.memref_slice %arg2[%mul3A_622, %dma_wait3A_983] : memref<100000x128xf32, #tpu.memory_space<hbm>> -> memref<200x128xf32, #tpu.memory_space<hbm>>
    tpu.wait_dma2 semaphore(%arg12 : memref<!tpu.dma_semaphore, #tpu.memory_space<semaphore_mem>>) src(%dma_wait3A_984 : memref<200x128xf32, #tpu.memory_space<hbm>>) dst(%dma_wait3A_982 : memref<200x128xf32, #tpu.memory_space<vmem>>)
    %dma_wait3A_985 = arith.constant 1600 : i32
    %dma_wait3A_986 = tpu.memref_slice %arg7[%dma_wait3A_985] : memref<3200xi32, #tpu.memory_space<vmem>> -> memref<200xi32, #tpu.memory_space<vmem>>
    %dma_wait3A_987 = tpu.memref_slice %arg3[%mul3A_622] : memref<100000xi32, #tpu.memory_space<hbm>> -> memref<200xi32, #tpu.memory_space<hbm>>
    %dma_wait3A_988 = arith.constant 1600 : i32
    %dma_wait3A_989 = tpu.memref_slice %arg7[%dma_wait3A_988] : memref<3200xi32, #tpu.memory_space<vmem>> -> memref<200xi32, #tpu.memory_space<vmem>>
    %dma_wait3A_990 = tpu.memref_slice %arg3[%mul3A_622] : memref<100000xi32, #tpu.memory_space<hbm>> -> memref<200xi32, #tpu.memory_space<hbm>>
    tpu.wait_dma2 semaphore(%arg12 : memref<!tpu.dma_semaphore, #tpu.memory_space<semaphore_mem>>) src(%dma_wait3A_990 : memref<200xi32, #tpu.memory_space<hbm>>) dst(%dma_wait3A_989 : memref<200xi32, #tpu.memory_space<vmem>>)
    %dma_start3A_991 = arith.constant 0 : i32
    %dma_start3A_992 = arith.constant 0 : i32
    %dma_start3A_993 = arith.constant 0 : i32
    %dma_start3A_994 = tpu.memref_slice %arg6[%dma_start3A_991, %dma_start3A_992, %dma_start3A_993] : memref<4x200x128xf32, #tpu.memory_space<vmem>> -> memref<1x104x128xf32, #tpu.memory_space<vmem>>
    %dma_start3A_995 = tpu.memref_squeeze %dma_start3A_994 : memref<1x104x128xf32, #tpu.memory_space<vmem>> -> memref<104x128xf32, #tpu.memory_space<vmem>>
    %dma_start3A_996 = arith.constant 1600 : i32
    %dma_start3A_997 = tpu.memref_slice %arg7[%dma_start3A_996] : memref<3200xi32, #tpu.memory_space<vmem>> -> memref<104xi32, #tpu.memory_space<vmem>>
    %dma_start3A_998 = arith.constant 0 : i32
    %dma_start3A_999 = arith.constant 0 : i32
    %dma_start3A_1000 = tpu.memref_slice %arg10[%dma_start3A_998, %dma_start3A_999] : memref<256x128xf32, #tpu.memory_space<vmem_shared>> -> memref<256x128xf32, #tpu.memory_space<vmem_shared>>
    tpu.enqueue_indirect_dma source(%dma_start3A_995 : memref<104x128xf32, #tpu.memory_space<vmem>>) target(%dma_start3A_1000 : memref<256x128xf32, #tpu.memory_space<vmem_shared>>) offsets(%dma_start3A_997 : memref<104xi32, #tpu.memory_space<vmem>>) semaphore(%arg16 : memref<!tpu.dma_semaphore, #tpu.memory_space<semaphore_mem>>) {add = true}
    %dma_start3A_1001 = arith.constant 0 : i32
    %dma_start3A_1002 = tpu.memref_slice %arg8[%dma_start3A_1001] : memref<112xf32, #tpu.memory_space<vmem>> -> memref<104xf32, #tpu.memory_space<vmem>>
    %dma_start3A_1003 = arith.constant 1600 : i32
    %dma_start3A_1004 = tpu.memref_slice %arg7[%dma_start3A_1003] : memref<3200xi32, #tpu.memory_space<vmem>> -> memref<104xi32, #tpu.memory_space<vmem>>
    %dma_start3A_1005 = arith.constant 0 : i32
    %dma_start3A_1006 = tpu.memref_slice %arg11[%dma_start3A_1005] : memref<256xf32, #tpu.memory_space<vmem_shared>> -> memref<256xf32, #tpu.memory_space<vmem_shared>>
    tpu.enqueue_indirect_dma source(%dma_start3A_1002 : memref<104xf32, #tpu.memory_space<vmem>>) target(%dma_start3A_1006 : memref<256xf32, #tpu.memory_space<vmem_shared>>) offsets(%dma_start3A_1004 : memref<104xi32, #tpu.memory_space<vmem>>) semaphore(%arg20 : memref<!tpu.dma_semaphore, #tpu.memory_space<semaphore_mem>>) {add = true}
    %dma_start3A_1007 = arith.constant 0 : i32
    %dma_start3A_1008 = arith.constant 104 : i32
    %dma_start3A_1009 = arith.constant 0 : i32
    %dma_start3A_1010 = tpu.memref_slice %arg6[%dma_start3A_1007, %dma_start3A_1008, %dma_start3A_1009] : memref<4x200x128xf32, #tpu.memory_space<vmem>> -> memref<1x96x128xf32, #tpu.memory_space<vmem>>
    %dma_start3A_1011 = tpu.memref_squeeze %dma_start3A_1010 : memref<1x96x128xf32, #tpu.memory_space<vmem>> -> memref<96x128xf32, #tpu.memory_space<vmem>>
    %dma_start3A_1012 = arith.constant 1704 : i32
    %dma_start3A_1013 = tpu.memref_slice %arg7[%dma_start3A_1012] : memref<3200xi32, #tpu.memory_space<vmem>> -> memref<96xi32, #tpu.memory_space<vmem>>
    %dma_start3A_1014 = arith.constant 0 : i32
    %dma_start3A_1015 = arith.constant 0 : i32
    %dma_start3A_1016 = tpu.memref_slice %arg10[%dma_start3A_1014, %dma_start3A_1015] : memref<256x128xf32, #tpu.memory_space<vmem_shared>> -> memref<256x128xf32, #tpu.memory_space<vmem_shared>>
    tpu.enqueue_indirect_dma source(%dma_start3A_1011 : memref<96x128xf32, #tpu.memory_space<vmem>>) target(%dma_start3A_1016 : memref<256x128xf32, #tpu.memory_space<vmem_shared>>) offsets(%dma_start3A_1013 : memref<96xi32, #tpu.memory_space<vmem>>) semaphore(%arg16 : memref<!tpu.dma_semaphore, #tpu.memory_space<semaphore_mem>>) {add = true}
    %dma_start3A_1017 = arith.constant 0 : i32
    %dma_start3A_1018 = tpu.memref_slice %arg8[%dma_start3A_1017] : memref<112xf32, #tpu.memory_space<vmem>> -> memref<96xf32, #tpu.memory_space<vmem>>
    %dma_start3A_1019 = arith.constant 1704 : i32
    %dma_start3A_1020 = tpu.memref_slice %arg7[%dma_start3A_1019] : memref<3200xi32, #tpu.memory_space<vmem>> -> memref<96xi32, #tpu.memory_space<vmem>>
    %dma_start3A_1021 = arith.constant 0 : i32
    %dma_start3A_1022 = tpu.memref_slice %arg11[%dma_start3A_1021] : memref<256xf32, #tpu.memory_space<vmem_shared>> -> memref<256xf32, #tpu.memory_space<vmem_shared>>
    tpu.enqueue_indirect_dma source(%dma_start3A_1018 : memref<96xf32, #tpu.memory_space<vmem>>) target(%dma_start3A_1022 : memref<256xf32, #tpu.memory_space<vmem_shared>>) offsets(%dma_start3A_1020 : memref<96xi32, #tpu.memory_space<vmem>>) semaphore(%arg20 : memref<!tpu.dma_semaphore, #tpu.memory_space<semaphore_mem>>) {add = true}
    %dma_wait3A_1023 = arith.constant 0 : i32
    %dma_wait3A_1024 = arith.constant 0 : i32
    %dma_wait3A_1025 = arith.constant 0 : i32
    %dma_wait3A_1026 = tpu.memref_slice %arg6[%dma_wait3A_1023, %dma_wait3A_1024, %dma_wait3A_1025] : memref<4x200x128xf32, #tpu.memory_space<vmem>> -> memref<1x104x128xf32, #tpu.memory_space<vmem>>
    %dma_wait3A_1027 = tpu.memref_squeeze %dma_wait3A_1026 : memref<1x104x128xf32, #tpu.memory_space<vmem>> -> memref<104x128xf32, #tpu.memory_space<vmem>>
    %dma_wait3A_1028 = arith.constant 1600 : i32
    %dma_wait3A_1029 = tpu.memref_slice %arg7[%dma_wait3A_1028] : memref<3200xi32, #tpu.memory_space<vmem>> -> memref<104xi32, #tpu.memory_space<vmem>>
    %dma_wait3A_1030 = arith.constant 0 : i32
    %dma_wait3A_1031 = arith.constant 0 : i32
    %dma_wait3A_1032 = tpu.memref_slice %arg10[%dma_wait3A_1030, %dma_wait3A_1031] : memref<256x128xf32, #tpu.memory_space<vmem_shared>> -> memref<256x128xf32, #tpu.memory_space<vmem_shared>>
    tpu.wait_indirect_dma semaphore(%arg16 : memref<!tpu.dma_semaphore, #tpu.memory_space<semaphore_mem>>) src(%dma_wait3A_1027 : memref<104x128xf32, #tpu.memory_space<vmem>>) dst(%dma_wait3A_1032 : memref<256x128xf32, #tpu.memory_space<vmem_shared>>)
    %dma_wait3A_1033 = arith.constant 0 : i32
    %dma_wait3A_1034 = arith.constant 104 : i32
    %dma_wait3A_1035 = arith.constant 0 : i32
    %dma_wait3A_1036 = tpu.memref_slice %arg6[%dma_wait3A_1033, %dma_wait3A_1034, %dma_wait3A_1035] : memref<4x200x128xf32, #tpu.memory_space<vmem>> -> memref<1x96x128xf32, #tpu.memory_space<vmem>>
    %dma_wait3A_1037 = tpu.memref_squeeze %dma_wait3A_1036 : memref<1x96x128xf32, #tpu.memory_space<vmem>> -> memref<96x128xf32, #tpu.memory_space<vmem>>
    %dma_wait3A_1038 = arith.constant 1704 : i32
    %dma_wait3A_1039 = tpu.memref_slice %arg7[%dma_wait3A_1038] : memref<3200xi32, #tpu.memory_space<vmem>> -> memref<96xi32, #tpu.memory_space<vmem>>
    %dma_wait3A_1040 = arith.constant 0 : i32
    %dma_wait3A_1041 = arith.constant 0 : i32
    %dma_wait3A_1042 = tpu.memref_slice %arg10[%dma_wait3A_1040, %dma_wait3A_1041] : memref<256x128xf32, #tpu.memory_space<vmem_shared>> -> memref<256x128xf32, #tpu.memory_space<vmem_shared>>
    tpu.wait_indirect_dma semaphore(%arg16 : memref<!tpu.dma_semaphore, #tpu.memory_space<semaphore_mem>>) src(%dma_wait3A_1037 : memref<96x128xf32, #tpu.memory_space<vmem>>) dst(%dma_wait3A_1042 : memref<256x128xf32, #tpu.memory_space<vmem_shared>>)
    %add3A_1043 = arith.constant 384 : i32
    %add3A_1044 = arith.addi %add3A_1043, %add3A : i32
    %mul3A_1045 = arith.constant 200 : i32
    %mul3A_1046 = arith.muli %add3A_1044, %mul3A_1045 : i32
    %dma_start3A_1047 = arith.constant 0 : i32
    %dma_start3A_1048 = arith.constant 0 : i32
    %dma_start3A_1049 = arith.constant 0 : i32
    %dma_start3A_1050 = tpu.memref_slice %arg6[%dma_start3A_1047, %dma_start3A_1048, %dma_start3A_1049] : memref<4x200x128xf32, #tpu.memory_space<vmem>> -> memref<1x200x128xf32, #tpu.memory_space<vmem>>
    %dma_start3A_1051 = tpu.memref_squeeze %dma_start3A_1050 : memref<1x200x128xf32, #tpu.memory_space<vmem>> -> memref<200x128xf32, #tpu.memory_space<vmem>>
    %dma_start3A_1052 = arith.constant 0 : i32
    %dma_start3A_1053 = tpu.memref_slice %arg2[%mul3A_1046, %dma_start3A_1052] : memref<100000x128xf32, #tpu.memory_space<hbm>> -> memref<200x128xf32, #tpu.memory_space<hbm>>
    %dma_start3A_1054 = arith.constant 0 : i32
    %dma_start3A_1055 = arith.constant 0 : i32
    %dma_start3A_1056 = tpu.memref_slice %arg6[%dma_start3A_1047, %dma_start3A_1054, %dma_start3A_1055] : memref<4x200x128xf32, #tpu.memory_space<vmem>> -> memref<1x200x128xf32, #tpu.memory_space<vmem>>
    %dma_start3A_1057 = tpu.memref_squeeze %dma_start3A_1056 : memref<1x200x128xf32, #tpu.memory_space<vmem>> -> memref<200x128xf32, #tpu.memory_space<vmem>>
    %dma_start3A_1058 = arith.constant 0 : i32
    %dma_start3A_1059 = tpu.memref_slice %arg2[%mul3A_1046, %dma_start3A_1058] : memref<100000x128xf32, #tpu.memory_space<hbm>> -> memref<200x128xf32, #tpu.memory_space<hbm>>
    tpu.enqueue_dma source(%dma_start3A_1059 : memref<200x128xf32, #tpu.memory_space<hbm>>) target(%dma_start3A_1057 : memref<200x128xf32, #tpu.memory_space<vmem>>) target_semaphore(%arg12 : memref<!tpu.dma_semaphore, #tpu.memory_space<semaphore_mem>>)
    %dma_start3A_1060 = arith.constant 2400 : i32
    %dma_start3A_1061 = tpu.memref_slice %arg7[%dma_start3A_1060] : memref<3200xi32, #tpu.memory_space<vmem>> -> memref<200xi32, #tpu.memory_space<vmem>>
    %dma_start3A_1062 = tpu.memref_slice %arg3[%mul3A_1046] : memref<100000xi32, #tpu.memory_space<hbm>> -> memref<200xi32, #tpu.memory_space<hbm>>
    %dma_start3A_1063 = arith.constant 2400 : i32
    %dma_start3A_1064 = tpu.memref_slice %arg7[%dma_start3A_1063] : memref<3200xi32, #tpu.memory_space<vmem>> -> memref<200xi32, #tpu.memory_space<vmem>>
    %dma_start3A_1065 = tpu.memref_slice %arg3[%mul3A_1046] : memref<100000xi32, #tpu.memory_space<hbm>> -> memref<200xi32, #tpu.memory_space<hbm>>
    tpu.enqueue_dma source(%dma_start3A_1065 : memref<200xi32, #tpu.memory_space<hbm>>) target(%dma_start3A_1064 : memref<200xi32, #tpu.memory_space<vmem>>) target_semaphore(%arg12 : memref<!tpu.dma_semaphore, #tpu.memory_space<semaphore_mem>>)
    %dma_wait3A_1066 = arith.constant 0 : i32
    %dma_wait3A_1067 = tpu.memref_slice %arg8[%dma_wait3A_1066] : memref<112xf32, #tpu.memory_space<vmem>> -> memref<104xf32, #tpu.memory_space<vmem>>
    %dma_wait3A_1068 = arith.constant 1400 : i32
    %dma_wait3A_1069 = tpu.memref_slice %arg7[%dma_wait3A_1068] : memref<3200xi32, #tpu.memory_space<vmem>> -> memref<104xi32, #tpu.memory_space<vmem>>
    %dma_wait3A_1070 = arith.constant 0 : i32
    %dma_wait3A_1071 = tpu.memref_slice %arg11[%dma_wait3A_1070] : memref<256xf32, #tpu.memory_space<vmem_shared>> -> memref<256xf32, #tpu.memory_space<vmem_shared>>
    tpu.wait_indirect_dma semaphore(%arg20 : memref<!tpu.dma_semaphore, #tpu.memory_space<semaphore_mem>>) src(%dma_wait3A_1067 : memref<104xf32, #tpu.memory_space<vmem>>) dst(%dma_wait3A_1071 : memref<256xf32, #tpu.memory_space<vmem_shared>>)
    %dma_wait3A_1072 = arith.constant 0 : i32
    %dma_wait3A_1073 = tpu.memref_slice %arg8[%dma_wait3A_1072] : memref<112xf32, #tpu.memory_space<vmem>> -> memref<96xf32, #tpu.memory_space<vmem>>
    %dma_wait3A_1074 = arith.constant 1504 : i32
    %dma_wait3A_1075 = tpu.memref_slice %arg7[%dma_wait3A_1074] : memref<3200xi32, #tpu.memory_space<vmem>> -> memref<96xi32, #tpu.memory_space<vmem>>
    %dma_wait3A_1076 = arith.constant 0 : i32
    %dma_wait3A_1077 = tpu.memref_slice %arg11[%dma_wait3A_1076] : memref<256xf32, #tpu.memory_space<vmem_shared>> -> memref<256xf32, #tpu.memory_space<vmem_shared>>
    tpu.wait_indirect_dma semaphore(%arg20 : memref<!tpu.dma_semaphore, #tpu.memory_space<semaphore_mem>>) src(%dma_wait3A_1073 : memref<96xf32, #tpu.memory_space<vmem>>) dst(%dma_wait3A_1077 : memref<256xf32, #tpu.memory_space<vmem_shared>>)
    %dma_wait3A_1078 = arith.constant 1 : i32
    %dma_wait3A_1079 = arith.constant 0 : i32
    %dma_wait3A_1080 = arith.constant 0 : i32
    %dma_wait3A_1081 = tpu.memref_slice %arg6[%dma_wait3A_1078, %dma_wait3A_1079, %dma_wait3A_1080] : memref<4x200x128xf32, #tpu.memory_space<vmem>> -> memref<1x200x128xf32, #tpu.memory_space<vmem>>
    %dma_wait3A_1082 = tpu.memref_squeeze %dma_wait3A_1081 : memref<1x200x128xf32, #tpu.memory_space<vmem>> -> memref<200x128xf32, #tpu.memory_space<vmem>>
    %dma_wait3A_1083 = arith.constant 0 : i32
    %dma_wait3A_1084 = tpu.memref_slice %arg2[%mul3A_728, %dma_wait3A_1083] : memref<100000x128xf32, #tpu.memory_space<hbm>> -> memref<200x128xf32, #tpu.memory_space<hbm>>
    %dma_wait3A_1085 = arith.constant 0 : i32
    %dma_wait3A_1086 = arith.constant 0 : i32
    %dma_wait3A_1087 = tpu.memref_slice %arg6[%dma_wait3A_1078, %dma_wait3A_1085, %dma_wait3A_1086] : memref<4x200x128xf32, #tpu.memory_space<vmem>> -> memref<1x200x128xf32, #tpu.memory_space<vmem>>
    %dma_wait3A_1088 = tpu.memref_squeeze %dma_wait3A_1087 : memref<1x200x128xf32, #tpu.memory_space<vmem>> -> memref<200x128xf32, #tpu.memory_space<vmem>>
    %dma_wait3A_1089 = arith.constant 0 : i32
    %dma_wait3A_1090 = tpu.memref_slice %arg2[%mul3A_728, %dma_wait3A_1089] : memref<100000x128xf32, #tpu.memory_space<hbm>> -> memref<200x128xf32, #tpu.memory_space<hbm>>
    tpu.wait_dma2 semaphore(%arg13 : memref<!tpu.dma_semaphore, #tpu.memory_space<semaphore_mem>>) src(%dma_wait3A_1090 : memref<200x128xf32, #tpu.memory_space<hbm>>) dst(%dma_wait3A_1088 : memref<200x128xf32, #tpu.memory_space<vmem>>)
    %dma_wait3A_1091 = arith.constant 1800 : i32
    %dma_wait3A_1092 = tpu.memref_slice %arg7[%dma_wait3A_1091] : memref<3200xi32, #tpu.memory_space<vmem>> -> memref<200xi32, #tpu.memory_space<vmem>>
    %dma_wait3A_1093 = tpu.memref_slice %arg3[%mul3A_728] : memref<100000xi32, #tpu.memory_space<hbm>> -> memref<200xi32, #tpu.memory_space<hbm>>
    %dma_wait3A_1094 = arith.constant 1800 : i32
    %dma_wait3A_1095 = tpu.memref_slice %arg7[%dma_wait3A_1094] : memref<3200xi32, #tpu.memory_space<vmem>> -> memref<200xi32, #tpu.memory_space<vmem>>
    %dma_wait3A_1096 = tpu.memref_slice %arg3[%mul3A_728] : memref<100000xi32, #tpu.memory_space<hbm>> -> memref<200xi32, #tpu.memory_space<hbm>>
    tpu.wait_dma2 semaphore(%arg13 : memref<!tpu.dma_semaphore, #tpu.memory_space<semaphore_mem>>) src(%dma_wait3A_1096 : memref<200xi32, #tpu.memory_space<hbm>>) dst(%dma_wait3A_1095 : memref<200xi32, #tpu.memory_space<vmem>>)
    %dma_start3A_1097 = arith.constant 1 : i32
    %dma_start3A_1098 = arith.constant 0 : i32
    %dma_start3A_1099 = arith.constant 0 : i32
    %dma_start3A_1100 = tpu.memref_slice %arg6[%dma_start3A_1097, %dma_start3A_1098, %dma_start3A_1099] : memref<4x200x128xf32, #tpu.memory_space<vmem>> -> memref<1x104x128xf32, #tpu.memory_space<vmem>>
    %dma_start3A_1101 = tpu.memref_squeeze %dma_start3A_1100 : memref<1x104x128xf32, #tpu.memory_space<vmem>> -> memref<104x128xf32, #tpu.memory_space<vmem>>
    %dma_start3A_1102 = arith.constant 1800 : i32
    %dma_start3A_1103 = tpu.memref_slice %arg7[%dma_start3A_1102] : memref<3200xi32, #tpu.memory_space<vmem>> -> memref<104xi32, #tpu.memory_space<vmem>>
    %dma_start3A_1104 = arith.constant 0 : i32
    %dma_start3A_1105 = arith.constant 0 : i32
    %dma_start3A_1106 = tpu.memref_slice %arg10[%dma_start3A_1104, %dma_start3A_1105] : memref<256x128xf32, #tpu.memory_space<vmem_shared>> -> memref<256x128xf32, #tpu.memory_space<vmem_shared>>
    tpu.enqueue_indirect_dma source(%dma_start3A_1101 : memref<104x128xf32, #tpu.memory_space<vmem>>) target(%dma_start3A_1106 : memref<256x128xf32, #tpu.memory_space<vmem_shared>>) offsets(%dma_start3A_1103 : memref<104xi32, #tpu.memory_space<vmem>>) semaphore(%arg17 : memref<!tpu.dma_semaphore, #tpu.memory_space<semaphore_mem>>) {add = true}
    %dma_start3A_1107 = arith.constant 0 : i32
    %dma_start3A_1108 = tpu.memref_slice %arg8[%dma_start3A_1107] : memref<112xf32, #tpu.memory_space<vmem>> -> memref<104xf32, #tpu.memory_space<vmem>>
    %dma_start3A_1109 = arith.constant 1800 : i32
    %dma_start3A_1110 = tpu.memref_slice %arg7[%dma_start3A_1109] : memref<3200xi32, #tpu.memory_space<vmem>> -> memref<104xi32, #tpu.memory_space<vmem>>
    %dma_start3A_1111 = arith.constant 0 : i32
    %dma_start3A_1112 = tpu.memref_slice %arg11[%dma_start3A_1111] : memref<256xf32, #tpu.memory_space<vmem_shared>> -> memref<256xf32, #tpu.memory_space<vmem_shared>>
    tpu.enqueue_indirect_dma source(%dma_start3A_1108 : memref<104xf32, #tpu.memory_space<vmem>>) target(%dma_start3A_1112 : memref<256xf32, #tpu.memory_space<vmem_shared>>) offsets(%dma_start3A_1110 : memref<104xi32, #tpu.memory_space<vmem>>) semaphore(%arg20 : memref<!tpu.dma_semaphore, #tpu.memory_space<semaphore_mem>>) {add = true}
    %dma_start3A_1113 = arith.constant 1 : i32
    %dma_start3A_1114 = arith.constant 104 : i32
    %dma_start3A_1115 = arith.constant 0 : i32
    %dma_start3A_1116 = tpu.memref_slice %arg6[%dma_start3A_1113, %dma_start3A_1114, %dma_start3A_1115] : memref<4x200x128xf32, #tpu.memory_space<vmem>> -> memref<1x96x128xf32, #tpu.memory_space<vmem>>
    %dma_start3A_1117 = tpu.memref_squeeze %dma_start3A_1116 : memref<1x96x128xf32, #tpu.memory_space<vmem>> -> memref<96x128xf32, #tpu.memory_space<vmem>>
    %dma_start3A_1118 = arith.constant 1904 : i32
    %dma_start3A_1119 = tpu.memref_slice %arg7[%dma_start3A_1118] : memref<3200xi32, #tpu.memory_space<vmem>> -> memref<96xi32, #tpu.memory_space<vmem>>
    %dma_start3A_1120 = arith.constant 0 : i32
    %dma_start3A_1121 = arith.constant 0 : i32
    %dma_start3A_1122 = tpu.memref_slice %arg10[%dma_start3A_1120, %dma_start3A_1121] : memref<256x128xf32, #tpu.memory_space<vmem_shared>> -> memref<256x128xf32, #tpu.memory_space<vmem_shared>>
    tpu.enqueue_indirect_dma source(%dma_start3A_1117 : memref<96x128xf32, #tpu.memory_space<vmem>>) target(%dma_start3A_1122 : memref<256x128xf32, #tpu.memory_space<vmem_shared>>) offsets(%dma_start3A_1119 : memref<96xi32, #tpu.memory_space<vmem>>) semaphore(%arg17 : memref<!tpu.dma_semaphore, #tpu.memory_space<semaphore_mem>>) {add = true}
    %dma_start3A_1123 = arith.constant 0 : i32
    %dma_start3A_1124 = tpu.memref_slice %arg8[%dma_start3A_1123] : memref<112xf32, #tpu.memory_space<vmem>> -> memref<96xf32, #tpu.memory_space<vmem>>
    %dma_start3A_1125 = arith.constant 1904 : i32
    %dma_start3A_1126 = tpu.memref_slice %arg7[%dma_start3A_1125] : memref<3200xi32, #tpu.memory_space<vmem>> -> memref<96xi32, #tpu.memory_space<vmem>>
    %dma_start3A_1127 = arith.constant 0 : i32
    %dma_start3A_1128 = tpu.memref_slice %arg11[%dma_start3A_1127] : memref<256xf32, #tpu.memory_space<vmem_shared>> -> memref<256xf32, #tpu.memory_space<vmem_shared>>
    tpu.enqueue_indirect_dma source(%dma_start3A_1124 : memref<96xf32, #tpu.memory_space<vmem>>) target(%dma_start3A_1128 : memref<256xf32, #tpu.memory_space<vmem_shared>>) offsets(%dma_start3A_1126 : memref<96xi32, #tpu.memory_space<vmem>>) semaphore(%arg20 : memref<!tpu.dma_semaphore, #tpu.memory_space<semaphore_mem>>) {add = true}
    %dma_wait3A_1129 = arith.constant 1 : i32
    %dma_wait3A_1130 = arith.constant 0 : i32
    %dma_wait3A_1131 = arith.constant 0 : i32
    %dma_wait3A_1132 = tpu.memref_slice %arg6[%dma_wait3A_1129, %dma_wait3A_1130, %dma_wait3A_1131] : memref<4x200x128xf32, #tpu.memory_space<vmem>> -> memref<1x104x128xf32, #tpu.memory_space<vmem>>
    %dma_wait3A_1133 = tpu.memref_squeeze %dma_wait3A_1132 : memref<1x104x128xf32, #tpu.memory_space<vmem>> -> memref<104x128xf32, #tpu.memory_space<vmem>>
    %dma_wait3A_1134 = arith.constant 1800 : i32
    %dma_wait3A_1135 = tpu.memref_slice %arg7[%dma_wait3A_1134] : memref<3200xi32, #tpu.memory_space<vmem>> -> memref<104xi32, #tpu.memory_space<vmem>>
    %dma_wait3A_1136 = arith.constant 0 : i32
    %dma_wait3A_1137 = arith.constant 0 : i32
    %dma_wait3A_1138 = tpu.memref_slice %arg10[%dma_wait3A_1136, %dma_wait3A_1137] : memref<256x128xf32, #tpu.memory_space<vmem_shared>> -> memref<256x128xf32, #tpu.memory_space<vmem_shared>>
    tpu.wait_indirect_dma semaphore(%arg17 : memref<!tpu.dma_semaphore, #tpu.memory_space<semaphore_mem>>) src(%dma_wait3A_1133 : memref<104x128xf32, #tpu.memory_space<vmem>>) dst(%dma_wait3A_1138 : memref<256x128xf32, #tpu.memory_space<vmem_shared>>)
    %dma_wait3A_1139 = arith.constant 1 : i32
    %dma_wait3A_1140 = arith.constant 104 : i32
    %dma_wait3A_1141 = arith.constant 0 : i32
    %dma_wait3A_1142 = tpu.memref_slice %arg6[%dma_wait3A_1139, %dma_wait3A_1140, %dma_wait3A_1141] : memref<4x200x128xf32, #tpu.memory_space<vmem>> -> memref<1x96x128xf32, #tpu.memory_space<vmem>>
    %dma_wait3A_1143 = tpu.memref_squeeze %dma_wait3A_1142 : memref<1x96x128xf32, #tpu.memory_space<vmem>> -> memref<96x128xf32, #tpu.memory_space<vmem>>
    %dma_wait3A_1144 = arith.constant 1904 : i32
    %dma_wait3A_1145 = tpu.memref_slice %arg7[%dma_wait3A_1144] : memref<3200xi32, #tpu.memory_space<vmem>> -> memref<96xi32, #tpu.memory_space<vmem>>
    %dma_wait3A_1146 = arith.constant 0 : i32
    %dma_wait3A_1147 = arith.constant 0 : i32
    %dma_wait3A_1148 = tpu.memref_slice %arg10[%dma_wait3A_1146, %dma_wait3A_1147] : memref<256x128xf32, #tpu.memory_space<vmem_shared>> -> memref<256x128xf32, #tpu.memory_space<vmem_shared>>
    tpu.wait_indirect_dma semaphore(%arg17 : memref<!tpu.dma_semaphore, #tpu.memory_space<semaphore_mem>>) src(%dma_wait3A_1143 : memref<96x128xf32, #tpu.memory_space<vmem>>) dst(%dma_wait3A_1148 : memref<256x128xf32, #tpu.memory_space<vmem_shared>>)
    %add3A_1149 = arith.constant 416 : i32
    %add3A_1150 = arith.addi %add3A_1149, %add3A : i32
    %mul3A_1151 = arith.constant 200 : i32
    %mul3A_1152 = arith.muli %add3A_1150, %mul3A_1151 : i32
    %dma_start3A_1153 = arith.constant 1 : i32
    %dma_start3A_1154 = arith.constant 0 : i32
    %dma_start3A_1155 = arith.constant 0 : i32
    %dma_start3A_1156 = tpu.memref_slice %arg6[%dma_start3A_1153, %dma_start3A_1154, %dma_start3A_1155] : memref<4x200x128xf32, #tpu.memory_space<vmem>> -> memref<1x200x128xf32, #tpu.memory_space<vmem>>
    %dma_start3A_1157 = tpu.memref_squeeze %dma_start3A_1156 : memref<1x200x128xf32, #tpu.memory_space<vmem>> -> memref<200x128xf32, #tpu.memory_space<vmem>>
    %dma_start3A_1158 = arith.constant 0 : i32
    %dma_start3A_1159 = tpu.memref_slice %arg2[%mul3A_1152, %dma_start3A_1158] : memref<100000x128xf32, #tpu.memory_space<hbm>> -> memref<200x128xf32, #tpu.memory_space<hbm>>
    %dma_start3A_1160 = arith.constant 0 : i32
    %dma_start3A_1161 = arith.constant 0 : i32
    %dma_start3A_1162 = tpu.memref_slice %arg6[%dma_start3A_1153, %dma_start3A_1160, %dma_start3A_1161] : memref<4x200x128xf32, #tpu.memory_space<vmem>> -> memref<1x200x128xf32, #tpu.memory_space<vmem>>
    %dma_start3A_1163 = tpu.memref_squeeze %dma_start3A_1162 : memref<1x200x128xf32, #tpu.memory_space<vmem>> -> memref<200x128xf32, #tpu.memory_space<vmem>>
    %dma_start3A_1164 = arith.constant 0 : i32
    %dma_start3A_1165 = tpu.memref_slice %arg2[%mul3A_1152, %dma_start3A_1164] : memref<100000x128xf32, #tpu.memory_space<hbm>> -> memref<200x128xf32, #tpu.memory_space<hbm>>
    tpu.enqueue_dma source(%dma_start3A_1165 : memref<200x128xf32, #tpu.memory_space<hbm>>) target(%dma_start3A_1163 : memref<200x128xf32, #tpu.memory_space<vmem>>) target_semaphore(%arg13 : memref<!tpu.dma_semaphore, #tpu.memory_space<semaphore_mem>>)
    %dma_start3A_1166 = arith.constant 2600 : i32
    %dma_start3A_1167 = tpu.memref_slice %arg7[%dma_start3A_1166] : memref<3200xi32, #tpu.memory_space<vmem>> -> memref<200xi32, #tpu.memory_space<vmem>>
    %dma_start3A_1168 = tpu.memref_slice %arg3[%mul3A_1152] : memref<100000xi32, #tpu.memory_space<hbm>> -> memref<200xi32, #tpu.memory_space<hbm>>
    %dma_start3A_1169 = arith.constant 2600 : i32
    %dma_start3A_1170 = tpu.memref_slice %arg7[%dma_start3A_1169] : memref<3200xi32, #tpu.memory_space<vmem>> -> memref<200xi32, #tpu.memory_space<vmem>>
    %dma_start3A_1171 = tpu.memref_slice %arg3[%mul3A_1152] : memref<100000xi32, #tpu.memory_space<hbm>> -> memref<200xi32, #tpu.memory_space<hbm>>
    tpu.enqueue_dma source(%dma_start3A_1171 : memref<200xi32, #tpu.memory_space<hbm>>) target(%dma_start3A_1170 : memref<200xi32, #tpu.memory_space<vmem>>) target_semaphore(%arg13 : memref<!tpu.dma_semaphore, #tpu.memory_space<semaphore_mem>>)
    %dma_wait3A_1172 = arith.constant 0 : i32
    %dma_wait3A_1173 = tpu.memref_slice %arg8[%dma_wait3A_1172] : memref<112xf32, #tpu.memory_space<vmem>> -> memref<104xf32, #tpu.memory_space<vmem>>
    %dma_wait3A_1174 = arith.constant 1600 : i32
    %dma_wait3A_1175 = tpu.memref_slice %arg7[%dma_wait3A_1174] : memref<3200xi32, #tpu.memory_space<vmem>> -> memref<104xi32, #tpu.memory_space<vmem>>
    %dma_wait3A_1176 = arith.constant 0 : i32
    %dma_wait3A_1177 = tpu.memref_slice %arg11[%dma_wait3A_1176] : memref<256xf32, #tpu.memory_space<vmem_shared>> -> memref<256xf32, #tpu.memory_space<vmem_shared>>
    tpu.wait_indirect_dma semaphore(%arg20 : memref<!tpu.dma_semaphore, #tpu.memory_space<semaphore_mem>>) src(%dma_wait3A_1173 : memref<104xf32, #tpu.memory_space<vmem>>) dst(%dma_wait3A_1177 : memref<256xf32, #tpu.memory_space<vmem_shared>>)
    %dma_wait3A_1178 = arith.constant 0 : i32
    %dma_wait3A_1179 = tpu.memref_slice %arg8[%dma_wait3A_1178] : memref<112xf32, #tpu.memory_space<vmem>> -> memref<96xf32, #tpu.memory_space<vmem>>
    %dma_wait3A_1180 = arith.constant 1704 : i32
    %dma_wait3A_1181 = tpu.memref_slice %arg7[%dma_wait3A_1180] : memref<3200xi32, #tpu.memory_space<vmem>> -> memref<96xi32, #tpu.memory_space<vmem>>
    %dma_wait3A_1182 = arith.constant 0 : i32
    %dma_wait3A_1183 = tpu.memref_slice %arg11[%dma_wait3A_1182] : memref<256xf32, #tpu.memory_space<vmem_shared>> -> memref<256xf32, #tpu.memory_space<vmem_shared>>
    tpu.wait_indirect_dma semaphore(%arg20 : memref<!tpu.dma_semaphore, #tpu.memory_space<semaphore_mem>>) src(%dma_wait3A_1179 : memref<96xf32, #tpu.memory_space<vmem>>) dst(%dma_wait3A_1183 : memref<256xf32, #tpu.memory_space<vmem_shared>>)
    %dma_wait3A_1184 = arith.constant 2 : i32
    %dma_wait3A_1185 = arith.constant 0 : i32
    %dma_wait3A_1186 = arith.constant 0 : i32
    %dma_wait3A_1187 = tpu.memref_slice %arg6[%dma_wait3A_1184, %dma_wait3A_1185, %dma_wait3A_1186] : memref<4x200x128xf32, #tpu.memory_space<vmem>> -> memref<1x200x128xf32, #tpu.memory_space<vmem>>
    %dma_wait3A_1188 = tpu.memref_squeeze %dma_wait3A_1187 : memref<1x200x128xf32, #tpu.memory_space<vmem>> -> memref<200x128xf32, #tpu.memory_space<vmem>>
    %dma_wait3A_1189 = arith.constant 0 : i32
    %dma_wait3A_1190 = tpu.memref_slice %arg2[%mul3A_834, %dma_wait3A_1189] : memref<100000x128xf32, #tpu.memory_space<hbm>> -> memref<200x128xf32, #tpu.memory_space<hbm>>
    %dma_wait3A_1191 = arith.constant 0 : i32
    %dma_wait3A_1192 = arith.constant 0 : i32
    %dma_wait3A_1193 = tpu.memref_slice %arg6[%dma_wait3A_1184, %dma_wait3A_1191, %dma_wait3A_1192] : memref<4x200x128xf32, #tpu.memory_space<vmem>> -> memref<1x200x128xf32, #tpu.memory_space<vmem>>
    %dma_wait3A_1194 = tpu.memref_squeeze %dma_wait3A_1193 : memref<1x200x128xf32, #tpu.memory_space<vmem>> -> memref<200x128xf32, #tpu.memory_space<vmem>>
    %dma_wait3A_1195 = arith.constant 0 : i32
    %dma_wait3A_1196 = tpu.memref_slice %arg2[%mul3A_834, %dma_wait3A_1195] : memref<100000x128xf32, #tpu.memory_space<hbm>> -> memref<200x128xf32, #tpu.memory_space<hbm>>
    tpu.wait_dma2 semaphore(%arg14 : memref<!tpu.dma_semaphore, #tpu.memory_space<semaphore_mem>>) src(%dma_wait3A_1196 : memref<200x128xf32, #tpu.memory_space<hbm>>) dst(%dma_wait3A_1194 : memref<200x128xf32, #tpu.memory_space<vmem>>)
    %dma_wait3A_1197 = arith.constant 2000 : i32
    %dma_wait3A_1198 = tpu.memref_slice %arg7[%dma_wait3A_1197] : memref<3200xi32, #tpu.memory_space<vmem>> -> memref<200xi32, #tpu.memory_space<vmem>>
    %dma_wait3A_1199 = tpu.memref_slice %arg3[%mul3A_834] : memref<100000xi32, #tpu.memory_space<hbm>> -> memref<200xi32, #tpu.memory_space<hbm>>
    %dma_wait3A_1200 = arith.constant 2000 : i32
    %dma_wait3A_1201 = tpu.memref_slice %arg7[%dma_wait3A_1200] : memref<3200xi32, #tpu.memory_space<vmem>> -> memref<200xi32, #tpu.memory_space<vmem>>
    %dma_wait3A_1202 = tpu.memref_slice %arg3[%mul3A_834] : memref<100000xi32, #tpu.memory_space<hbm>> -> memref<200xi32, #tpu.memory_space<hbm>>
    tpu.wait_dma2 semaphore(%arg14 : memref<!tpu.dma_semaphore, #tpu.memory_space<semaphore_mem>>) src(%dma_wait3A_1202 : memref<200xi32, #tpu.memory_space<hbm>>) dst(%dma_wait3A_1201 : memref<200xi32, #tpu.memory_space<vmem>>)
    %dma_start3A_1203 = arith.constant 2 : i32
    %dma_start3A_1204 = arith.constant 0 : i32
    %dma_start3A_1205 = arith.constant 0 : i32
    %dma_start3A_1206 = tpu.memref_slice %arg6[%dma_start3A_1203, %dma_start3A_1204, %dma_start3A_1205] : memref<4x200x128xf32, #tpu.memory_space<vmem>> -> memref<1x104x128xf32, #tpu.memory_space<vmem>>
    %dma_start3A_1207 = tpu.memref_squeeze %dma_start3A_1206 : memref<1x104x128xf32, #tpu.memory_space<vmem>> -> memref<104x128xf32, #tpu.memory_space<vmem>>
    %dma_start3A_1208 = arith.constant 2000 : i32
    %dma_start3A_1209 = tpu.memref_slice %arg7[%dma_start3A_1208] : memref<3200xi32, #tpu.memory_space<vmem>> -> memref<104xi32, #tpu.memory_space<vmem>>
    %dma_start3A_1210 = arith.constant 0 : i32
    %dma_start3A_1211 = arith.constant 0 : i32
    %dma_start3A_1212 = tpu.memref_slice %arg10[%dma_start3A_1210, %dma_start3A_1211] : memref<256x128xf32, #tpu.memory_space<vmem_shared>> -> memref<256x128xf32, #tpu.memory_space<vmem_shared>>
    tpu.enqueue_indirect_dma source(%dma_start3A_1207 : memref<104x128xf32, #tpu.memory_space<vmem>>) target(%dma_start3A_1212 : memref<256x128xf32, #tpu.memory_space<vmem_shared>>) offsets(%dma_start3A_1209 : memref<104xi32, #tpu.memory_space<vmem>>) semaphore(%arg18 : memref<!tpu.dma_semaphore, #tpu.memory_space<semaphore_mem>>) {add = true}
    %dma_start3A_1213 = arith.constant 0 : i32
    %dma_start3A_1214 = tpu.memref_slice %arg8[%dma_start3A_1213] : memref<112xf32, #tpu.memory_space<vmem>> -> memref<104xf32, #tpu.memory_space<vmem>>
    %dma_start3A_1215 = arith.constant 2000 : i32
    %dma_start3A_1216 = tpu.memref_slice %arg7[%dma_start3A_1215] : memref<3200xi32, #tpu.memory_space<vmem>> -> memref<104xi32, #tpu.memory_space<vmem>>
    %dma_start3A_1217 = arith.constant 0 : i32
    %dma_start3A_1218 = tpu.memref_slice %arg11[%dma_start3A_1217] : memref<256xf32, #tpu.memory_space<vmem_shared>> -> memref<256xf32, #tpu.memory_space<vmem_shared>>
    tpu.enqueue_indirect_dma source(%dma_start3A_1214 : memref<104xf32, #tpu.memory_space<vmem>>) target(%dma_start3A_1218 : memref<256xf32, #tpu.memory_space<vmem_shared>>) offsets(%dma_start3A_1216 : memref<104xi32, #tpu.memory_space<vmem>>) semaphore(%arg20 : memref<!tpu.dma_semaphore, #tpu.memory_space<semaphore_mem>>) {add = true}
    %dma_start3A_1219 = arith.constant 2 : i32
    %dma_start3A_1220 = arith.constant 104 : i32
    %dma_start3A_1221 = arith.constant 0 : i32
    %dma_start3A_1222 = tpu.memref_slice %arg6[%dma_start3A_1219, %dma_start3A_1220, %dma_start3A_1221] : memref<4x200x128xf32, #tpu.memory_space<vmem>> -> memref<1x96x128xf32, #tpu.memory_space<vmem>>
    %dma_start3A_1223 = tpu.memref_squeeze %dma_start3A_1222 : memref<1x96x128xf32, #tpu.memory_space<vmem>> -> memref<96x128xf32, #tpu.memory_space<vmem>>
    %dma_start3A_1224 = arith.constant 2104 : i32
    %dma_start3A_1225 = tpu.memref_slice %arg7[%dma_start3A_1224] : memref<3200xi32, #tpu.memory_space<vmem>> -> memref<96xi32, #tpu.memory_space<vmem>>
    %dma_start3A_1226 = arith.constant 0 : i32
    %dma_start3A_1227 = arith.constant 0 : i32
    %dma_start3A_1228 = tpu.memref_slice %arg10[%dma_start3A_1226, %dma_start3A_1227] : memref<256x128xf32, #tpu.memory_space<vmem_shared>> -> memref<256x128xf32, #tpu.memory_space<vmem_shared>>
    tpu.enqueue_indirect_dma source(%dma_start3A_1223 : memref<96x128xf32, #tpu.memory_space<vmem>>) target(%dma_start3A_1228 : memref<256x128xf32, #tpu.memory_space<vmem_shared>>) offsets(%dma_start3A_1225 : memref<96xi32, #tpu.memory_space<vmem>>) semaphore(%arg18 : memref<!tpu.dma_semaphore, #tpu.memory_space<semaphore_mem>>) {add = true}
    %dma_start3A_1229 = arith.constant 0 : i32
    %dma_start3A_1230 = tpu.memref_slice %arg8[%dma_start3A_1229] : memref<112xf32, #tpu.memory_space<vmem>> -> memref<96xf32, #tpu.memory_space<vmem>>
    %dma_start3A_1231 = arith.constant 2104 : i32
    %dma_start3A_1232 = tpu.memref_slice %arg7[%dma_start3A_1231] : memref<3200xi32, #tpu.memory_space<vmem>> -> memref<96xi32, #tpu.memory_space<vmem>>
    %dma_start3A_1233 = arith.constant 0 : i32
    %dma_start3A_1234 = tpu.memref_slice %arg11[%dma_start3A_1233] : memref<256xf32, #tpu.memory_space<vmem_shared>> -> memref<256xf32, #tpu.memory_space<vmem_shared>>
    tpu.enqueue_indirect_dma source(%dma_start3A_1230 : memref<96xf32, #tpu.memory_space<vmem>>) target(%dma_start3A_1234 : memref<256xf32, #tpu.memory_space<vmem_shared>>) offsets(%dma_start3A_1232 : memref<96xi32, #tpu.memory_space<vmem>>) semaphore(%arg20 : memref<!tpu.dma_semaphore, #tpu.memory_space<semaphore_mem>>) {add = true}
    %dma_wait3A_1235 = arith.constant 2 : i32
    %dma_wait3A_1236 = arith.constant 0 : i32
    %dma_wait3A_1237 = arith.constant 0 : i32
    %dma_wait3A_1238 = tpu.memref_slice %arg6[%dma_wait3A_1235, %dma_wait3A_1236, %dma_wait3A_1237] : memref<4x200x128xf32, #tpu.memory_space<vmem>> -> memref<1x104x128xf32, #tpu.memory_space<vmem>>
    %dma_wait3A_1239 = tpu.memref_squeeze %dma_wait3A_1238 : memref<1x104x128xf32, #tpu.memory_space<vmem>> -> memref<104x128xf32, #tpu.memory_space<vmem>>
    %dma_wait3A_1240 = arith.constant 2000 : i32
    %dma_wait3A_1241 = tpu.memref_slice %arg7[%dma_wait3A_1240] : memref<3200xi32, #tpu.memory_space<vmem>> -> memref<104xi32, #tpu.memory_space<vmem>>
    %dma_wait3A_1242 = arith.constant 0 : i32
    %dma_wait3A_1243 = arith.constant 0 : i32
    %dma_wait3A_1244 = tpu.memref_slice %arg10[%dma_wait3A_1242, %dma_wait3A_1243] : memref<256x128xf32, #tpu.memory_space<vmem_shared>> -> memref<256x128xf32, #tpu.memory_space<vmem_shared>>
    tpu.wait_indirect_dma semaphore(%arg18 : memref<!tpu.dma_semaphore, #tpu.memory_space<semaphore_mem>>) src(%dma_wait3A_1239 : memref<104x128xf32, #tpu.memory_space<vmem>>) dst(%dma_wait3A_1244 : memref<256x128xf32, #tpu.memory_space<vmem_shared>>)
    %dma_wait3A_1245 = arith.constant 2 : i32
    %dma_wait3A_1246 = arith.constant 104 : i32
    %dma_wait3A_1247 = arith.constant 0 : i32
    %dma_wait3A_1248 = tpu.memref_slice %arg6[%dma_wait3A_1245, %dma_wait3A_1246, %dma_wait3A_1247] : memref<4x200x128xf32, #tpu.memory_space<vmem>> -> memref<1x96x128xf32, #tpu.memory_space<vmem>>
    %dma_wait3A_1249 = tpu.memref_squeeze %dma_wait3A_1248 : memref<1x96x128xf32, #tpu.memory_space<vmem>> -> memref<96x128xf32, #tpu.memory_space<vmem>>
    %dma_wait3A_1250 = arith.constant 2104 : i32
    %dma_wait3A_1251 = tpu.memref_slice %arg7[%dma_wait3A_1250] : memref<3200xi32, #tpu.memory_space<vmem>> -> memref<96xi32, #tpu.memory_space<vmem>>
    %dma_wait3A_1252 = arith.constant 0 : i32
    %dma_wait3A_1253 = arith.constant 0 : i32
    %dma_wait3A_1254 = tpu.memref_slice %arg10[%dma_wait3A_1252, %dma_wait3A_1253] : memref<256x128xf32, #tpu.memory_space<vmem_shared>> -> memref<256x128xf32, #tpu.memory_space<vmem_shared>>
    tpu.wait_indirect_dma semaphore(%arg18 : memref<!tpu.dma_semaphore, #tpu.memory_space<semaphore_mem>>) src(%dma_wait3A_1249 : memref<96x128xf32, #tpu.memory_space<vmem>>) dst(%dma_wait3A_1254 : memref<256x128xf32, #tpu.memory_space<vmem_shared>>)
    %add3A_1255 = arith.constant 448 : i32
    %add3A_1256 = arith.addi %add3A_1255, %add3A : i32
    %mul3A_1257 = arith.constant 200 : i32
    %mul3A_1258 = arith.muli %add3A_1256, %mul3A_1257 : i32
    %dma_start3A_1259 = arith.constant 2 : i32
    %dma_start3A_1260 = arith.constant 0 : i32
    %dma_start3A_1261 = arith.constant 0 : i32
    %dma_start3A_1262 = tpu.memref_slice %arg6[%dma_start3A_1259, %dma_start3A_1260, %dma_start3A_1261] : memref<4x200x128xf32, #tpu.memory_space<vmem>> -> memref<1x200x128xf32, #tpu.memory_space<vmem>>
    %dma_start3A_1263 = tpu.memref_squeeze %dma_start3A_1262 : memref<1x200x128xf32, #tpu.memory_space<vmem>> -> memref<200x128xf32, #tpu.memory_space<vmem>>
    %dma_start3A_1264 = arith.constant 0 : i32
    %dma_start3A_1265 = tpu.memref_slice %arg2[%mul3A_1258, %dma_start3A_1264] : memref<100000x128xf32, #tpu.memory_space<hbm>> -> memref<200x128xf32, #tpu.memory_space<hbm>>
    %dma_start3A_1266 = arith.constant 0 : i32
    %dma_start3A_1267 = arith.constant 0 : i32
    %dma_start3A_1268 = tpu.memref_slice %arg6[%dma_start3A_1259, %dma_start3A_1266, %dma_start3A_1267] : memref<4x200x128xf32, #tpu.memory_space<vmem>> -> memref<1x200x128xf32, #tpu.memory_space<vmem>>
    %dma_start3A_1269 = tpu.memref_squeeze %dma_start3A_1268 : memref<1x200x128xf32, #tpu.memory_space<vmem>> -> memref<200x128xf32, #tpu.memory_space<vmem>>
    %dma_start3A_1270 = arith.constant 0 : i32
    %dma_start3A_1271 = tpu.memref_slice %arg2[%mul3A_1258, %dma_start3A_1270] : memref<100000x128xf32, #tpu.memory_space<hbm>> -> memref<200x128xf32, #tpu.memory_space<hbm>>
    tpu.enqueue_dma source(%dma_start3A_1271 : memref<200x128xf32, #tpu.memory_space<hbm>>) target(%dma_start3A_1269 : memref<200x128xf32, #tpu.memory_space<vmem>>) target_semaphore(%arg14 : memref<!tpu.dma_semaphore, #tpu.memory_space<semaphore_mem>>)
    %dma_start3A_1272 = arith.constant 2800 : i32
    %dma_start3A_1273 = tpu.memref_slice %arg7[%dma_start3A_1272] : memref<3200xi32, #tpu.memory_space<vmem>> -> memref<200xi32, #tpu.memory_space<vmem>>
    %dma_start3A_1274 = tpu.memref_slice %arg3[%mul3A_1258] : memref<100000xi32, #tpu.memory_space<hbm>> -> memref<200xi32, #tpu.memory_space<hbm>>
    %dma_start3A_1275 = arith.constant 2800 : i32
    %dma_start3A_1276 = tpu.memref_slice %arg7[%dma_start3A_1275] : memref<3200xi32, #tpu.memory_space<vmem>> -> memref<200xi32, #tpu.memory_space<vmem>>
    %dma_start3A_1277 = tpu.memref_slice %arg3[%mul3A_1258] : memref<100000xi32, #tpu.memory_space<hbm>> -> memref<200xi32, #tpu.memory_space<hbm>>
    tpu.enqueue_dma source(%dma_start3A_1277 : memref<200xi32, #tpu.memory_space<hbm>>) target(%dma_start3A_1276 : memref<200xi32, #tpu.memory_space<vmem>>) target_semaphore(%arg14 : memref<!tpu.dma_semaphore, #tpu.memory_space<semaphore_mem>>)
    %dma_wait3A_1278 = arith.constant 0 : i32
    %dma_wait3A_1279 = tpu.memref_slice %arg8[%dma_wait3A_1278] : memref<112xf32, #tpu.memory_space<vmem>> -> memref<104xf32, #tpu.memory_space<vmem>>
    %dma_wait3A_1280 = arith.constant 1800 : i32
    %dma_wait3A_1281 = tpu.memref_slice %arg7[%dma_wait3A_1280] : memref<3200xi32, #tpu.memory_space<vmem>> -> memref<104xi32, #tpu.memory_space<vmem>>
    %dma_wait3A_1282 = arith.constant 0 : i32
    %dma_wait3A_1283 = tpu.memref_slice %arg11[%dma_wait3A_1282] : memref<256xf32, #tpu.memory_space<vmem_shared>> -> memref<256xf32, #tpu.memory_space<vmem_shared>>
    tpu.wait_indirect_dma semaphore(%arg20 : memref<!tpu.dma_semaphore, #tpu.memory_space<semaphore_mem>>) src(%dma_wait3A_1279 : memref<104xf32, #tpu.memory_space<vmem>>) dst(%dma_wait3A_1283 : memref<256xf32, #tpu.memory_space<vmem_shared>>)
    %dma_wait3A_1284 = arith.constant 0 : i32
    %dma_wait3A_1285 = tpu.memref_slice %arg8[%dma_wait3A_1284] : memref<112xf32, #tpu.memory_space<vmem>> -> memref<96xf32, #tpu.memory_space<vmem>>
    %dma_wait3A_1286 = arith.constant 1904 : i32
    %dma_wait3A_1287 = tpu.memref_slice %arg7[%dma_wait3A_1286] : memref<3200xi32, #tpu.memory_space<vmem>> -> memref<96xi32, #tpu.memory_space<vmem>>
    %dma_wait3A_1288 = arith.constant 0 : i32
    %dma_wait3A_1289 = tpu.memref_slice %arg11[%dma_wait3A_1288] : memref<256xf32, #tpu.memory_space<vmem_shared>> -> memref<256xf32, #tpu.memory_space<vmem_shared>>
    tpu.wait_indirect_dma semaphore(%arg20 : memref<!tpu.dma_semaphore, #tpu.memory_space<semaphore_mem>>) src(%dma_wait3A_1285 : memref<96xf32, #tpu.memory_space<vmem>>) dst(%dma_wait3A_1289 : memref<256xf32, #tpu.memory_space<vmem_shared>>)
    %dma_wait3A_1290 = arith.constant 3 : i32
    %dma_wait3A_1291 = arith.constant 0 : i32
    %dma_wait3A_1292 = arith.constant 0 : i32
    %dma_wait3A_1293 = tpu.memref_slice %arg6[%dma_wait3A_1290, %dma_wait3A_1291, %dma_wait3A_1292] : memref<4x200x128xf32, #tpu.memory_space<vmem>> -> memref<1x200x128xf32, #tpu.memory_space<vmem>>
    %dma_wait3A_1294 = tpu.memref_squeeze %dma_wait3A_1293 : memref<1x200x128xf32, #tpu.memory_space<vmem>> -> memref<200x128xf32, #tpu.memory_space<vmem>>
    %dma_wait3A_1295 = arith.constant 0 : i32
    %dma_wait3A_1296 = tpu.memref_slice %arg2[%mul3A_940, %dma_wait3A_1295] : memref<100000x128xf32, #tpu.memory_space<hbm>> -> memref<200x128xf32, #tpu.memory_space<hbm>>
    %dma_wait3A_1297 = arith.constant 0 : i32
    %dma_wait3A_1298 = arith.constant 0 : i32
    %dma_wait3A_1299 = tpu.memref_slice %arg6[%dma_wait3A_1290, %dma_wait3A_1297, %dma_wait3A_1298] : memref<4x200x128xf32, #tpu.memory_space<vmem>> -> memref<1x200x128xf32, #tpu.memory_space<vmem>>
    %dma_wait3A_1300 = tpu.memref_squeeze %dma_wait3A_1299 : memref<1x200x128xf32, #tpu.memory_space<vmem>> -> memref<200x128xf32, #tpu.memory_space<vmem>>
    %dma_wait3A_1301 = arith.constant 0 : i32
    %dma_wait3A_1302 = tpu.memref_slice %arg2[%mul3A_940, %dma_wait3A_1301] : memref<100000x128xf32, #tpu.memory_space<hbm>> -> memref<200x128xf32, #tpu.memory_space<hbm>>
    tpu.wait_dma2 semaphore(%arg15 : memref<!tpu.dma_semaphore, #tpu.memory_space<semaphore_mem>>) src(%dma_wait3A_1302 : memref<200x128xf32, #tpu.memory_space<hbm>>) dst(%dma_wait3A_1300 : memref<200x128xf32, #tpu.memory_space<vmem>>)
    %dma_wait3A_1303 = arith.constant 2200 : i32
    %dma_wait3A_1304 = tpu.memref_slice %arg7[%dma_wait3A_1303] : memref<3200xi32, #tpu.memory_space<vmem>> -> memref<200xi32, #tpu.memory_space<vmem>>
    %dma_wait3A_1305 = tpu.memref_slice %arg3[%mul3A_940] : memref<100000xi32, #tpu.memory_space<hbm>> -> memref<200xi32, #tpu.memory_space<hbm>>
    %dma_wait3A_1306 = arith.constant 2200 : i32
    %dma_wait3A_1307 = tpu.memref_slice %arg7[%dma_wait3A_1306] : memref<3200xi32, #tpu.memory_space<vmem>> -> memref<200xi32, #tpu.memory_space<vmem>>
    %dma_wait3A_1308 = tpu.memref_slice %arg3[%mul3A_940] : memref<100000xi32, #tpu.memory_space<hbm>> -> memref<200xi32, #tpu.memory_space<hbm>>
    tpu.wait_dma2 semaphore(%arg15 : memref<!tpu.dma_semaphore, #tpu.memory_space<semaphore_mem>>) src(%dma_wait3A_1308 : memref<200xi32, #tpu.memory_space<hbm>>) dst(%dma_wait3A_1307 : memref<200xi32, #tpu.memory_space<vmem>>)
    %dma_start3A_1309 = arith.constant 3 : i32
    %dma_start3A_1310 = arith.constant 0 : i32
    %dma_start3A_1311 = arith.constant 0 : i32
    %dma_start3A_1312 = tpu.memref_slice %arg6[%dma_start3A_1309, %dma_start3A_1310, %dma_start3A_1311] : memref<4x200x128xf32, #tpu.memory_space<vmem>> -> memref<1x104x128xf32, #tpu.memory_space<vmem>>
    %dma_start3A_1313 = tpu.memref_squeeze %dma_start3A_1312 : memref<1x104x128xf32, #tpu.memory_space<vmem>> -> memref<104x128xf32, #tpu.memory_space<vmem>>
    %dma_start3A_1314 = arith.constant 2200 : i32
    %dma_start3A_1315 = tpu.memref_slice %arg7[%dma_start3A_1314] : memref<3200xi32, #tpu.memory_space<vmem>> -> memref<104xi32, #tpu.memory_space<vmem>>
    %dma_start3A_1316 = arith.constant 0 : i32
    %dma_start3A_1317 = arith.constant 0 : i32
    %dma_start3A_1318 = tpu.memref_slice %arg10[%dma_start3A_1316, %dma_start3A_1317] : memref<256x128xf32, #tpu.memory_space<vmem_shared>> -> memref<256x128xf32, #tpu.memory_space<vmem_shared>>
    tpu.enqueue_indirect_dma source(%dma_start3A_1313 : memref<104x128xf32, #tpu.memory_space<vmem>>) target(%dma_start3A_1318 : memref<256x128xf32, #tpu.memory_space<vmem_shared>>) offsets(%dma_start3A_1315 : memref<104xi32, #tpu.memory_space<vmem>>) semaphore(%arg19 : memref<!tpu.dma_semaphore, #tpu.memory_space<semaphore_mem>>) {add = true}
    %dma_start3A_1319 = arith.constant 0 : i32
    %dma_start3A_1320 = tpu.memref_slice %arg8[%dma_start3A_1319] : memref<112xf32, #tpu.memory_space<vmem>> -> memref<104xf32, #tpu.memory_space<vmem>>
    %dma_start3A_1321 = arith.constant 2200 : i32
    %dma_start3A_1322 = tpu.memref_slice %arg7[%dma_start3A_1321] : memref<3200xi32, #tpu.memory_space<vmem>> -> memref<104xi32, #tpu.memory_space<vmem>>
    %dma_start3A_1323 = arith.constant 0 : i32
    %dma_start3A_1324 = tpu.memref_slice %arg11[%dma_start3A_1323] : memref<256xf32, #tpu.memory_space<vmem_shared>> -> memref<256xf32, #tpu.memory_space<vmem_shared>>
    tpu.enqueue_indirect_dma source(%dma_start3A_1320 : memref<104xf32, #tpu.memory_space<vmem>>) target(%dma_start3A_1324 : memref<256xf32, #tpu.memory_space<vmem_shared>>) offsets(%dma_start3A_1322 : memref<104xi32, #tpu.memory_space<vmem>>) semaphore(%arg20 : memref<!tpu.dma_semaphore, #tpu.memory_space<semaphore_mem>>) {add = true}
    %dma_start3A_1325 = arith.constant 3 : i32
    %dma_start3A_1326 = arith.constant 104 : i32
    %dma_start3A_1327 = arith.constant 0 : i32
    %dma_start3A_1328 = tpu.memref_slice %arg6[%dma_start3A_1325, %dma_start3A_1326, %dma_start3A_1327] : memref<4x200x128xf32, #tpu.memory_space<vmem>> -> memref<1x96x128xf32, #tpu.memory_space<vmem>>
    %dma_start3A_1329 = tpu.memref_squeeze %dma_start3A_1328 : memref<1x96x128xf32, #tpu.memory_space<vmem>> -> memref<96x128xf32, #tpu.memory_space<vmem>>
    %dma_start3A_1330 = arith.constant 2304 : i32
    %dma_start3A_1331 = tpu.memref_slice %arg7[%dma_start3A_1330] : memref<3200xi32, #tpu.memory_space<vmem>> -> memref<96xi32, #tpu.memory_space<vmem>>
    %dma_start3A_1332 = arith.constant 0 : i32
    %dma_start3A_1333 = arith.constant 0 : i32
    %dma_start3A_1334 = tpu.memref_slice %arg10[%dma_start3A_1332, %dma_start3A_1333] : memref<256x128xf32, #tpu.memory_space<vmem_shared>> -> memref<256x128xf32, #tpu.memory_space<vmem_shared>>
    tpu.enqueue_indirect_dma source(%dma_start3A_1329 : memref<96x128xf32, #tpu.memory_space<vmem>>) target(%dma_start3A_1334 : memref<256x128xf32, #tpu.memory_space<vmem_shared>>) offsets(%dma_start3A_1331 : memref<96xi32, #tpu.memory_space<vmem>>) semaphore(%arg19 : memref<!tpu.dma_semaphore, #tpu.memory_space<semaphore_mem>>) {add = true}
    %dma_start3A_1335 = arith.constant 0 : i32
    %dma_start3A_1336 = tpu.memref_slice %arg8[%dma_start3A_1335] : memref<112xf32, #tpu.memory_space<vmem>> -> memref<96xf32, #tpu.memory_space<vmem>>
    %dma_start3A_1337 = arith.constant 2304 : i32
    %dma_start3A_1338 = tpu.memref_slice %arg7[%dma_start3A_1337] : memref<3200xi32, #tpu.memory_space<vmem>> -> memref<96xi32, #tpu.memory_space<vmem>>
    %dma_start3A_1339 = arith.constant 0 : i32
    %dma_start3A_1340 = tpu.memref_slice %arg11[%dma_start3A_1339] : memref<256xf32, #tpu.memory_space<vmem_shared>> -> memref<256xf32, #tpu.memory_space<vmem_shared>>
    tpu.enqueue_indirect_dma source(%dma_start3A_1336 : memref<96xf32, #tpu.memory_space<vmem>>) target(%dma_start3A_1340 : memref<256xf32, #tpu.memory_space<vmem_shared>>) offsets(%dma_start3A_1338 : memref<96xi32, #tpu.memory_space<vmem>>) semaphore(%arg20 : memref<!tpu.dma_semaphore, #tpu.memory_space<semaphore_mem>>) {add = true}
    %dma_wait3A_1341 = arith.constant 3 : i32
    %dma_wait3A_1342 = arith.constant 0 : i32
    %dma_wait3A_1343 = arith.constant 0 : i32
    %dma_wait3A_1344 = tpu.memref_slice %arg6[%dma_wait3A_1341, %dma_wait3A_1342, %dma_wait3A_1343] : memref<4x200x128xf32, #tpu.memory_space<vmem>> -> memref<1x104x128xf32, #tpu.memory_space<vmem>>
    %dma_wait3A_1345 = tpu.memref_squeeze %dma_wait3A_1344 : memref<1x104x128xf32, #tpu.memory_space<vmem>> -> memref<104x128xf32, #tpu.memory_space<vmem>>
    %dma_wait3A_1346 = arith.constant 2200 : i32
    %dma_wait3A_1347 = tpu.memref_slice %arg7[%dma_wait3A_1346] : memref<3200xi32, #tpu.memory_space<vmem>> -> memref<104xi32, #tpu.memory_space<vmem>>
    %dma_wait3A_1348 = arith.constant 0 : i32
    %dma_wait3A_1349 = arith.constant 0 : i32
    %dma_wait3A_1350 = tpu.memref_slice %arg10[%dma_wait3A_1348, %dma_wait3A_1349] : memref<256x128xf32, #tpu.memory_space<vmem_shared>> -> memref<256x128xf32, #tpu.memory_space<vmem_shared>>
    tpu.wait_indirect_dma semaphore(%arg19 : memref<!tpu.dma_semaphore, #tpu.memory_space<semaphore_mem>>) src(%dma_wait3A_1345 : memref<104x128xf32, #tpu.memory_space<vmem>>) dst(%dma_wait3A_1350 : memref<256x128xf32, #tpu.memory_space<vmem_shared>>)
    %dma_wait3A_1351 = arith.constant 3 : i32
    %dma_wait3A_1352 = arith.constant 104 : i32
    %dma_wait3A_1353 = arith.constant 0 : i32
    %dma_wait3A_1354 = tpu.memref_slice %arg6[%dma_wait3A_1351, %dma_wait3A_1352, %dma_wait3A_1353] : memref<4x200x128xf32, #tpu.memory_space<vmem>> -> memref<1x96x128xf32, #tpu.memory_space<vmem>>
    %dma_wait3A_1355 = tpu.memref_squeeze %dma_wait3A_1354 : memref<1x96x128xf32, #tpu.memory_space<vmem>> -> memref<96x128xf32, #tpu.memory_space<vmem>>
    %dma_wait3A_1356 = arith.constant 2304 : i32
    %dma_wait3A_1357 = tpu.memref_slice %arg7[%dma_wait3A_1356] : memref<3200xi32, #tpu.memory_space<vmem>> -> memref<96xi32, #tpu.memory_space<vmem>>
    %dma_wait3A_1358 = arith.constant 0 : i32
    %dma_wait3A_1359 = arith.constant 0 : i32
    %dma_wait3A_1360 = tpu.memref_slice %arg10[%dma_wait3A_1358, %dma_wait3A_1359] : memref<256x128xf32, #tpu.memory_space<vmem_shared>> -> memref<256x128xf32, #tpu.memory_space<vmem_shared>>
    tpu.wait_indirect_dma semaphore(%arg19 : memref<!tpu.dma_semaphore, #tpu.memory_space<semaphore_mem>>) src(%dma_wait3A_1355 : memref<96x128xf32, #tpu.memory_space<vmem>>) dst(%dma_wait3A_1360 : memref<256x128xf32, #tpu.memory_space<vmem_shared>>)
    %dma_wait3A_1361 = arith.constant 0 : i32
    %dma_wait3A_1362 = tpu.memref_slice %arg8[%dma_wait3A_1361] : memref<112xf32, #tpu.memory_space<vmem>> -> memref<104xf32, #tpu.memory_space<vmem>>
    %dma_wait3A_1363 = arith.constant 2000 : i32
    %dma_wait3A_1364 = tpu.memref_slice %arg7[%dma_wait3A_1363] : memref<3200xi32, #tpu.memory_space<vmem>> -> memref<104xi32, #tpu.memory_space<vmem>>
    %dma_wait3A_1365 = arith.constant 0 : i32
    %dma_wait3A_1366 = tpu.memref_slice %arg11[%dma_wait3A_1365] : memref<256xf32, #tpu.memory_space<vmem_shared>> -> memref<256xf32, #tpu.memory_space<vmem_shared>>
    tpu.wait_indirect_dma semaphore(%arg20 : memref<!tpu.dma_semaphore, #tpu.memory_space<semaphore_mem>>) src(%dma_wait3A_1362 : memref<104xf32, #tpu.memory_space<vmem>>) dst(%dma_wait3A_1366 : memref<256xf32, #tpu.memory_space<vmem_shared>>)
    %dma_wait3A_1367 = arith.constant 0 : i32
    %dma_wait3A_1368 = tpu.memref_slice %arg8[%dma_wait3A_1367] : memref<112xf32, #tpu.memory_space<vmem>> -> memref<96xf32, #tpu.memory_space<vmem>>
    %dma_wait3A_1369 = arith.constant 2104 : i32
    %dma_wait3A_1370 = tpu.memref_slice %arg7[%dma_wait3A_1369] : memref<3200xi32, #tpu.memory_space<vmem>> -> memref<96xi32, #tpu.memory_space<vmem>>
    %dma_wait3A_1371 = arith.constant 0 : i32
    %dma_wait3A_1372 = tpu.memref_slice %arg11[%dma_wait3A_1371] : memref<256xf32, #tpu.memory_space<vmem_shared>> -> memref<256xf32, #tpu.memory_space<vmem_shared>>
    tpu.wait_indirect_dma semaphore(%arg20 : memref<!tpu.dma_semaphore, #tpu.memory_space<semaphore_mem>>) src(%dma_wait3A_1368 : memref<96xf32, #tpu.memory_space<vmem>>) dst(%dma_wait3A_1372 : memref<256xf32, #tpu.memory_space<vmem_shared>>)
    %dma_wait3A_1373 = arith.constant 0 : i32
    %dma_wait3A_1374 = arith.constant 0 : i32
    %dma_wait3A_1375 = arith.constant 0 : i32
    %dma_wait3A_1376 = tpu.memref_slice %arg6[%dma_wait3A_1373, %dma_wait3A_1374, %dma_wait3A_1375] : memref<4x200x128xf32, #tpu.memory_space<vmem>> -> memref<1x200x128xf32, #tpu.memory_space<vmem>>
    %dma_wait3A_1377 = tpu.memref_squeeze %dma_wait3A_1376 : memref<1x200x128xf32, #tpu.memory_space<vmem>> -> memref<200x128xf32, #tpu.memory_space<vmem>>
    %dma_wait3A_1378 = arith.constant 0 : i32
    %dma_wait3A_1379 = tpu.memref_slice %arg2[%mul3A_1046, %dma_wait3A_1378] : memref<100000x128xf32, #tpu.memory_space<hbm>> -> memref<200x128xf32, #tpu.memory_space<hbm>>
    %dma_wait3A_1380 = arith.constant 0 : i32
    %dma_wait3A_1381 = arith.constant 0 : i32
    %dma_wait3A_1382 = tpu.memref_slice %arg6[%dma_wait3A_1373, %dma_wait3A_1380, %dma_wait3A_1381] : memref<4x200x128xf32, #tpu.memory_space<vmem>> -> memref<1x200x128xf32, #tpu.memory_space<vmem>>
    %dma_wait3A_1383 = tpu.memref_squeeze %dma_wait3A_1382 : memref<1x200x128xf32, #tpu.memory_space<vmem>> -> memref<200x128xf32, #tpu.memory_space<vmem>>
    %dma_wait3A_1384 = arith.constant 0 : i32
    %dma_wait3A_1385 = tpu.memref_slice %arg2[%mul3A_1046, %dma_wait3A_1384] : memref<100000x128xf32, #tpu.memory_space<hbm>> -> memref<200x128xf32, #tpu.memory_space<hbm>>
    tpu.wait_dma2 semaphore(%arg12 : memref<!tpu.dma_semaphore, #tpu.memory_space<semaphore_mem>>) src(%dma_wait3A_1385 : memref<200x128xf32, #tpu.memory_space<hbm>>) dst(%dma_wait3A_1383 : memref<200x128xf32, #tpu.memory_space<vmem>>)
    %dma_wait3A_1386 = arith.constant 2400 : i32
    %dma_wait3A_1387 = tpu.memref_slice %arg7[%dma_wait3A_1386] : memref<3200xi32, #tpu.memory_space<vmem>> -> memref<200xi32, #tpu.memory_space<vmem>>
    %dma_wait3A_1388 = tpu.memref_slice %arg3[%mul3A_1046] : memref<100000xi32, #tpu.memory_space<hbm>> -> memref<200xi32, #tpu.memory_space<hbm>>
    %dma_wait3A_1389 = arith.constant 2400 : i32
    %dma_wait3A_1390 = tpu.memref_slice %arg7[%dma_wait3A_1389] : memref<3200xi32, #tpu.memory_space<vmem>> -> memref<200xi32, #tpu.memory_space<vmem>>
    %dma_wait3A_1391 = tpu.memref_slice %arg3[%mul3A_1046] : memref<100000xi32, #tpu.memory_space<hbm>> -> memref<200xi32, #tpu.memory_space<hbm>>
    tpu.wait_dma2 semaphore(%arg12 : memref<!tpu.dma_semaphore, #tpu.memory_space<semaphore_mem>>) src(%dma_wait3A_1391 : memref<200xi32, #tpu.memory_space<hbm>>) dst(%dma_wait3A_1390 : memref<200xi32, #tpu.memory_space<vmem>>)
    %dma_start3A_1392 = arith.constant 0 : i32
    %dma_start3A_1393 = arith.constant 0 : i32
    %dma_start3A_1394 = arith.constant 0 : i32
    %dma_start3A_1395 = tpu.memref_slice %arg6[%dma_start3A_1392, %dma_start3A_1393, %dma_start3A_1394] : memref<4x200x128xf32, #tpu.memory_space<vmem>> -> memref<1x104x128xf32, #tpu.memory_space<vmem>>
    %dma_start3A_1396 = tpu.memref_squeeze %dma_start3A_1395 : memref<1x104x128xf32, #tpu.memory_space<vmem>> -> memref<104x128xf32, #tpu.memory_space<vmem>>
    %dma_start3A_1397 = arith.constant 2400 : i32
    %dma_start3A_1398 = tpu.memref_slice %arg7[%dma_start3A_1397] : memref<3200xi32, #tpu.memory_space<vmem>> -> memref<104xi32, #tpu.memory_space<vmem>>
    %dma_start3A_1399 = arith.constant 0 : i32
    %dma_start3A_1400 = arith.constant 0 : i32
    %dma_start3A_1401 = tpu.memref_slice %arg10[%dma_start3A_1399, %dma_start3A_1400] : memref<256x128xf32, #tpu.memory_space<vmem_shared>> -> memref<256x128xf32, #tpu.memory_space<vmem_shared>>
    tpu.enqueue_indirect_dma source(%dma_start3A_1396 : memref<104x128xf32, #tpu.memory_space<vmem>>) target(%dma_start3A_1401 : memref<256x128xf32, #tpu.memory_space<vmem_shared>>) offsets(%dma_start3A_1398 : memref<104xi32, #tpu.memory_space<vmem>>) semaphore(%arg16 : memref<!tpu.dma_semaphore, #tpu.memory_space<semaphore_mem>>) {add = true}
    %dma_start3A_1402 = arith.constant 0 : i32
    %dma_start3A_1403 = tpu.memref_slice %arg8[%dma_start3A_1402] : memref<112xf32, #tpu.memory_space<vmem>> -> memref<104xf32, #tpu.memory_space<vmem>>
    %dma_start3A_1404 = arith.constant 2400 : i32
    %dma_start3A_1405 = tpu.memref_slice %arg7[%dma_start3A_1404] : memref<3200xi32, #tpu.memory_space<vmem>> -> memref<104xi32, #tpu.memory_space<vmem>>
    %dma_start3A_1406 = arith.constant 0 : i32
    %dma_start3A_1407 = tpu.memref_slice %arg11[%dma_start3A_1406] : memref<256xf32, #tpu.memory_space<vmem_shared>> -> memref<256xf32, #tpu.memory_space<vmem_shared>>
    tpu.enqueue_indirect_dma source(%dma_start3A_1403 : memref<104xf32, #tpu.memory_space<vmem>>) target(%dma_start3A_1407 : memref<256xf32, #tpu.memory_space<vmem_shared>>) offsets(%dma_start3A_1405 : memref<104xi32, #tpu.memory_space<vmem>>) semaphore(%arg20 : memref<!tpu.dma_semaphore, #tpu.memory_space<semaphore_mem>>) {add = true}
    %dma_start3A_1408 = arith.constant 0 : i32
    %dma_start3A_1409 = arith.constant 104 : i32
    %dma_start3A_1410 = arith.constant 0 : i32
    %dma_start3A_1411 = tpu.memref_slice %arg6[%dma_start3A_1408, %dma_start3A_1409, %dma_start3A_1410] : memref<4x200x128xf32, #tpu.memory_space<vmem>> -> memref<1x96x128xf32, #tpu.memory_space<vmem>>
    %dma_start3A_1412 = tpu.memref_squeeze %dma_start3A_1411 : memref<1x96x128xf32, #tpu.memory_space<vmem>> -> memref<96x128xf32, #tpu.memory_space<vmem>>
    %dma_start3A_1413 = arith.constant 2504 : i32
    %dma_start3A_1414 = tpu.memref_slice %arg7[%dma_start3A_1413] : memref<3200xi32, #tpu.memory_space<vmem>> -> memref<96xi32, #tpu.memory_space<vmem>>
    %dma_start3A_1415 = arith.constant 0 : i32
    %dma_start3A_1416 = arith.constant 0 : i32
    %dma_start3A_1417 = tpu.memref_slice %arg10[%dma_start3A_1415, %dma_start3A_1416] : memref<256x128xf32, #tpu.memory_space<vmem_shared>> -> memref<256x128xf32, #tpu.memory_space<vmem_shared>>
    tpu.enqueue_indirect_dma source(%dma_start3A_1412 : memref<96x128xf32, #tpu.memory_space<vmem>>) target(%dma_start3A_1417 : memref<256x128xf32, #tpu.memory_space<vmem_shared>>) offsets(%dma_start3A_1414 : memref<96xi32, #tpu.memory_space<vmem>>) semaphore(%arg16 : memref<!tpu.dma_semaphore, #tpu.memory_space<semaphore_mem>>) {add = true}
    %dma_start3A_1418 = arith.constant 0 : i32
    %dma_start3A_1419 = tpu.memref_slice %arg8[%dma_start3A_1418] : memref<112xf32, #tpu.memory_space<vmem>> -> memref<96xf32, #tpu.memory_space<vmem>>
    %dma_start3A_1420 = arith.constant 2504 : i32
    %dma_start3A_1421 = tpu.memref_slice %arg7[%dma_start3A_1420] : memref<3200xi32, #tpu.memory_space<vmem>> -> memref<96xi32, #tpu.memory_space<vmem>>
    %dma_start3A_1422 = arith.constant 0 : i32
    %dma_start3A_1423 = tpu.memref_slice %arg11[%dma_start3A_1422] : memref<256xf32, #tpu.memory_space<vmem_shared>> -> memref<256xf32, #tpu.memory_space<vmem_shared>>
    tpu.enqueue_indirect_dma source(%dma_start3A_1419 : memref<96xf32, #tpu.memory_space<vmem>>) target(%dma_start3A_1423 : memref<256xf32, #tpu.memory_space<vmem_shared>>) offsets(%dma_start3A_1421 : memref<96xi32, #tpu.memory_space<vmem>>) semaphore(%arg20 : memref<!tpu.dma_semaphore, #tpu.memory_space<semaphore_mem>>) {add = true}
    %dma_wait3A_1424 = arith.constant 0 : i32
    %dma_wait3A_1425 = arith.constant 0 : i32
    %dma_wait3A_1426 = arith.constant 0 : i32
    %dma_wait3A_1427 = tpu.memref_slice %arg6[%dma_wait3A_1424, %dma_wait3A_1425, %dma_wait3A_1426] : memref<4x200x128xf32, #tpu.memory_space<vmem>> -> memref<1x104x128xf32, #tpu.memory_space<vmem>>
    %dma_wait3A_1428 = tpu.memref_squeeze %dma_wait3A_1427 : memref<1x104x128xf32, #tpu.memory_space<vmem>> -> memref<104x128xf32, #tpu.memory_space<vmem>>
    %dma_wait3A_1429 = arith.constant 2400 : i32
    %dma_wait3A_1430 = tpu.memref_slice %arg7[%dma_wait3A_1429] : memref<3200xi32, #tpu.memory_space<vmem>> -> memref<104xi32, #tpu.memory_space<vmem>>
    %dma_wait3A_1431 = arith.constant 0 : i32
    %dma_wait3A_1432 = arith.constant 0 : i32
    %dma_wait3A_1433 = tpu.memref_slice %arg10[%dma_wait3A_1431, %dma_wait3A_1432] : memref<256x128xf32, #tpu.memory_space<vmem_shared>> -> memref<256x128xf32, #tpu.memory_space<vmem_shared>>
    tpu.wait_indirect_dma semaphore(%arg16 : memref<!tpu.dma_semaphore, #tpu.memory_space<semaphore_mem>>) src(%dma_wait3A_1428 : memref<104x128xf32, #tpu.memory_space<vmem>>) dst(%dma_wait3A_1433 : memref<256x128xf32, #tpu.memory_space<vmem_shared>>)
    %dma_wait3A_1434 = arith.constant 0 : i32
    %dma_wait3A_1435 = arith.constant 104 : i32
    %dma_wait3A_1436 = arith.constant 0 : i32
    %dma_wait3A_1437 = tpu.memref_slice %arg6[%dma_wait3A_1434, %dma_wait3A_1435, %dma_wait3A_1436] : memref<4x200x128xf32, #tpu.memory_space<vmem>> -> memref<1x96x128xf32, #tpu.memory_space<vmem>>
    %dma_wait3A_1438 = tpu.memref_squeeze %dma_wait3A_1437 : memref<1x96x128xf32, #tpu.memory_space<vmem>> -> memref<96x128xf32, #tpu.memory_space<vmem>>
    %dma_wait3A_1439 = arith.constant 2504 : i32
    %dma_wait3A_1440 = tpu.memref_slice %arg7[%dma_wait3A_1439] : memref<3200xi32, #tpu.memory_space<vmem>> -> memref<96xi32, #tpu.memory_space<vmem>>
    %dma_wait3A_1441 = arith.constant 0 : i32
    %dma_wait3A_1442 = arith.constant 0 : i32
    %dma_wait3A_1443 = tpu.memref_slice %arg10[%dma_wait3A_1441, %dma_wait3A_1442] : memref<256x128xf32, #tpu.memory_space<vmem_shared>> -> memref<256x128xf32, #tpu.memory_space<vmem_shared>>
    tpu.wait_indirect_dma semaphore(%arg16 : memref<!tpu.dma_semaphore, #tpu.memory_space<semaphore_mem>>) src(%dma_wait3A_1438 : memref<96x128xf32, #tpu.memory_space<vmem>>) dst(%dma_wait3A_1443 : memref<256x128xf32, #tpu.memory_space<vmem_shared>>)
    %dma_wait3A_1444 = arith.constant 0 : i32
    %dma_wait3A_1445 = tpu.memref_slice %arg8[%dma_wait3A_1444] : memref<112xf32, #tpu.memory_space<vmem>> -> memref<104xf32, #tpu.memory_space<vmem>>
    %dma_wait3A_1446 = arith.constant 2200 : i32
    %dma_wait3A_1447 = tpu.memref_slice %arg7[%dma_wait3A_1446] : memref<3200xi32, #tpu.memory_space<vmem>> -> memref<104xi32, #tpu.memory_space<vmem>>
    %dma_wait3A_1448 = arith.constant 0 : i32
    %dma_wait3A_1449 = tpu.memref_slice %arg11[%dma_wait3A_1448] : memref<256xf32, #tpu.memory_space<vmem_shared>> -> memref<256xf32, #tpu.memory_space<vmem_shared>>
    tpu.wait_indirect_dma semaphore(%arg20 : memref<!tpu.dma_semaphore, #tpu.memory_space<semaphore_mem>>) src(%dma_wait3A_1445 : memref<104xf32, #tpu.memory_space<vmem>>) dst(%dma_wait3A_1449 : memref<256xf32, #tpu.memory_space<vmem_shared>>)
    %dma_wait3A_1450 = arith.constant 0 : i32
    %dma_wait3A_1451 = tpu.memref_slice %arg8[%dma_wait3A_1450] : memref<112xf32, #tpu.memory_space<vmem>> -> memref<96xf32, #tpu.memory_space<vmem>>
    %dma_wait3A_1452 = arith.constant 2304 : i32
    %dma_wait3A_1453 = tpu.memref_slice %arg7[%dma_wait3A_1452] : memref<3200xi32, #tpu.memory_space<vmem>> -> memref<96xi32, #tpu.memory_space<vmem>>
    %dma_wait3A_1454 = arith.constant 0 : i32
    %dma_wait3A_1455 = tpu.memref_slice %arg11[%dma_wait3A_1454] : memref<256xf32, #tpu.memory_space<vmem_shared>> -> memref<256xf32, #tpu.memory_space<vmem_shared>>
    tpu.wait_indirect_dma semaphore(%arg20 : memref<!tpu.dma_semaphore, #tpu.memory_space<semaphore_mem>>) src(%dma_wait3A_1451 : memref<96xf32, #tpu.memory_space<vmem>>) dst(%dma_wait3A_1455 : memref<256xf32, #tpu.memory_space<vmem_shared>>)
    %dma_wait3A_1456 = arith.constant 1 : i32
    %dma_wait3A_1457 = arith.constant 0 : i32
    %dma_wait3A_1458 = arith.constant 0 : i32
    %dma_wait3A_1459 = tpu.memref_slice %arg6[%dma_wait3A_1456, %dma_wait3A_1457, %dma_wait3A_1458] : memref<4x200x128xf32, #tpu.memory_space<vmem>> -> memref<1x200x128xf32, #tpu.memory_space<vmem>>
    %dma_wait3A_1460 = tpu.memref_squeeze %dma_wait3A_1459 : memref<1x200x128xf32, #tpu.memory_space<vmem>> -> memref<200x128xf32, #tpu.memory_space<vmem>>
    %dma_wait3A_1461 = arith.constant 0 : i32
    %dma_wait3A_1462 = tpu.memref_slice %arg2[%mul3A_1152, %dma_wait3A_1461] : memref<100000x128xf32, #tpu.memory_space<hbm>> -> memref<200x128xf32, #tpu.memory_space<hbm>>
    %dma_wait3A_1463 = arith.constant 0 : i32
    %dma_wait3A_1464 = arith.constant 0 : i32
    %dma_wait3A_1465 = tpu.memref_slice %arg6[%dma_wait3A_1456, %dma_wait3A_1463, %dma_wait3A_1464] : memref<4x200x128xf32, #tpu.memory_space<vmem>> -> memref<1x200x128xf32, #tpu.memory_space<vmem>>
    %dma_wait3A_1466 = tpu.memref_squeeze %dma_wait3A_1465 : memref<1x200x128xf32, #tpu.memory_space<vmem>> -> memref<200x128xf32, #tpu.memory_space<vmem>>
    %dma_wait3A_1467 = arith.constant 0 : i32
    %dma_wait3A_1468 = tpu.memref_slice %arg2[%mul3A_1152, %dma_wait3A_1467] : memref<100000x128xf32, #tpu.memory_space<hbm>> -> memref<200x128xf32, #tpu.memory_space<hbm>>
    tpu.wait_dma2 semaphore(%arg13 : memref<!tpu.dma_semaphore, #tpu.memory_space<semaphore_mem>>) src(%dma_wait3A_1468 : memref<200x128xf32, #tpu.memory_space<hbm>>) dst(%dma_wait3A_1466 : memref<200x128xf32, #tpu.memory_space<vmem>>)
    %dma_wait3A_1469 = arith.constant 2600 : i32
    %dma_wait3A_1470 = tpu.memref_slice %arg7[%dma_wait3A_1469] : memref<3200xi32, #tpu.memory_space<vmem>> -> memref<200xi32, #tpu.memory_space<vmem>>
    %dma_wait3A_1471 = tpu.memref_slice %arg3[%mul3A_1152] : memref<100000xi32, #tpu.memory_space<hbm>> -> memref<200xi32, #tpu.memory_space<hbm>>
    %dma_wait3A_1472 = arith.constant 2600 : i32
    %dma_wait3A_1473 = tpu.memref_slice %arg7[%dma_wait3A_1472] : memref<3200xi32, #tpu.memory_space<vmem>> -> memref<200xi32, #tpu.memory_space<vmem>>
    %dma_wait3A_1474 = tpu.memref_slice %arg3[%mul3A_1152] : memref<100000xi32, #tpu.memory_space<hbm>> -> memref<200xi32, #tpu.memory_space<hbm>>
    tpu.wait_dma2 semaphore(%arg13 : memref<!tpu.dma_semaphore, #tpu.memory_space<semaphore_mem>>) src(%dma_wait3A_1474 : memref<200xi32, #tpu.memory_space<hbm>>) dst(%dma_wait3A_1473 : memref<200xi32, #tpu.memory_space<vmem>>)
    %dma_start3A_1475 = arith.constant 1 : i32
    %dma_start3A_1476 = arith.constant 0 : i32
    %dma_start3A_1477 = arith.constant 0 : i32
    %dma_start3A_1478 = tpu.memref_slice %arg6[%dma_start3A_1475, %dma_start3A_1476, %dma_start3A_1477] : memref<4x200x128xf32, #tpu.memory_space<vmem>> -> memref<1x104x128xf32, #tpu.memory_space<vmem>>
    %dma_start3A_1479 = tpu.memref_squeeze %dma_start3A_1478 : memref<1x104x128xf32, #tpu.memory_space<vmem>> -> memref<104x128xf32, #tpu.memory_space<vmem>>
    %dma_start3A_1480 = arith.constant 2600 : i32
    %dma_start3A_1481 = tpu.memref_slice %arg7[%dma_start3A_1480] : memref<3200xi32, #tpu.memory_space<vmem>> -> memref<104xi32, #tpu.memory_space<vmem>>
    %dma_start3A_1482 = arith.constant 0 : i32
    %dma_start3A_1483 = arith.constant 0 : i32
    %dma_start3A_1484 = tpu.memref_slice %arg10[%dma_start3A_1482, %dma_start3A_1483] : memref<256x128xf32, #tpu.memory_space<vmem_shared>> -> memref<256x128xf32, #tpu.memory_space<vmem_shared>>
    tpu.enqueue_indirect_dma source(%dma_start3A_1479 : memref<104x128xf32, #tpu.memory_space<vmem>>) target(%dma_start3A_1484 : memref<256x128xf32, #tpu.memory_space<vmem_shared>>) offsets(%dma_start3A_1481 : memref<104xi32, #tpu.memory_space<vmem>>) semaphore(%arg17 : memref<!tpu.dma_semaphore, #tpu.memory_space<semaphore_mem>>) {add = true}
    %dma_start3A_1485 = arith.constant 0 : i32
    %dma_start3A_1486 = tpu.memref_slice %arg8[%dma_start3A_1485] : memref<112xf32, #tpu.memory_space<vmem>> -> memref<104xf32, #tpu.memory_space<vmem>>
    %dma_start3A_1487 = arith.constant 2600 : i32
    %dma_start3A_1488 = tpu.memref_slice %arg7[%dma_start3A_1487] : memref<3200xi32, #tpu.memory_space<vmem>> -> memref<104xi32, #tpu.memory_space<vmem>>
    %dma_start3A_1489 = arith.constant 0 : i32
    %dma_start3A_1490 = tpu.memref_slice %arg11[%dma_start3A_1489] : memref<256xf32, #tpu.memory_space<vmem_shared>> -> memref<256xf32, #tpu.memory_space<vmem_shared>>
    tpu.enqueue_indirect_dma source(%dma_start3A_1486 : memref<104xf32, #tpu.memory_space<vmem>>) target(%dma_start3A_1490 : memref<256xf32, #tpu.memory_space<vmem_shared>>) offsets(%dma_start3A_1488 : memref<104xi32, #tpu.memory_space<vmem>>) semaphore(%arg20 : memref<!tpu.dma_semaphore, #tpu.memory_space<semaphore_mem>>) {add = true}
    %dma_start3A_1491 = arith.constant 1 : i32
    %dma_start3A_1492 = arith.constant 104 : i32
    %dma_start3A_1493 = arith.constant 0 : i32
    %dma_start3A_1494 = tpu.memref_slice %arg6[%dma_start3A_1491, %dma_start3A_1492, %dma_start3A_1493] : memref<4x200x128xf32, #tpu.memory_space<vmem>> -> memref<1x96x128xf32, #tpu.memory_space<vmem>>
    %dma_start3A_1495 = tpu.memref_squeeze %dma_start3A_1494 : memref<1x96x128xf32, #tpu.memory_space<vmem>> -> memref<96x128xf32, #tpu.memory_space<vmem>>
    %dma_start3A_1496 = arith.constant 2704 : i32
    %dma_start3A_1497 = tpu.memref_slice %arg7[%dma_start3A_1496] : memref<3200xi32, #tpu.memory_space<vmem>> -> memref<96xi32, #tpu.memory_space<vmem>>
    %dma_start3A_1498 = arith.constant 0 : i32
    %dma_start3A_1499 = arith.constant 0 : i32
    %dma_start3A_1500 = tpu.memref_slice %arg10[%dma_start3A_1498, %dma_start3A_1499] : memref<256x128xf32, #tpu.memory_space<vmem_shared>> -> memref<256x128xf32, #tpu.memory_space<vmem_shared>>
    tpu.enqueue_indirect_dma source(%dma_start3A_1495 : memref<96x128xf32, #tpu.memory_space<vmem>>) target(%dma_start3A_1500 : memref<256x128xf32, #tpu.memory_space<vmem_shared>>) offsets(%dma_start3A_1497 : memref<96xi32, #tpu.memory_space<vmem>>) semaphore(%arg17 : memref<!tpu.dma_semaphore, #tpu.memory_space<semaphore_mem>>) {add = true}
    %dma_start3A_1501 = arith.constant 0 : i32
    %dma_start3A_1502 = tpu.memref_slice %arg8[%dma_start3A_1501] : memref<112xf32, #tpu.memory_space<vmem>> -> memref<96xf32, #tpu.memory_space<vmem>>
    %dma_start3A_1503 = arith.constant 2704 : i32
    %dma_start3A_1504 = tpu.memref_slice %arg7[%dma_start3A_1503] : memref<3200xi32, #tpu.memory_space<vmem>> -> memref<96xi32, #tpu.memory_space<vmem>>
    %dma_start3A_1505 = arith.constant 0 : i32
    %dma_start3A_1506 = tpu.memref_slice %arg11[%dma_start3A_1505] : memref<256xf32, #tpu.memory_space<vmem_shared>> -> memref<256xf32, #tpu.memory_space<vmem_shared>>
    tpu.enqueue_indirect_dma source(%dma_start3A_1502 : memref<96xf32, #tpu.memory_space<vmem>>) target(%dma_start3A_1506 : memref<256xf32, #tpu.memory_space<vmem_shared>>) offsets(%dma_start3A_1504 : memref<96xi32, #tpu.memory_space<vmem>>) semaphore(%arg20 : memref<!tpu.dma_semaphore, #tpu.memory_space<semaphore_mem>>) {add = true}
    %dma_wait3A_1507 = arith.constant 1 : i32
    %dma_wait3A_1508 = arith.constant 0 : i32
    %dma_wait3A_1509 = arith.constant 0 : i32
    %dma_wait3A_1510 = tpu.memref_slice %arg6[%dma_wait3A_1507, %dma_wait3A_1508, %dma_wait3A_1509] : memref<4x200x128xf32, #tpu.memory_space<vmem>> -> memref<1x104x128xf32, #tpu.memory_space<vmem>>
    %dma_wait3A_1511 = tpu.memref_squeeze %dma_wait3A_1510 : memref<1x104x128xf32, #tpu.memory_space<vmem>> -> memref<104x128xf32, #tpu.memory_space<vmem>>
    %dma_wait3A_1512 = arith.constant 2600 : i32
    %dma_wait3A_1513 = tpu.memref_slice %arg7[%dma_wait3A_1512] : memref<3200xi32, #tpu.memory_space<vmem>> -> memref<104xi32, #tpu.memory_space<vmem>>
    %dma_wait3A_1514 = arith.constant 0 : i32
    %dma_wait3A_1515 = arith.constant 0 : i32
    %dma_wait3A_1516 = tpu.memref_slice %arg10[%dma_wait3A_1514, %dma_wait3A_1515] : memref<256x128xf32, #tpu.memory_space<vmem_shared>> -> memref<256x128xf32, #tpu.memory_space<vmem_shared>>
    tpu.wait_indirect_dma semaphore(%arg17 : memref<!tpu.dma_semaphore, #tpu.memory_space<semaphore_mem>>) src(%dma_wait3A_1511 : memref<104x128xf32, #tpu.memory_space<vmem>>) dst(%dma_wait3A_1516 : memref<256x128xf32, #tpu.memory_space<vmem_shared>>)
    %dma_wait3A_1517 = arith.constant 1 : i32
    %dma_wait3A_1518 = arith.constant 104 : i32
    %dma_wait3A_1519 = arith.constant 0 : i32
    %dma_wait3A_1520 = tpu.memref_slice %arg6[%dma_wait3A_1517, %dma_wait3A_1518, %dma_wait3A_1519] : memref<4x200x128xf32, #tpu.memory_space<vmem>> -> memref<1x96x128xf32, #tpu.memory_space<vmem>>
    %dma_wait3A_1521 = tpu.memref_squeeze %dma_wait3A_1520 : memref<1x96x128xf32, #tpu.memory_space<vmem>> -> memref<96x128xf32, #tpu.memory_space<vmem>>
    %dma_wait3A_1522 = arith.constant 2704 : i32
    %dma_wait3A_1523 = tpu.memref_slice %arg7[%dma_wait3A_1522] : memref<3200xi32, #tpu.memory_space<vmem>> -> memref<96xi32, #tpu.memory_space<vmem>>
    %dma_wait3A_1524 = arith.constant 0 : i32
    %dma_wait3A_1525 = arith.constant 0 : i32
    %dma_wait3A_1526 = tpu.memref_slice %arg10[%dma_wait3A_1524, %dma_wait3A_1525] : memref<256x128xf32, #tpu.memory_space<vmem_shared>> -> memref<256x128xf32, #tpu.memory_space<vmem_shared>>
    tpu.wait_indirect_dma semaphore(%arg17 : memref<!tpu.dma_semaphore, #tpu.memory_space<semaphore_mem>>) src(%dma_wait3A_1521 : memref<96x128xf32, #tpu.memory_space<vmem>>) dst(%dma_wait3A_1526 : memref<256x128xf32, #tpu.memory_space<vmem_shared>>)
    %dma_wait3A_1527 = arith.constant 0 : i32
    %dma_wait3A_1528 = tpu.memref_slice %arg8[%dma_wait3A_1527] : memref<112xf32, #tpu.memory_space<vmem>> -> memref<104xf32, #tpu.memory_space<vmem>>
    %dma_wait3A_1529 = arith.constant 2400 : i32
    %dma_wait3A_1530 = tpu.memref_slice %arg7[%dma_wait3A_1529] : memref<3200xi32, #tpu.memory_space<vmem>> -> memref<104xi32, #tpu.memory_space<vmem>>
    %dma_wait3A_1531 = arith.constant 0 : i32
    %dma_wait3A_1532 = tpu.memref_slice %arg11[%dma_wait3A_1531] : memref<256xf32, #tpu.memory_space<vmem_shared>> -> memref<256xf32, #tpu.memory_space<vmem_shared>>
    tpu.wait_indirect_dma semaphore(%arg20 : memref<!tpu.dma_semaphore, #tpu.memory_space<semaphore_mem>>) src(%dma_wait3A_1528 : memref<104xf32, #tpu.memory_space<vmem>>) dst(%dma_wait3A_1532 : memref<256xf32, #tpu.memory_space<vmem_shared>>)
    %dma_wait3A_1533 = arith.constant 0 : i32
    %dma_wait3A_1534 = tpu.memref_slice %arg8[%dma_wait3A_1533] : memref<112xf32, #tpu.memory_space<vmem>> -> memref<96xf32, #tpu.memory_space<vmem>>
    %dma_wait3A_1535 = arith.constant 2504 : i32
    %dma_wait3A_1536 = tpu.memref_slice %arg7[%dma_wait3A_1535] : memref<3200xi32, #tpu.memory_space<vmem>> -> memref<96xi32, #tpu.memory_space<vmem>>
    %dma_wait3A_1537 = arith.constant 0 : i32
    %dma_wait3A_1538 = tpu.memref_slice %arg11[%dma_wait3A_1537] : memref<256xf32, #tpu.memory_space<vmem_shared>> -> memref<256xf32, #tpu.memory_space<vmem_shared>>
    tpu.wait_indirect_dma semaphore(%arg20 : memref<!tpu.dma_semaphore, #tpu.memory_space<semaphore_mem>>) src(%dma_wait3A_1534 : memref<96xf32, #tpu.memory_space<vmem>>) dst(%dma_wait3A_1538 : memref<256xf32, #tpu.memory_space<vmem_shared>>)
    %dma_wait3A_1539 = arith.constant 2 : i32
    %dma_wait3A_1540 = arith.constant 0 : i32
    %dma_wait3A_1541 = arith.constant 0 : i32
    %dma_wait3A_1542 = tpu.memref_slice %arg6[%dma_wait3A_1539, %dma_wait3A_1540, %dma_wait3A_1541] : memref<4x200x128xf32, #tpu.memory_space<vmem>> -> memref<1x200x128xf32, #tpu.memory_space<vmem>>
    %dma_wait3A_1543 = tpu.memref_squeeze %dma_wait3A_1542 : memref<1x200x128xf32, #tpu.memory_space<vmem>> -> memref<200x128xf32, #tpu.memory_space<vmem>>
    %dma_wait3A_1544 = arith.constant 0 : i32
    %dma_wait3A_1545 = tpu.memref_slice %arg2[%mul3A_1258, %dma_wait3A_1544] : memref<100000x128xf32, #tpu.memory_space<hbm>> -> memref<200x128xf32, #tpu.memory_space<hbm>>
    %dma_wait3A_1546 = arith.constant 0 : i32
    %dma_wait3A_1547 = arith.constant 0 : i32
    %dma_wait3A_1548 = tpu.memref_slice %arg6[%dma_wait3A_1539, %dma_wait3A_1546, %dma_wait3A_1547] : memref<4x200x128xf32, #tpu.memory_space<vmem>> -> memref<1x200x128xf32, #tpu.memory_space<vmem>>
    %dma_wait3A_1549 = tpu.memref_squeeze %dma_wait3A_1548 : memref<1x200x128xf32, #tpu.memory_space<vmem>> -> memref<200x128xf32, #tpu.memory_space<vmem>>
    %dma_wait3A_1550 = arith.constant 0 : i32
    %dma_wait3A_1551 = tpu.memref_slice %arg2[%mul3A_1258, %dma_wait3A_1550] : memref<100000x128xf32, #tpu.memory_space<hbm>> -> memref<200x128xf32, #tpu.memory_space<hbm>>
    tpu.wait_dma2 semaphore(%arg14 : memref<!tpu.dma_semaphore, #tpu.memory_space<semaphore_mem>>) src(%dma_wait3A_1551 : memref<200x128xf32, #tpu.memory_space<hbm>>) dst(%dma_wait3A_1549 : memref<200x128xf32, #tpu.memory_space<vmem>>)
    %dma_wait3A_1552 = arith.constant 2800 : i32
    %dma_wait3A_1553 = tpu.memref_slice %arg7[%dma_wait3A_1552] : memref<3200xi32, #tpu.memory_space<vmem>> -> memref<200xi32, #tpu.memory_space<vmem>>
    %dma_wait3A_1554 = tpu.memref_slice %arg3[%mul3A_1258] : memref<100000xi32, #tpu.memory_space<hbm>> -> memref<200xi32, #tpu.memory_space<hbm>>
    %dma_wait3A_1555 = arith.constant 2800 : i32
    %dma_wait3A_1556 = tpu.memref_slice %arg7[%dma_wait3A_1555] : memref<3200xi32, #tpu.memory_space<vmem>> -> memref<200xi32, #tpu.memory_space<vmem>>
    %dma_wait3A_1557 = tpu.memref_slice %arg3[%mul3A_1258] : memref<100000xi32, #tpu.memory_space<hbm>> -> memref<200xi32, #tpu.memory_space<hbm>>
    tpu.wait_dma2 semaphore(%arg14 : memref<!tpu.dma_semaphore, #tpu.memory_space<semaphore_mem>>) src(%dma_wait3A_1557 : memref<200xi32, #tpu.memory_space<hbm>>) dst(%dma_wait3A_1556 : memref<200xi32, #tpu.memory_space<vmem>>)
    %dma_start3A_1558 = arith.constant 2 : i32
    %dma_start3A_1559 = arith.constant 0 : i32
    %dma_start3A_1560 = arith.constant 0 : i32
    %dma_start3A_1561 = tpu.memref_slice %arg6[%dma_start3A_1558, %dma_start3A_1559, %dma_start3A_1560] : memref<4x200x128xf32, #tpu.memory_space<vmem>> -> memref<1x104x128xf32, #tpu.memory_space<vmem>>
    %dma_start3A_1562 = tpu.memref_squeeze %dma_start3A_1561 : memref<1x104x128xf32, #tpu.memory_space<vmem>> -> memref<104x128xf32, #tpu.memory_space<vmem>>
    %dma_start3A_1563 = arith.constant 2800 : i32
    %dma_start3A_1564 = tpu.memref_slice %arg7[%dma_start3A_1563] : memref<3200xi32, #tpu.memory_space<vmem>> -> memref<104xi32, #tpu.memory_space<vmem>>
    %dma_start3A_1565 = arith.constant 0 : i32
    %dma_start3A_1566 = arith.constant 0 : i32
    %dma_start3A_1567 = tpu.memref_slice %arg10[%dma_start3A_1565, %dma_start3A_1566] : memref<256x128xf32, #tpu.memory_space<vmem_shared>> -> memref<256x128xf32, #tpu.memory_space<vmem_shared>>
    tpu.enqueue_indirect_dma source(%dma_start3A_1562 : memref<104x128xf32, #tpu.memory_space<vmem>>) target(%dma_start3A_1567 : memref<256x128xf32, #tpu.memory_space<vmem_shared>>) offsets(%dma_start3A_1564 : memref<104xi32, #tpu.memory_space<vmem>>) semaphore(%arg18 : memref<!tpu.dma_semaphore, #tpu.memory_space<semaphore_mem>>) {add = true}
    %dma_start3A_1568 = arith.constant 0 : i32
    %dma_start3A_1569 = tpu.memref_slice %arg8[%dma_start3A_1568] : memref<112xf32, #tpu.memory_space<vmem>> -> memref<104xf32, #tpu.memory_space<vmem>>
    %dma_start3A_1570 = arith.constant 2800 : i32
    %dma_start3A_1571 = tpu.memref_slice %arg7[%dma_start3A_1570] : memref<3200xi32, #tpu.memory_space<vmem>> -> memref<104xi32, #tpu.memory_space<vmem>>
    %dma_start3A_1572 = arith.constant 0 : i32
    %dma_start3A_1573 = tpu.memref_slice %arg11[%dma_start3A_1572] : memref<256xf32, #tpu.memory_space<vmem_shared>> -> memref<256xf32, #tpu.memory_space<vmem_shared>>
    tpu.enqueue_indirect_dma source(%dma_start3A_1569 : memref<104xf32, #tpu.memory_space<vmem>>) target(%dma_start3A_1573 : memref<256xf32, #tpu.memory_space<vmem_shared>>) offsets(%dma_start3A_1571 : memref<104xi32, #tpu.memory_space<vmem>>) semaphore(%arg20 : memref<!tpu.dma_semaphore, #tpu.memory_space<semaphore_mem>>) {add = true}
    %dma_start3A_1574 = arith.constant 2 : i32
    %dma_start3A_1575 = arith.constant 104 : i32
    %dma_start3A_1576 = arith.constant 0 : i32
    %dma_start3A_1577 = tpu.memref_slice %arg6[%dma_start3A_1574, %dma_start3A_1575, %dma_start3A_1576] : memref<4x200x128xf32, #tpu.memory_space<vmem>> -> memref<1x96x128xf32, #tpu.memory_space<vmem>>
    %dma_start3A_1578 = tpu.memref_squeeze %dma_start3A_1577 : memref<1x96x128xf32, #tpu.memory_space<vmem>> -> memref<96x128xf32, #tpu.memory_space<vmem>>
    %dma_start3A_1579 = arith.constant 2904 : i32
    %dma_start3A_1580 = tpu.memref_slice %arg7[%dma_start3A_1579] : memref<3200xi32, #tpu.memory_space<vmem>> -> memref<96xi32, #tpu.memory_space<vmem>>
    %dma_start3A_1581 = arith.constant 0 : i32
    %dma_start3A_1582 = arith.constant 0 : i32
    %dma_start3A_1583 = tpu.memref_slice %arg10[%dma_start3A_1581, %dma_start3A_1582] : memref<256x128xf32, #tpu.memory_space<vmem_shared>> -> memref<256x128xf32, #tpu.memory_space<vmem_shared>>
    tpu.enqueue_indirect_dma source(%dma_start3A_1578 : memref<96x128xf32, #tpu.memory_space<vmem>>) target(%dma_start3A_1583 : memref<256x128xf32, #tpu.memory_space<vmem_shared>>) offsets(%dma_start3A_1580 : memref<96xi32, #tpu.memory_space<vmem>>) semaphore(%arg18 : memref<!tpu.dma_semaphore, #tpu.memory_space<semaphore_mem>>) {add = true}
    %dma_start3A_1584 = arith.constant 0 : i32
    %dma_start3A_1585 = tpu.memref_slice %arg8[%dma_start3A_1584] : memref<112xf32, #tpu.memory_space<vmem>> -> memref<96xf32, #tpu.memory_space<vmem>>
    %dma_start3A_1586 = arith.constant 2904 : i32
    %dma_start3A_1587 = tpu.memref_slice %arg7[%dma_start3A_1586] : memref<3200xi32, #tpu.memory_space<vmem>> -> memref<96xi32, #tpu.memory_space<vmem>>
    %dma_start3A_1588 = arith.constant 0 : i32
    %dma_start3A_1589 = tpu.memref_slice %arg11[%dma_start3A_1588] : memref<256xf32, #tpu.memory_space<vmem_shared>> -> memref<256xf32, #tpu.memory_space<vmem_shared>>
    tpu.enqueue_indirect_dma source(%dma_start3A_1585 : memref<96xf32, #tpu.memory_space<vmem>>) target(%dma_start3A_1589 : memref<256xf32, #tpu.memory_space<vmem_shared>>) offsets(%dma_start3A_1587 : memref<96xi32, #tpu.memory_space<vmem>>) semaphore(%arg20 : memref<!tpu.dma_semaphore, #tpu.memory_space<semaphore_mem>>) {add = true}
    %dma_wait3A_1590 = arith.constant 2 : i32
    %dma_wait3A_1591 = arith.constant 0 : i32
    %dma_wait3A_1592 = arith.constant 0 : i32
    %dma_wait3A_1593 = tpu.memref_slice %arg6[%dma_wait3A_1590, %dma_wait3A_1591, %dma_wait3A_1592] : memref<4x200x128xf32, #tpu.memory_space<vmem>> -> memref<1x104x128xf32, #tpu.memory_space<vmem>>
    %dma_wait3A_1594 = tpu.memref_squeeze %dma_wait3A_1593 : memref<1x104x128xf32, #tpu.memory_space<vmem>> -> memref<104x128xf32, #tpu.memory_space<vmem>>
    %dma_wait3A_1595 = arith.constant 2800 : i32
    %dma_wait3A_1596 = tpu.memref_slice %arg7[%dma_wait3A_1595] : memref<3200xi32, #tpu.memory_space<vmem>> -> memref<104xi32, #tpu.memory_space<vmem>>
    %dma_wait3A_1597 = arith.constant 0 : i32
    %dma_wait3A_1598 = arith.constant 0 : i32
    %dma_wait3A_1599 = tpu.memref_slice %arg10[%dma_wait3A_1597, %dma_wait3A_1598] : memref<256x128xf32, #tpu.memory_space<vmem_shared>> -> memref<256x128xf32, #tpu.memory_space<vmem_shared>>
    tpu.wait_indirect_dma semaphore(%arg18 : memref<!tpu.dma_semaphore, #tpu.memory_space<semaphore_mem>>) src(%dma_wait3A_1594 : memref<104x128xf32, #tpu.memory_space<vmem>>) dst(%dma_wait3A_1599 : memref<256x128xf32, #tpu.memory_space<vmem_shared>>)
    %dma_wait3A_1600 = arith.constant 2 : i32
    %dma_wait3A_1601 = arith.constant 104 : i32
    %dma_wait3A_1602 = arith.constant 0 : i32
    %dma_wait3A_1603 = tpu.memref_slice %arg6[%dma_wait3A_1600, %dma_wait3A_1601, %dma_wait3A_1602] : memref<4x200x128xf32, #tpu.memory_space<vmem>> -> memref<1x96x128xf32, #tpu.memory_space<vmem>>
    %dma_wait3A_1604 = tpu.memref_squeeze %dma_wait3A_1603 : memref<1x96x128xf32, #tpu.memory_space<vmem>> -> memref<96x128xf32, #tpu.memory_space<vmem>>
    %dma_wait3A_1605 = arith.constant 2904 : i32
    %dma_wait3A_1606 = tpu.memref_slice %arg7[%dma_wait3A_1605] : memref<3200xi32, #tpu.memory_space<vmem>> -> memref<96xi32, #tpu.memory_space<vmem>>
    %dma_wait3A_1607 = arith.constant 0 : i32
    %dma_wait3A_1608 = arith.constant 0 : i32
    %dma_wait3A_1609 = tpu.memref_slice %arg10[%dma_wait3A_1607, %dma_wait3A_1608] : memref<256x128xf32, #tpu.memory_space<vmem_shared>> -> memref<256x128xf32, #tpu.memory_space<vmem_shared>>
    tpu.wait_indirect_dma semaphore(%arg18 : memref<!tpu.dma_semaphore, #tpu.memory_space<semaphore_mem>>) src(%dma_wait3A_1604 : memref<96x128xf32, #tpu.memory_space<vmem>>) dst(%dma_wait3A_1609 : memref<256x128xf32, #tpu.memory_space<vmem_shared>>)
    %dma_wait3A_1610 = arith.constant 0 : i32
    %dma_wait3A_1611 = tpu.memref_slice %arg8[%dma_wait3A_1610] : memref<112xf32, #tpu.memory_space<vmem>> -> memref<104xf32, #tpu.memory_space<vmem>>
    %dma_wait3A_1612 = arith.constant 2600 : i32
    %dma_wait3A_1613 = tpu.memref_slice %arg7[%dma_wait3A_1612] : memref<3200xi32, #tpu.memory_space<vmem>> -> memref<104xi32, #tpu.memory_space<vmem>>
    %dma_wait3A_1614 = arith.constant 0 : i32
    %dma_wait3A_1615 = tpu.memref_slice %arg11[%dma_wait3A_1614] : memref<256xf32, #tpu.memory_space<vmem_shared>> -> memref<256xf32, #tpu.memory_space<vmem_shared>>
    tpu.wait_indirect_dma semaphore(%arg20 : memref<!tpu.dma_semaphore, #tpu.memory_space<semaphore_mem>>) src(%dma_wait3A_1611 : memref<104xf32, #tpu.memory_space<vmem>>) dst(%dma_wait3A_1615 : memref<256xf32, #tpu.memory_space<vmem_shared>>)
    %dma_wait3A_1616 = arith.constant 0 : i32
    %dma_wait3A_1617 = tpu.memref_slice %arg8[%dma_wait3A_1616] : memref<112xf32, #tpu.memory_space<vmem>> -> memref<96xf32, #tpu.memory_space<vmem>>
    %dma_wait3A_1618 = arith.constant 2704 : i32
    %dma_wait3A_1619 = tpu.memref_slice %arg7[%dma_wait3A_1618] : memref<3200xi32, #tpu.memory_space<vmem>> -> memref<96xi32, #tpu.memory_space<vmem>>
    %dma_wait3A_1620 = arith.constant 0 : i32
    %dma_wait3A_1621 = tpu.memref_slice %arg11[%dma_wait3A_1620] : memref<256xf32, #tpu.memory_space<vmem_shared>> -> memref<256xf32, #tpu.memory_space<vmem_shared>>
    tpu.wait_indirect_dma semaphore(%arg20 : memref<!tpu.dma_semaphore, #tpu.memory_space<semaphore_mem>>) src(%dma_wait3A_1617 : memref<96xf32, #tpu.memory_space<vmem>>) dst(%dma_wait3A_1621 : memref<256xf32, #tpu.memory_space<vmem_shared>>)
    %dma_wait3A_1622 = arith.constant 0 : i32
    %dma_wait3A_1623 = tpu.memref_slice %arg8[%dma_wait3A_1622] : memref<112xf32, #tpu.memory_space<vmem>> -> memref<104xf32, #tpu.memory_space<vmem>>
    %dma_wait3A_1624 = arith.constant 2800 : i32
    %dma_wait3A_1625 = tpu.memref_slice %arg7[%dma_wait3A_1624] : memref<3200xi32, #tpu.memory_space<vmem>> -> memref<104xi32, #tpu.memory_space<vmem>>
    %dma_wait3A_1626 = arith.constant 0 : i32
    %dma_wait3A_1627 = tpu.memref_slice %arg11[%dma_wait3A_1626] : memref<256xf32, #tpu.memory_space<vmem_shared>> -> memref<256xf32, #tpu.memory_space<vmem_shared>>
    tpu.wait_indirect_dma semaphore(%arg20 : memref<!tpu.dma_semaphore, #tpu.memory_space<semaphore_mem>>) src(%dma_wait3A_1623 : memref<104xf32, #tpu.memory_space<vmem>>) dst(%dma_wait3A_1627 : memref<256xf32, #tpu.memory_space<vmem_shared>>)
    %dma_wait3A_1628 = arith.constant 0 : i32
    %dma_wait3A_1629 = tpu.memref_slice %arg8[%dma_wait3A_1628] : memref<112xf32, #tpu.memory_space<vmem>> -> memref<96xf32, #tpu.memory_space<vmem>>
    %dma_wait3A_1630 = arith.constant 2904 : i32
    %dma_wait3A_1631 = tpu.memref_slice %arg7[%dma_wait3A_1630] : memref<3200xi32, #tpu.memory_space<vmem>> -> memref<96xi32, #tpu.memory_space<vmem>>
    %dma_wait3A_1632 = arith.constant 0 : i32
    %dma_wait3A_1633 = tpu.memref_slice %arg11[%dma_wait3A_1632] : memref<256xf32, #tpu.memory_space<vmem_shared>> -> memref<256xf32, #tpu.memory_space<vmem_shared>>
    tpu.wait_indirect_dma semaphore(%arg20 : memref<!tpu.dma_semaphore, #tpu.memory_space<semaphore_mem>>) src(%dma_wait3A_1629 : memref<96xf32, #tpu.memory_space<vmem>>) dst(%dma_wait3A_1633 : memref<256xf32, #tpu.memory_space<vmem_shared>>)
    %convert_element_type3A = arith.extui %lt3A_45 : i1 to i32
    %cond3A = arith.constant 0 : i32
    %cond3A_1634 = arith.cmpi ne, %convert_element_type3A, %cond3A : i32
    scf.if %cond3A_1634 {
      %add3A_1644 = arith.constant 480 : i32
      %add3A_1645 = arith.addi %add3A_1644, %add3A : i32
      %mul3A_1646 = arith.constant 200 : i32
      %mul3A_1647 = arith.muli %add3A_1645, %mul3A_1646 : i32
      %dma_start3A_1648 = arith.constant 3 : i32
      %dma_start3A_1649 = arith.constant 0 : i32
      %dma_start3A_1650 = arith.constant 0 : i32
      %dma_start3A_1651 = tpu.memref_slice %arg6[%dma_start3A_1648, %dma_start3A_1649, %dma_start3A_1650] : memref<4x200x128xf32, #tpu.memory_space<vmem>> -> memref<1x200x128xf32, #tpu.memory_space<vmem>>
      %dma_start3A_1652 = tpu.memref_squeeze %dma_start3A_1651 : memref<1x200x128xf32, #tpu.memory_space<vmem>> -> memref<200x128xf32, #tpu.memory_space<vmem>>
      %dma_start3A_1653 = arith.constant 0 : i32
      %dma_start3A_1654 = tpu.memref_slice %arg2[%mul3A_1647, %dma_start3A_1653] : memref<100000x128xf32, #tpu.memory_space<hbm>> -> memref<200x128xf32, #tpu.memory_space<hbm>>
      %dma_start3A_1655 = arith.constant 0 : i32
      %dma_start3A_1656 = arith.constant 0 : i32
      %dma_start3A_1657 = tpu.memref_slice %arg6[%dma_start3A_1648, %dma_start3A_1655, %dma_start3A_1656] : memref<4x200x128xf32, #tpu.memory_space<vmem>> -> memref<1x200x128xf32, #tpu.memory_space<vmem>>
      %dma_start3A_1658 = tpu.memref_squeeze %dma_start3A_1657 : memref<1x200x128xf32, #tpu.memory_space<vmem>> -> memref<200x128xf32, #tpu.memory_space<vmem>>
      %dma_start3A_1659 = arith.constant 0 : i32
      %dma_start3A_1660 = tpu.memref_slice %arg2[%mul3A_1647, %dma_start3A_1659] : memref<100000x128xf32, #tpu.memory_space<hbm>> -> memref<200x128xf32, #tpu.memory_space<hbm>>
      tpu.enqueue_dma source(%dma_start3A_1660 : memref<200x128xf32, #tpu.memory_space<hbm>>) target(%dma_start3A_1658 : memref<200x128xf32, #tpu.memory_space<vmem>>) target_semaphore(%arg15 : memref<!tpu.dma_semaphore, #tpu.memory_space<semaphore_mem>>)
      %dma_start3A_1661 = arith.constant 3000 : i32
      %dma_start3A_1662 = tpu.memref_slice %arg7[%dma_start3A_1661] : memref<3200xi32, #tpu.memory_space<vmem>> -> memref<200xi32, #tpu.memory_space<vmem>>
      %dma_start3A_1663 = tpu.memref_slice %arg3[%mul3A_1647] : memref<100000xi32, #tpu.memory_space<hbm>> -> memref<200xi32, #tpu.memory_space<hbm>>
      %dma_start3A_1664 = arith.constant 3000 : i32
      %dma_start3A_1665 = tpu.memref_slice %arg7[%dma_start3A_1664] : memref<3200xi32, #tpu.memory_space<vmem>> -> memref<200xi32, #tpu.memory_space<vmem>>
      %dma_start3A_1666 = tpu.memref_slice %arg3[%mul3A_1647] : memref<100000xi32, #tpu.memory_space<hbm>> -> memref<200xi32, #tpu.memory_space<hbm>>
      tpu.enqueue_dma source(%dma_start3A_1666 : memref<200xi32, #tpu.memory_space<hbm>>) target(%dma_start3A_1665 : memref<200xi32, #tpu.memory_space<vmem>>) target_semaphore(%arg15 : memref<!tpu.dma_semaphore, #tpu.memory_space<semaphore_mem>>)
      %dma_wait3A_1667 = arith.constant 3 : i32
      %dma_wait3A_1668 = arith.constant 0 : i32
      %dma_wait3A_1669 = arith.constant 0 : i32
      %dma_wait3A_1670 = tpu.memref_slice %arg6[%dma_wait3A_1667, %dma_wait3A_1668, %dma_wait3A_1669] : memref<4x200x128xf32, #tpu.memory_space<vmem>> -> memref<1x200x128xf32, #tpu.memory_space<vmem>>
      %dma_wait3A_1671 = tpu.memref_squeeze %dma_wait3A_1670 : memref<1x200x128xf32, #tpu.memory_space<vmem>> -> memref<200x128xf32, #tpu.memory_space<vmem>>
      %dma_wait3A_1672 = arith.constant 0 : i32
      %dma_wait3A_1673 = tpu.memref_slice %arg2[%mul3A_1647, %dma_wait3A_1672] : memref<100000x128xf32, #tpu.memory_space<hbm>> -> memref<200x128xf32, #tpu.memory_space<hbm>>
      %dma_wait3A_1674 = arith.constant 0 : i32
      %dma_wait3A_1675 = arith.constant 0 : i32
      %dma_wait3A_1676 = tpu.memref_slice %arg6[%dma_wait3A_1667, %dma_wait3A_1674, %dma_wait3A_1675] : memref<4x200x128xf32, #tpu.memory_space<vmem>> -> memref<1x200x128xf32, #tpu.memory_space<vmem>>
      %dma_wait3A_1677 = tpu.memref_squeeze %dma_wait3A_1676 : memref<1x200x128xf32, #tpu.memory_space<vmem>> -> memref<200x128xf32, #tpu.memory_space<vmem>>
      %dma_wait3A_1678 = arith.constant 0 : i32
      %dma_wait3A_1679 = tpu.memref_slice %arg2[%mul3A_1647, %dma_wait3A_1678] : memref<100000x128xf32, #tpu.memory_space<hbm>> -> memref<200x128xf32, #tpu.memory_space<hbm>>
      tpu.wait_dma2 semaphore(%arg15 : memref<!tpu.dma_semaphore, #tpu.memory_space<semaphore_mem>>) src(%dma_wait3A_1679 : memref<200x128xf32, #tpu.memory_space<hbm>>) dst(%dma_wait3A_1677 : memref<200x128xf32, #tpu.memory_space<vmem>>)
      %dma_wait3A_1680 = arith.constant 3000 : i32
      %dma_wait3A_1681 = tpu.memref_slice %arg7[%dma_wait3A_1680] : memref<3200xi32, #tpu.memory_space<vmem>> -> memref<200xi32, #tpu.memory_space<vmem>>
      %dma_wait3A_1682 = tpu.memref_slice %arg3[%mul3A_1647] : memref<100000xi32, #tpu.memory_space<hbm>> -> memref<200xi32, #tpu.memory_space<hbm>>
      %dma_wait3A_1683 = arith.constant 3000 : i32
      %dma_wait3A_1684 = tpu.memref_slice %arg7[%dma_wait3A_1683] : memref<3200xi32, #tpu.memory_space<vmem>> -> memref<200xi32, #tpu.memory_space<vmem>>
      %dma_wait3A_1685 = tpu.memref_slice %arg3[%mul3A_1647] : memref<100000xi32, #tpu.memory_space<hbm>> -> memref<200xi32, #tpu.memory_space<hbm>>
      tpu.wait_dma2 semaphore(%arg15 : memref<!tpu.dma_semaphore, #tpu.memory_space<semaphore_mem>>) src(%dma_wait3A_1685 : memref<200xi32, #tpu.memory_space<hbm>>) dst(%dma_wait3A_1684 : memref<200xi32, #tpu.memory_space<vmem>>)
      %run_scoped3A_1686 = arith.constant 3 : i32
      "tpu.region"() ({
        %run_scoped3A_1688 = tpu.sem_alloc : memref<!tpu.dma_semaphore, #tpu.memory_space<semaphore_mem>>
        %dma_start3A_1689 = arith.constant 0 : i32
        %dma_start3A_1690 = arith.constant 0 : i32
        %dma_start3A_1691 = tpu.memref_slice %arg6[%run_scoped3A_1686, %dma_start3A_1689, %dma_start3A_1690] : memref<4x200x128xf32, #tpu.memory_space<vmem>> -> memref<1x104x128xf32, #tpu.memory_space<vmem>>
        %dma_start3A_1692 = tpu.memref_squeeze %dma_start3A_1691 : memref<1x104x128xf32, #tpu.memory_space<vmem>> -> memref<104x128xf32, #tpu.memory_space<vmem>>
        %dma_start3A_1693 = arith.constant 3000 : i32
        %dma_start3A_1694 = tpu.memref_slice %arg7[%dma_start3A_1693] : memref<3200xi32, #tpu.memory_space<vmem>> -> memref<104xi32, #tpu.memory_space<vmem>>
        %dma_start3A_1695 = arith.constant 0 : i32
        %dma_start3A_1696 = arith.constant 0 : i32
        %dma_start3A_1697 = tpu.memref_slice %arg10[%dma_start3A_1695, %dma_start3A_1696] : memref<256x128xf32, #tpu.memory_space<vmem_shared>> -> memref<256x128xf32, #tpu.memory_space<vmem_shared>>
        tpu.enqueue_indirect_dma source(%dma_start3A_1692 : memref<104x128xf32, #tpu.memory_space<vmem>>) target(%dma_start3A_1697 : memref<256x128xf32, #tpu.memory_space<vmem_shared>>) offsets(%dma_start3A_1694 : memref<104xi32, #tpu.memory_space<vmem>>) semaphore(%run_scoped3A_1688 : memref<!tpu.dma_semaphore, #tpu.memory_space<semaphore_mem>>) {add = true}
        %dma_wait3A_1698 = arith.constant 0 : i32
        %dma_wait3A_1699 = arith.constant 0 : i32
        %dma_wait3A_1700 = tpu.memref_slice %arg6[%run_scoped3A_1686, %dma_wait3A_1698, %dma_wait3A_1699] : memref<4x200x128xf32, #tpu.memory_space<vmem>> -> memref<1x104x128xf32, #tpu.memory_space<vmem>>
        %dma_wait3A_1701 = tpu.memref_squeeze %dma_wait3A_1700 : memref<1x104x128xf32, #tpu.memory_space<vmem>> -> memref<104x128xf32, #tpu.memory_space<vmem>>
        %dma_wait3A_1702 = arith.constant 3000 : i32
        %dma_wait3A_1703 = tpu.memref_slice %arg7[%dma_wait3A_1702] : memref<3200xi32, #tpu.memory_space<vmem>> -> memref<104xi32, #tpu.memory_space<vmem>>
        %dma_wait3A_1704 = arith.constant 0 : i32
        %dma_wait3A_1705 = arith.constant 0 : i32
        %dma_wait3A_1706 = tpu.memref_slice %arg10[%dma_wait3A_1704, %dma_wait3A_1705] : memref<256x128xf32, #tpu.memory_space<vmem_shared>> -> memref<256x128xf32, #tpu.memory_space<vmem_shared>>
        tpu.wait_indirect_dma semaphore(%run_scoped3A_1688 : memref<!tpu.dma_semaphore, #tpu.memory_space<semaphore_mem>>) src(%dma_wait3A_1701 : memref<104x128xf32, #tpu.memory_space<vmem>>) dst(%dma_wait3A_1706 : memref<256x128xf32, #tpu.memory_space<vmem_shared>>)
        tpu.yield
      }) : () -> ()
      "tpu.region"() ({
        %run_scoped3A_1688 = tpu.sem_alloc : memref<!tpu.dma_semaphore, #tpu.memory_space<semaphore_mem>>
        %dma_start3A_1689 = arith.constant 0 : i32
        %dma_start3A_1690 = tpu.memref_slice %arg8[%dma_start3A_1689] : memref<112xf32, #tpu.memory_space<vmem>> -> memref<104xf32, #tpu.memory_space<vmem>>
        %dma_start3A_1691 = arith.constant 3000 : i32
        %dma_start3A_1692 = tpu.memref_slice %arg7[%dma_start3A_1691] : memref<3200xi32, #tpu.memory_space<vmem>> -> memref<104xi32, #tpu.memory_space<vmem>>
        %dma_start3A_1693 = arith.constant 0 : i32
        %dma_start3A_1694 = tpu.memref_slice %arg11[%dma_start3A_1693] : memref<256xf32, #tpu.memory_space<vmem_shared>> -> memref<256xf32, #tpu.memory_space<vmem_shared>>
        tpu.enqueue_indirect_dma source(%dma_start3A_1690 : memref<104xf32, #tpu.memory_space<vmem>>) target(%dma_start3A_1694 : memref<256xf32, #tpu.memory_space<vmem_shared>>) offsets(%dma_start3A_1692 : memref<104xi32, #tpu.memory_space<vmem>>) semaphore(%run_scoped3A_1688 : memref<!tpu.dma_semaphore, #tpu.memory_space<semaphore_mem>>) {add = true}
        %dma_wait3A_1695 = arith.constant 0 : i32
        %dma_wait3A_1696 = tpu.memref_slice %arg8[%dma_wait3A_1695] : memref<112xf32, #tpu.memory_space<vmem>> -> memref<104xf32, #tpu.memory_space<vmem>>
        %dma_wait3A_1697 = arith.constant 3000 : i32
        %dma_wait3A_1698 = tpu.memref_slice %arg7[%dma_wait3A_1697] : memref<3200xi32, #tpu.memory_space<vmem>> -> memref<104xi32, #tpu.memory_space<vmem>>
        %dma_wait3A_1699 = arith.constant 0 : i32
        %dma_wait3A_1700 = tpu.memref_slice %arg11[%dma_wait3A_1699] : memref<256xf32, #tpu.memory_space<vmem_shared>> -> memref<256xf32, #tpu.memory_space<vmem_shared>>
        tpu.wait_indirect_dma semaphore(%run_scoped3A_1688 : memref<!tpu.dma_semaphore, #tpu.memory_space<semaphore_mem>>) src(%dma_wait3A_1696 : memref<104xf32, #tpu.memory_space<vmem>>) dst(%dma_wait3A_1700 : memref<256xf32, #tpu.memory_space<vmem_shared>>)
        tpu.yield
      }) : () -> ()
      %run_scoped3A_1687 = arith.constant 3 : i32
      "tpu.region"() ({
        %run_scoped3A_1688 = tpu.sem_alloc : memref<!tpu.dma_semaphore, #tpu.memory_space<semaphore_mem>>
        %dma_start3A_1689 = arith.constant 104 : i32
        %dma_start3A_1690 = arith.constant 0 : i32
        %dma_start3A_1691 = tpu.memref_slice %arg6[%run_scoped3A_1687, %dma_start3A_1689, %dma_start3A_1690] : memref<4x200x128xf32, #tpu.memory_space<vmem>> -> memref<1x96x128xf32, #tpu.memory_space<vmem>>
        %dma_start3A_1692 = tpu.memref_squeeze %dma_start3A_1691 : memref<1x96x128xf32, #tpu.memory_space<vmem>> -> memref<96x128xf32, #tpu.memory_space<vmem>>
        %dma_start3A_1693 = arith.constant 3104 : i32
        %dma_start3A_1694 = tpu.memref_slice %arg7[%dma_start3A_1693] : memref<3200xi32, #tpu.memory_space<vmem>> -> memref<96xi32, #tpu.memory_space<vmem>>
        %dma_start3A_1695 = arith.constant 0 : i32
        %dma_start3A_1696 = arith.constant 0 : i32
        %dma_start3A_1697 = tpu.memref_slice %arg10[%dma_start3A_1695, %dma_start3A_1696] : memref<256x128xf32, #tpu.memory_space<vmem_shared>> -> memref<256x128xf32, #tpu.memory_space<vmem_shared>>
        tpu.enqueue_indirect_dma source(%dma_start3A_1692 : memref<96x128xf32, #tpu.memory_space<vmem>>) target(%dma_start3A_1697 : memref<256x128xf32, #tpu.memory_space<vmem_shared>>) offsets(%dma_start3A_1694 : memref<96xi32, #tpu.memory_space<vmem>>) semaphore(%run_scoped3A_1688 : memref<!tpu.dma_semaphore, #tpu.memory_space<semaphore_mem>>) {add = true}
        %dma_wait3A_1698 = arith.constant 104 : i32
        %dma_wait3A_1699 = arith.constant 0 : i32
        %dma_wait3A_1700 = tpu.memref_slice %arg6[%run_scoped3A_1687, %dma_wait3A_1698, %dma_wait3A_1699] : memref<4x200x128xf32, #tpu.memory_space<vmem>> -> memref<1x96x128xf32, #tpu.memory_space<vmem>>
        %dma_wait3A_1701 = tpu.memref_squeeze %dma_wait3A_1700 : memref<1x96x128xf32, #tpu.memory_space<vmem>> -> memref<96x128xf32, #tpu.memory_space<vmem>>
        %dma_wait3A_1702 = arith.constant 3104 : i32
        %dma_wait3A_1703 = tpu.memref_slice %arg7[%dma_wait3A_1702] : memref<3200xi32, #tpu.memory_space<vmem>> -> memref<96xi32, #tpu.memory_space<vmem>>
        %dma_wait3A_1704 = arith.constant 0 : i32
        %dma_wait3A_1705 = arith.constant 0 : i32
        %dma_wait3A_1706 = tpu.memref_slice %arg10[%dma_wait3A_1704, %dma_wait3A_1705] : memref<256x128xf32, #tpu.memory_space<vmem_shared>> -> memref<256x128xf32, #tpu.memory_space<vmem_shared>>
        tpu.wait_indirect_dma semaphore(%run_scoped3A_1688 : memref<!tpu.dma_semaphore, #tpu.memory_space<semaphore_mem>>) src(%dma_wait3A_1701 : memref<96x128xf32, #tpu.memory_space<vmem>>) dst(%dma_wait3A_1706 : memref<256x128xf32, #tpu.memory_space<vmem_shared>>)
        tpu.yield
      }) : () -> ()
      "tpu.region"() ({
        %run_scoped3A_1688 = tpu.sem_alloc : memref<!tpu.dma_semaphore, #tpu.memory_space<semaphore_mem>>
        %dma_start3A_1689 = arith.constant 0 : i32
        %dma_start3A_1690 = tpu.memref_slice %arg8[%dma_start3A_1689] : memref<112xf32, #tpu.memory_space<vmem>> -> memref<96xf32, #tpu.memory_space<vmem>>
        %dma_start3A_1691 = arith.constant 3104 : i32
        %dma_start3A_1692 = tpu.memref_slice %arg7[%dma_start3A_1691] : memref<3200xi32, #tpu.memory_space<vmem>> -> memref<96xi32, #tpu.memory_space<vmem>>
        %dma_start3A_1693 = arith.constant 0 : i32
        %dma_start3A_1694 = tpu.memref_slice %arg11[%dma_start3A_1693] : memref<256xf32, #tpu.memory_space<vmem_shared>> -> memref<256xf32, #tpu.memory_space<vmem_shared>>
        tpu.enqueue_indirect_dma source(%dma_start3A_1690 : memref<96xf32, #tpu.memory_space<vmem>>) target(%dma_start3A_1694 : memref<256xf32, #tpu.memory_space<vmem_shared>>) offsets(%dma_start3A_1692 : memref<96xi32, #tpu.memory_space<vmem>>) semaphore(%run_scoped3A_1688 : memref<!tpu.dma_semaphore, #tpu.memory_space<semaphore_mem>>) {add = true}
        %dma_wait3A_1695 = arith.constant 0 : i32
        %dma_wait3A_1696 = tpu.memref_slice %arg8[%dma_wait3A_1695] : memref<112xf32, #tpu.memory_space<vmem>> -> memref<96xf32, #tpu.memory_space<vmem>>
        %dma_wait3A_1697 = arith.constant 3104 : i32
        %dma_wait3A_1698 = tpu.memref_slice %arg7[%dma_wait3A_1697] : memref<3200xi32, #tpu.memory_space<vmem>> -> memref<96xi32, #tpu.memory_space<vmem>>
        %dma_wait3A_1699 = arith.constant 0 : i32
        %dma_wait3A_1700 = tpu.memref_slice %arg11[%dma_wait3A_1699] : memref<256xf32, #tpu.memory_space<vmem_shared>> -> memref<256xf32, #tpu.memory_space<vmem_shared>>
        tpu.wait_indirect_dma semaphore(%run_scoped3A_1688 : memref<!tpu.dma_semaphore, #tpu.memory_space<semaphore_mem>>) src(%dma_wait3A_1696 : memref<96xf32, #tpu.memory_space<vmem>>) dst(%dma_wait3A_1700 : memref<256xf32, #tpu.memory_space<vmem_shared>>)
        tpu.yield
      }) : () -> ()
    } else {
    }
    %barrier3A_1635 = arith.constant 0 : index
    tpu.barrier barrier_id(%barrier3A_1635)
    %mul3A_1636 = arith.constant 16 : i32
    %mul3A_1637 = arith.muli %arg1, %mul3A_1636 : i32
    %mul3A_1638 = arith.constant 16 : i32
    %mul3A_1639 = arith.muli %arg1, %mul3A_1638 : i32
    "tpu.region"() ({
      %run_scoped3A_1644 = tpu.sem_alloc : memref<!tpu.dma_semaphore, #tpu.memory_space<semaphore_mem>>
      %dma_start3A_1645 = arith.constant 0 : i32
      %dma_start3A_1646 = tpu.memref_slice %arg4[%arg0, %mul3A_1639, %dma_start3A_1645] : memref<2x256x128xf32, #tpu.memory_space<hbm>> -> memref<1x16x128xf32, #tpu.memory_space<hbm>>
      %dma_start3A_1647 = tpu.memref_squeeze %dma_start3A_1646 : memref<1x16x128xf32, #tpu.memory_space<hbm>> -> memref<16x128xf32, #tpu.memory_space<hbm>>
      %dma_start3A_1648 = arith.constant 0 : i32
      %dma_start3A_1649 = tpu.memref_slice %arg10[%mul3A_1637, %dma_start3A_1648] : memref<256x128xf32, #tpu.memory_space<vmem_shared>> -> memref<16x128xf32, #tpu.memory_space<vmem_shared>>
      tpu.enqueue_dma source(%dma_start3A_1649 : memref<16x128xf32, #tpu.memory_space<vmem_shared>>) target(%dma_start3A_1647 : memref<16x128xf32, #tpu.memory_space<hbm>>) target_semaphore(%run_scoped3A_1644 : memref<!tpu.dma_semaphore, #tpu.memory_space<semaphore_mem>>)
      %dma_wait3A_1650 = arith.constant 0 : i32
      %dma_wait3A_1651 = tpu.memref_slice %arg4[%arg0, %mul3A_1639, %dma_wait3A_1650] : memref<2x256x128xf32, #tpu.memory_space<hbm>> -> memref<1x16x128xf32, #tpu.memory_space<hbm>>
      %dma_wait3A_1652 = tpu.memref_squeeze %dma_wait3A_1651 : memref<1x16x128xf32, #tpu.memory_space<hbm>> -> memref<16x128xf32, #tpu.memory_space<hbm>>
      %dma_wait3A_1653 = arith.constant 0 : i32
      %dma_wait3A_1654 = tpu.memref_slice %arg10[%mul3A_1637, %dma_wait3A_1653] : memref<256x128xf32, #tpu.memory_space<vmem_shared>> -> memref<16x128xf32, #tpu.memory_space<vmem_shared>>
      tpu.wait_dma2 semaphore(%run_scoped3A_1644 : memref<!tpu.dma_semaphore, #tpu.memory_space<semaphore_mem>>) src(%dma_wait3A_1654 : memref<16x128xf32, #tpu.memory_space<vmem_shared>>) dst(%dma_wait3A_1652 : memref<16x128xf32, #tpu.memory_space<hbm>>)
      tpu.yield
    }) : () -> ()
    %eq3A = arith.constant 0 : i32
    %eq3A_1640 = arith.cmpi eq, %arg1, %eq3A : i32
    %convert_element_type3A_1641 = arith.extui %eq3A_1640 : i1 to i32
    %cond3A_1642 = arith.constant 0 : i32
    %cond3A_1643 = arith.cmpi ne, %convert_element_type3A_1641, %cond3A_1642 : i32
    scf.if %cond3A_1643 {
      "tpu.region"() ({
        %run_scoped3A_1644 = tpu.sem_alloc : memref<!tpu.dma_semaphore, #tpu.memory_space<semaphore_mem>>
        %dma_start3A_1645 = arith.constant 0 : i32
        %dma_start3A_1646 = tpu.memref_slice %arg5[%arg0, %dma_start3A_1645] : memref<2x256xf32, #tpu.memory_space<hbm>> -> memref<1x256xf32, #tpu.memory_space<hbm>>
        %dma_start3A_1647 = tpu.memref_squeeze %dma_start3A_1646 : memref<1x256xf32, #tpu.memory_space<hbm>> -> memref<256xf32, #tpu.memory_space<hbm>>
        tpu.enqueue_dma source(%arg11 : memref<256xf32, #tpu.memory_space<vmem_shared>>) target(%dma_start3A_1647 : memref<256xf32, #tpu.memory_space<hbm>>) target_semaphore(%run_scoped3A_1644 : memref<!tpu.dma_semaphore, #tpu.memory_space<semaphore_mem>>)
        %dma_wait3A_1648 = arith.constant 0 : i32
        %dma_wait3A_1649 = tpu.memref_slice %arg5[%arg0, %dma_wait3A_1648] : memref<2x256xf32, #tpu.memory_space<hbm>> -> memref<1x256xf32, #tpu.memory_space<hbm>>
        %dma_wait3A_1650 = tpu.memref_squeeze %dma_wait3A_1649 : memref<1x256xf32, #tpu.memory_space<hbm>> -> memref<256xf32, #tpu.memory_space<hbm>>
        tpu.wait_dma2 semaphore(%run_scoped3A_1644 : memref<!tpu.dma_semaphore, #tpu.memory_space<semaphore_mem>>) src(%arg11 : memref<256xf32, #tpu.memory_space<vmem_shared>>) dst(%dma_wait3A_1650 : memref<256xf32, #tpu.memory_space<hbm>>)
        tpu.yield
      }) : () -> ()
    } else {
    }
    return
  }
}

module attributes {stable_mosaic.version = 14 : i64} {
  func.func @_combine_body(%arg0: memref<2x256x128xf32, #tpu.memory_space<vmem>>, %arg1: memref<2x256x1xf32, #tpu.memory_space<vmem>>, %arg2: memref<256x128xf32, #tpu.memory_space<vmem>>) attributes {dimension_semantics = [], scalar_prefetch = 0 : i64, scratch_operands = 0 : i64, tpu.core_type = #tpu.core_type<tc>} {
    %get3A = arith.constant 0 : index
    %get3A_0 = arith.constant 0 : index
    %get3A_1 = arith.constant 0 : index
    %get3A_2 = vector.load %arg0[%get3A, %get3A_0, %get3A_1] : memref<2x256x128xf32, #tpu.memory_space<vmem>>, vector<1x256x128xf32>
    %get3A_3 = vector.shape_cast %get3A_2 : vector<1x256x128xf32> to vector<256x128xf32>
    %get3A_4 = arith.constant 1 : index
    %get3A_5 = arith.constant 0 : index
    %get3A_6 = arith.constant 0 : index
    %get3A_7 = vector.load %arg0[%get3A_4, %get3A_5, %get3A_6] : memref<2x256x128xf32, #tpu.memory_space<vmem>>, vector<1x256x128xf32>
    %get3A_8 = vector.shape_cast %get3A_7 : vector<1x256x128xf32> to vector<256x128xf32>
    %add3A = arith.addf %get3A_3, %get3A_8 : vector<256x128xf32>
    %get3A_9 = arith.constant 0 : index
    %get3A_10 = arith.constant 0 : index
    %get3A_11 = arith.constant 0 : index
    %get3A_12 = vector.load %arg1[%get3A_9, %get3A_10, %get3A_11] : memref<2x256x1xf32, #tpu.memory_space<vmem>>, vector<1x256x1xf32>
    %get3A_13 = vector.shape_cast %get3A_12 : vector<1x256x1xf32> to vector<256x1xf32>
    %get3A_14 = arith.constant 1 : index
    %get3A_15 = arith.constant 0 : index
    %get3A_16 = arith.constant 0 : index
    %get3A_17 = vector.load %arg1[%get3A_14, %get3A_15, %get3A_16] : memref<2x256x1xf32, #tpu.memory_space<vmem>>, vector<1x256x1xf32>
    %get3A_18 = vector.shape_cast %get3A_17 : vector<1x256x1xf32> to vector<256x1xf32>
    %add3A_19 = arith.addf %get3A_13, %get3A_18 : vector<256x1xf32>
    %max3A = arith.constant 1.000000e+00 : f32
    %max3A_20 = vector.broadcast %max3A : f32 to vector<256x1xf32>
    %max3A_21 = arith.maximumf %add3A_19, %max3A_20 : vector<256x1xf32>
    %div3A = vector.broadcast %max3A_21 : vector<256x1xf32> to vector<256x128xf32>
    %div3A_22 = arith.divf %add3A, %div3A : vector<256x128xf32>
    %swap3A = arith.constant 0 : index
    %swap3A_23 = arith.constant 0 : index
    %swap3A_24 = vector.load %arg2[%swap3A, %swap3A_23] : memref<256x128xf32, #tpu.memory_space<vmem>>, vector<256x128xf32>
    tpu.vector_store %arg2[%swap3A, %swap3A_23], %div3A_22 {strides = array<i32>} : memref<256x128xf32, #tpu.memory_space<vmem>>, vector<256x128xf32>,
    return
  }
}

</mosaic_0001>

<sc_bundles>
// kernel: kernel.4.cloned.1.call-start
scs
__scs_entry_jumppad:
0x0: {  	(pc) =	sbr.rel $0x88, $3  }
0x1: {  	(tag) =	ssettag $0x0;
	lr =	simm.s32 $0x1  }
0x2: {  	[smem:$0x3F9F] =	sst lr;
	_ =	strace $0xD0000000  }
0x3: {  	_ = 	snop  }
0x4: {  	_ = 	snop  }
0x5: {  	_ = 	snop  }
0x6: {  	_ = 	snop  }
0x7: {  	_ = 	snop  }
__scs_overlays_trampoline_lowered:
0x8: {  	[smem:$0x3FAE] =	sst s0  }
0x9: {  	[smem:$0x3FAF] =	sst s1  }
0xa: {  	[smem:$0x3FB0] =	sst s2  }
0xb: {  	[smem:$0x3FB1] =	sst s3  }
0xc: {  	[smem:$0x3FB2] =	sst s4  }
0xd: {  	[smem:$0x3FB3] =	sst s5  }
0xe: {  	[smem:$0x3FB4] =	sst s6  }
0xf: {  	[smem:$0x3FB5] =	sst s7  }
0x10: {  	[smem:$0x3FB6] =	sst s8  }
0x11: {  	[smem:$0x3FB7] =	sst s9;
	s0 =	simm.s32 @!p0 $0x0  }
0x12: {  	s1 =	sld [smem:$0x3F9D];
	s0 =	simm.s32 @p0 $0x1  }
0x13: {  	[smem:$0x3FB8] =	sst s0;
	s0 =	simm.s32 @!p1 $0x0  }
0x14: {  	s2 =	sld [smem:$0x3F9C];
	s0 =	simm.s32 @p1 $0x1  }
0x15: {  	[smem:$0x3FB9] =	sst s0;
	s0 =	simm.s32 @!p2 $0x0  }
0x16: {  	s3 =	sld [smem:$0x3FDB];
	s0 =	simm.s32 @p2 $0x1  }
0x17: {  	s4 =	simm.s32 $0x1BF5;
	[smem:$0x3FBB] =	sst s0  }
0x18: {  	s0 =	sld [smem:$0x3F9E];
	_ =	swait.ge [sflag:s4], $0x0  }
0x19: {  	s7 =	sld [smem:$0x3F9F]  }
0x1a: {  	s8 =	sadd.s32 $0xFFFFE003, lr  }
0x1b: {  	s9 =	sadd.s32 $0xFFFFFEF7, lr;
	s5 =	simm.s32 $0xFFFFFFFF;
	p2 =	slt.u32 s8, $0xFFFFF086  }
0x1c: {  	p1 =	slt.u32 s9, $0xF7A;
	s5 =	simm.s32 @!p2 $0x0  }
0x1d: {  	s5 =	simm.s32 @p1 $0x1;
	p0 =	seq.s32 s7, s2  }
0x1e: {  	s7 =	smul.u32 @!p0 $0xF7A, s2;
	p2 =	seq.s32 @!p0 s5, $0x0  }
0x1f: {  	s9 =	smul.u32 $0xF7A, s1;
	s8 =	simm.s32 @!p0 $0x1BF5;
	p2 =	por !p2, p0  }
0x20: {  	[sflag:s8] =	ssyncset.s32 @!p0 $0xFFFFF086;
	s6 =	sadd.s32 @!p0 s3, s7;
	s7 =	simm.s32 @!p0 $0x108  }
0x21: {  	s3 =	sadd.s32 s3, s9;
	s6 =	sadd.s32 @!p0 $0x88, s6;
	s7 =	simm.s32 @p2 $0x1082  }
0x22: {  	[simem:s7], [sflag:s8] =	dma.local @!p0 [hbm:s6], $0xF7A  }
0x23: {  	s9 =	sor.u32 $0xD0000000, s2;
	s6 =	simm.s32 $0x108;
	_ =	swait.ge @!p0 [sflag:s8], $0x0  }
0x24: {  	s3 =	sadd.s32 $0x88, s3;
	s6 =	simm.s32 @!p1 $0x1082;
	[sflag:s4] =	ssyncset.s32 $0xFFFFF086  }
0x25: {  	[simem:s6], [sflag:s4] =	dma.local [hbm:s3], $0xF7A  }
0x26: {  	[smem:$0x3F9F] =	sst s1;
	(tag) =	ssettag s2;
	_ =	strace s9  }
0x27: {  	s1 =	sld [smem:$0x3FAF]  }
0x28: {  	s2 =	sld [smem:$0x3FB0]  }
0x29: {  	s4 =	sld [smem:$0x3FB2]  }
0x2a: {  	p0 =	seq.s32 s5, $0x0;
	s5 =	sld [smem:$0x3FB3]  }
0x2b: {  	s6 =	sld [smem:$0x3FB4]  }
0x2c: {  	s7 =	sld [smem:$0x3FB5]  }
0x2d: {  	s3 =	simm.s32 $0x108;
	s8 =	sld [smem:$0x3FB6]  }
0x2e: {  	s3 =	simm.s32 @!p0 $0x1082;
	s9 =	sld [smem:$0x3FB7]  }
0x2f: {  	lr =	sadd.s32 s0, s3;
	s0 =	sld [smem:$0x3FAE]  }
0x30: {  	s3 =	sld [smem:$0x3FB1]  }
0x31: {  	[smem:$0x3FBA] =	sst s10  }
0x32: {  	s10 =	sld [smem:$0x3FB8];
	_ =	sdelay $0x3  }
0x33: {  	p0 =	seq.s32 s10, $0x1;
	s10 =	sld [smem:$0x3FBA];
	_ =	sdelay $0x3  }
0x34: {  	[smem:$0x3FBA] =	sst s10  }
0x35: {  	s10 =	sld [smem:$0x3FB9];
	_ =	sdelay $0x3  }
0x36: {  	p1 =	seq.s32 s10, $0x1;
	s10 =	sld [smem:$0x3FBA];
	_ =	sdelay $0x3  }
0x37: {  	[smem:$0x3FBA] =	sst s10  }
0x38: {  	s10 =	sld [smem:$0x3FBB]  }
0x39: {  	_ = 	snop;
	(pc) =	sbr.ind lr, $3  }
0x3a: {  	_ = 	snop  }
0x3b: {  	_ = 	snop  }
0x3c: {  	p2 =	seq.s32 s10, $0x1;
	s10 =	sld [smem:$0x3FBA]  }
0x3d: {  	_ =	shalt  }
0x3e: {  	_ =	shalt  }
0x3f: {  	_ =	shalt  }
0x40: {  	_ =	shalt  }
0x41: {  	_ =	shalt  }
0x42: {  	_ =	shalt  }
0x43: {  	_ =	shalt  }
0x44: {  	_ =	shalt  }
0x45: {  	_ =	shalt  }
0x46: {  	_ =	shalt  }
0x47: {  	_ =	shalt  }
0x48: {  	_ =	shalt  }
0x49: {  	_ =	shalt  }
0x4a: {  	_ =	shalt  }
0x4b: {  	_ =	shalt  }
0x4c: {  	_ =	shalt  }
0x4d: {  	_ =	shalt  }
0x4e: {  	_ =	shalt  }
0x4f: {  	_ =	shalt  }
0x50: {  	_ =	shalt  }
0x51: {  	_ =	shalt  }
0x52: {  	_ =	shalt  }
0x53: {  	_ =	shalt  }
0x54: {  	_ =	shalt  }
0x55: {  	_ =	shalt  }
0x56: {  	_ =	shalt  }
0x57: {  	_ =	shalt  }
0x58: {  	_ =	shalt  }
0x59: {  	_ =	shalt  }
0x5a: {  	_ =	shalt  }
0x5b: {  	_ =	shalt  }
0x5c: {  	_ =	shalt  }
0x5d: {  	_ =	shalt  }
0x5e: {  	_ =	shalt  }
0x5f: {  	_ =	shalt  }
0x60: {  	_ =	shalt  }
0x61: {  	_ =	shalt  }
0x62: {  	_ =	shalt  }
0x63: {  	_ =	shalt  }
0x64: {  	_ =	shalt  }
0x65: {  	_ =	shalt  }
0x66: {  	_ =	shalt  }
0x67: {  	_ =	shalt  }
0x68: {  	_ =	shalt  }
0x69: {  	_ =	shalt  }
0x6a: {  	_ =	shalt  }
0x6b: {  	_ =	shalt  }
0x6c: {  	_ =	shalt  }
0x6d: {  	_ =	shalt  }
0x6e: {  	_ =	shalt  }
0x6f: {  	_ =	shalt  }
0x70: {  	_ =	shalt  }
0x71: {  	_ =	shalt  }
0x72: {  	_ =	shalt  }
0x73: {  	_ =	shalt  }
0x74: {  	_ =	shalt  }
0x75: {  	_ =	shalt  }
0x76: {  	_ =	shalt  }
0x77: {  	_ =	shalt  }
0x78: {  	_ =	shalt  }
0x79: {  	_ =	shalt  }
0x7a: {  	_ =	shalt  }
0x7b: {  	_ =	shalt  }
0x7c: {  	_ =	shalt  }
0x7d: {  	_ =	shalt  }
0x7e: {  	_ =	shalt  }
0x7f: {  	_ =	shalt  }
0x80: {  	_ =	shalt  }
0x81: {  	_ =	shalt  }
0x82: {  	_ =	shalt  }
0x83: {  	_ =	shalt  }
0x84: {  	_ =	shalt  }
0x85: {  	_ =	shalt  }
0x86: {  	_ =	shalt  }
0x87: {  	_ =	shalt  }
.Lfunc_end0:
.L_simem_size_0:
called_computation_lowered:
.L_overlay_start_0:
0x88: {  	s2 =	sld [smem:$0x3FD9]  }
0x89: {  	s3 =	sld [smem:$0x3FFE];
	_ =	sdelay $0x1  }
0x8a: {  	s1 =	srdreg.scid  }
0x8b: {  	s0 =	sand.u32 $0x1, s1  }
0x8c: {  	s17 =	sshll.u32 s0, $0xA;
	s2 =	sadd.s32 s3, s2  }
0x8d: {  	s2 =	sadd.s32 s2, s17  }
0x8e: {  	[smem:$0x3FC6] =	sst s2  }
0x8f: {  	_ = 	snop  }
0x90: {  	s2 =	sld [smem:$0x3FC9]  }
0x91: {  	s18 =	sld [smem:$0x3FC8]  }
0x92: {  	s4 =	sld [smem:$0x3FD0];
	(tm) =	ssettm $0x1  }
0x93: {  	s5 =	sld [smem:$0x3FFB];
	_ =	sdelay $0x3  }
0x94: {  	_ =	strace s5  }
0x95: {  	s5 =	sld [smem:$0x3FFC];
	_ =	sdelay $0x3  }
0x96: {  	_ =	strace s5  }
0x97: {  	s5 =	sld [smem:$0x3FFD];
	_ =	sdelay $0x3  }
0x98: {  	_ =	strace s5  }
0x99: {  	_ =	strace $0x8FFFFFFF  }
0x9a: {  	s19 =	sld [smem:$0x3FDB];
	_ =	sdelay $0x1  }
0x9b: {  	s6 =	simm.s32 $_scs_section_size  }
0x9c: {  	s7 =	simm.s32 $_size__tile_overlayer_lowered;
	s8 =	simm.s32 $_tile_overlayer_lowered  }
0x9d: {  	s22 =	simm.s32 $0x1BFF;
	s21 =	sshll.u32 s8, $0x1;
	s5 =	sadd.s32 s6, s19  }
0x9e: {  	s9 =	simm.s32 $0x0;
	s20 =	sshll.u32 s7, $0x1;
	s7 =	sadd.s32 s21, s5  }
0x9f: {  	[timem:s9], [sflag:s22] =	dma.local [hbm:s7], s20  }
0xa0: {  	_ =	swait.ge [sflag:s22], s20  }
0xa1: {  	s6 =	ssub.s32 $0x0, s20;
	[sflag:s22] =	ssyncset.done $0x0  }
0xa2: {  	[sflag:s22] =	ssyncadd.s32 s6;
	_ =	sdelay $0x1  }
0xa3: {  	s23 =	simm.s32 $0x1B8B  }
0xa4: {  	_ =	swait.ge [sflag:s23], $0x1  }
0xa5: {  	[sflag:s23] =	ssyncset.done $0x0  }
0xa6: {  	s25 =	simm.s32 $0x1B8E;
	s24 =	sld [smem:$0x3FFE];
	[sflag:s23] =	ssyncadd.s32 $0xFFFFFFFF  }
0xa7: {  	s26 =	simm.s32 $execute0_lowered;
	[smem:$0x3FD2] =	sst s25  }
0xa8: {  	s7 =	sshll.u32 s26, $0x1;
	_ =	strace $0x80000046;
	[dreg:$0x1] =	wrdreg $0xFFFFFFFF  }
0xa9: {  	s28 =	simm.s32 $_size_execute0_lowered;
	s5 =	sadd.s32 s5, s7;
	[dreg:$0x0] =	wrdreg $0x0  }
0xaa: {  	s7 =	sshll.u32 s28, $0x1;
	[dreg:$0x2] =	wrdreg s5  }
0xab: {  	[dreg:$0x3] =	wrdreg s7  }
0xac: {  	[dreg:$0x4] =	wrdreg $0xC0  }
0xad: {  	_ =	task [dreg:s9], $0x5FFFF  }
0xae: {  	[dreg:$0x1] =	wrdreg $0xFFFFFFFF  }
0xaf: {  	[dreg:$0x0] =	wrdreg $0x60  }
0xb0: {  	[dreg:$0x2] =	wrdreg s2  }
0xb1: {  	[dreg:$0x3] =	wrdreg s18  }
0xb2: {  	[dreg:$0x4] =	wrdreg s24  }
0xb3: {  	[dreg:$0x5] =	wrdreg s4  }
0xb4: {  	[dreg:$0x6] =	wrdreg $0x19D800  }
0xb5: {  	[dreg:$0x7] =	wrdreg $0x1A5800  }
0xb6: {  	[dreg:$0x8] =	wrdreg $0x9  }
0xb7: {  	_ =	task.clear_ibuf [dreg:s9], $0x9FFFF;
	_ =	strace $0x90000046  }
0xb8: {  	s29 =	simm.s32 $0x9;
	_ =	strace $0x80000048  }
0xb9: {  	_ =	swait.ge [sflag:s29], $0x1  }
0xba: {  	[sflag:s29] =	ssyncadd.s32 $0xFFFFFFFF  }
0xbb: {  	_ =	strace $0x90000048  }
0xbc: {  	_ =	sfence  }
0xbd: {  	s30 =	sld [smem:$0x0];
	_ =	sdelay $0x2  }
0xbe: {  	s31 =	sshll.u32 s1, $0xD;
	s1 =	sshrl.u32 s1, $0x2  }
0xbf: {  	s3 =	sand.u32 $0x4000, s31;
	s1 =	sadd.s32 s1, s30  }
0xc0: {  	s0 =	sor.u32 s3, s0;
	s1 =	sshll.u32 s1, $0x11  }
0xc1: {  	s0 =	sor.u32 s1, s0  }
0xc2: {  	s0 =	sadd.s32 $0x8F2B, s0  }
0xc3: {  	[sflag:s0] =	ssyncadd.remote.s32 $0x1  }
0xc4: {  	_ =	sfence.sel $0xFFFF  }
0xc5: {  	[dreg:$0x0] =	wrdreg $0xFFFFFFFF;
	(pc) =	sbr.abs _section_cstart, $3  }
0xc6: {  	[dreg:$0x1] =	wrdreg $0xFFFFFFFF  }
0xc7: {  	_ =	task.clear_ibuf [dreg:s9], $0x2FFFF;
	_ =	strace $0x9FFFFFFF  }
0xc8: {  	(tm) =	ssettm $0x7FFFFFFF  }
0xc9: {  	_ =	shalt  }
tec
execute0_lowered:
.L_overlay_start_1:
0x0: {  	(tag) =	ssettag $0x1  }
0x1: {  	s23 =	stileid.u32  }
0x2: {  	s0 =	srdreg.scid;
	s4 =	rddreg [dreg:$0x0]  }
0x3: {  	s3 =	rddreg [dreg:$0x2];
	s1 =	simm.s32 $0x0;
	s28 =	simm.s32 $0x2  }
0x4: {  	s30 =	simm.s32 $0x9800;
	s31 =	simm.s32 $0x6;
	s29 =	simm.s32 $0x8  }
0x5: {  	s0 =	sand.u32 $0x1, s0;
	s2 =	sshll.u32 s23, $0x1;
	[smem:$0x7FF] =	sst s1  }
0x6: {  	s7 =	sshll.u32 s23, $0x8;
	p1 =	sgt.u32 s23, $0x9;
	s5 =	sor.u32 s0, s2  }
0x7: {  	p0 =	sne.s32 s23, $0x0;
	s25 =	ssub.s32 $0x2, s0;
	s6 =	smul.u32 $0xC80, s5  }
0x8: {  	s3 =	sadd.s32 s7, s3;
	s8 =	sshrl.u32 s25, $0x1;
	s9 =	smul.u32 $0xC8, s5  }
0x9: {  	s5 =	smul.u32 $0x19, s5;
	s2 =	ssub.s32 s25, s8;
	s6 =	sadd.s32 s4, s6  }
0xa: {  	s26 =	sadd.s32 $0x1900, s9;
	s7 =	sadd.s32 $0x3200, s9;
	s11 =	sadd.s32 $0x4B00, s9  }
0xb: {  	[dreg:$0x7] =	wrdreg s6;
	s14 =	sshll.u32 s26, $0x4;
	s10 =	sshll.u32 s7, $0x4  }
0xc: {  	s16 =	sshll.u32 s11, $0x4;
	s26 =	sshrl.u32 s26, $0x3;
	s6 =	rddreg [dreg:$0x1]  }
0xd: {  	s8 =	sadd.s32 s4, s14;
	s15 =	sadd.s32 s4, s10;
	s10 =	sadd.s32 $0x7D00, s9  }
0xe: {  	s14 =	sadd.s32 $0x9600, s9;
	s5 =	sadd.s32 s6, s5;
	[dreg:$0x8] =	wrdreg s8  }
0xf: {  	[dreg:$0x9] =	wrdreg s15;
	s8 =	sadd.s32 s4, s16;
	s13 =	sshll.u32 s10, $0x4  }
0x10: {  	s18 =	sshll.u32 s14, $0x4;
	[dreg:$0xa] =	wrdreg s8;
	s8 =	sadd.s32 $0x6400, s9  }
0x11: {  	[dreg:$0x17] =	wrdreg s5;
	s17 =	sadd.s32 s4, s13;
	s12 =	sshll.u32 s8, $0x4  }
0x12: {  	s5 =	sshrl.u32 s14, $0x3;
	[dreg:$0xc] =	wrdreg s17;
	s12 =	sadd.s32 s4, s12  }
0x13: {  	s13 =	sadd.s32 $0xC800, s9;
	[dreg:$0xb] =	wrdreg s12;
	s12 =	sadd.s32 s4, s18  }
0x14: {  	s16 =	sshll.u32 s13, $0x4;
	[dreg:$0xd] =	wrdreg s12;
	s12 =	sadd.s32 $0xAF00, s9  }
0x15: {  	s17 =	sadd.s32 $0xE100, s9;
	s19 =	sadd.s32 s4, s16;
	s15 =	sshll.u32 s12, $0x4  }
0x16: {  	s20 =	sshll.u32 s17, $0x4;
	[dreg:$0xf] =	wrdreg s19;
	s15 =	sadd.s32 s4, s15  }
0x17: {  	s16 =	sadd.s32 $0x11300, s9;
	[dreg:$0xe] =	wrdreg s15;
	s15 =	sadd.s32 s4, s20  }
0x18: {  	s19 =	sshll.u32 s16, $0x4;
	[dreg:$0x10] =	wrdreg s15;
	s15 =	sadd.s32 $0xFA00, s9  }
0x19: {  	s21 =	sadd.s32 s4, s19;
	s20 =	sadd.s32 $0x12C00, s9;
	s18 =	sshll.u32 s15, $0x4  }
0x1a: {  	[dreg:$0x12] =	wrdreg s21;
	s22 =	sshll.u32 s20, $0x4;
	s18 =	sadd.s32 s4, s18  }
0x1b: {  	s19 =	sadd.s32 $0x15E00, s9;
	[dreg:$0x11] =	wrdreg s18;
	s18 =	sadd.s32 s4, s22  }
0x1c: {  	s14 =	sshrl.u32 s16, $0x3;
	s22 =	sshll.u32 s19, $0x4;
	[dreg:$0x13] =	wrdreg s18  }
0x1d: {  	s18 =	sadd.s32 $0x14500, s9;
	s9 =	sadd.s32 $0x17700, s9;
	s24 =	sadd.s32 s4, s22  }
0x1e: {  	s22 =	sshrl.u32 s11, $0x3;
	s11 =	sshrl.u32 s17, $0x3;
	s21 =	sshll.u32 s18, $0x4  }
0x1f: {  	[dreg:$0x15] =	wrdreg s24;
	s25 =	sshll.u32 s9, $0x4;
	s24 =	sshrl.u32 s8, $0x3  }
0x20: {  	s16 =	sshrl.u32 s18, $0x3;
	s18 =	sshrl.u32 s19, $0x3;
	s19 =	sshrl.u32 s9, $0x3  }
0x21: {  	s9 =	simm.s32 $0x7;
	s21 =	sadd.s32 s4, s21;
	s4 =	sadd.s32 s4, s25  }
0x22: {  	s25 =	sadd.s32 s6, s24;
	s17 =	sadd.s32 s6, s16;
	[dreg:$0x14] =	wrdreg s21  }
0x23: {  	s24 =	sshll.u32 s23, $0x4;
	[dreg:$0x16] =	wrdreg s4;
	s4 =	sadd.s32 s6, s26  }
0x24: {  	s21 =	sshrl.u32 s7, $0x3;
	[dreg:$0x1b] =	wrdreg s25;
	s26 =	sshrl.u32 s10, $0x3  }
0x25: {  	s7 =	sshrl.u32 s12, $0x3;
	s10 =	sshrl.u32 s13, $0x3;
	[smem:$0x7F7] =	sst s17  }
0x26: {  	s12 =	sshrl.u32 s15, $0x3;
	s15 =	sshrl.u32 s20, $0x3;
	s20 =	rddreg [dreg:$0x3]  }
0x27: {  	s17 =	simm.s32 $0x12C00;
	[dreg:$0x18] =	wrdreg s4;
	s4 =	sadd.s32 s6, s21  }
0x28: {  	s8 =	sadd.s32 s6, s7;
	s13 =	sadd.s32 s6, s12;
	[dreg:$0x19] =	wrdreg s4  }
0x29: {  	s21 =	sshll.u32 s0, $0xC;
	s0 =	sshll.u32 s0, $0x4;
	[dreg:$0x1e] =	wrdreg s8  }
0x2a: {  	s12 =	simm.s32 $0x0;
	s4 =	sadd.s32 s6, s22;
	[smem:$0x7F4] =	sst s13  }
0x2b: {  	s3 =	sadd.s32 s21, s3;
	s0 =	sadd.s32 s20, s0;
	[dreg:$0x1a] =	wrdreg s4  }
0x2c: {  	s22 =	sshll.u32 s23, $0xB;
	s4 =	sadd.s32 s6, s26;
	[smem:$0x7FA] =	sst s0  }
0x2d: {  	s13 =	simm.s32 $0x6400;
	s20 =	simm.s32 $0x68;
	[dreg:$0x1c] =	wrdreg s4  }
0x2e: {  	s21 =	simm.s32 $0x19C80;
	s4 =	sadd.s32 s6, s5;
	s5 =	rddreg [dreg:$0x5]  }
0x2f: {  	s8 =	simm.s32 $0xFC00;
	[dreg:$0x1d] =	wrdreg s4;
	s4 =	sadd.s32 s6, s10  }
0x30: {  	s23 =	simm.s32 $0x4;
	[dreg:$0x1f] =	wrdreg s4;
	s4 =	sadd.s32 s6, s11  }
0x31: {  	s25 =	sadd.s32 $0xA00, s3;
	[smem:$0x7F3] =	sst s4;
	s4 =	sadd.s32 s6, s14  }
0x32: {  	s26 =	smax.u32 s2, $0x1;
	[smem:$0x7F5] =	sst s4;
	s4 =	sadd.s32 s6, s15  }
0x33: {  	s2 =	simm.s32 $0x9;
	[smem:$0x7F6] =	sst s4;
	s4 =	sadd.s32 s6, s18  }
0x34: {  	s3 =	simm.s32 $0x3;
	[smem:$0x7F8] =	sst s4;
	s4 =	sadd.s32 s6, s19  }
0x35: {  	s0 =	sadd.s32 s24, s5;
	s24 =	simm.s32 $0x3400;
	[smem:$0x7F9] =	sst s4  }
0x36: {  	s11 =	simm.s32 $0xA;
	s15 =	simm.s32 $0xC800;
	s4 =	rddreg [dreg:$0x4]  }
0x37: {  	s19 =	simm.s32 $0x1;
	_ =	strace $0x80000047;
	[smem:$0x7FB] =	sst s0  }
0x38: {  	s6 =	simm.s32 $0x19AF0;
	s7 =	sadd.s32 s22, s4;
	[smem:$0x7FC] =	sst s25  }
0x39: {  	v0 =	vimm.f32 $0.0e+00;
	v1 =	vimm.f32 $1.000000000e+00;
	[smem:$0x7FD] =	sst s26;
	s22 =	simm.s32 $0x60;
	s25 =	simm.s32 $0x5  }
.LBB2_1:
0x3a: {  	[tilespmem:$0x19D00] =	vst v0  }
0x3b: {  	[tilespmem:$0x19C80] =	vst v1  }
0x3c: {  	[tilespmem:$0x19C90] =	vst v1  }
0x3d: {  	[tilespmem:$0x19CA0] =	vst v1  }
0x3e: {  	[tilespmem:$0x19CB0] =	vst v1  }
0x3f: {  	[tilespmem:$0x19CC0] =	vst v1  }
0x40: {  	[tilespmem:$0x19CD0] =	vst v1  }
0x41: {  	[tilespmem:$0x19CE0] =	vst v1;
	s14 =	simm.s32 $0x0;
	s16 =	simm.s32 $0x200  }
.LBB2_2:
0x42: {  	p2 =	sne.s32 s16, $0x1E00;
	[tilespmem:s14+$0x70] =	vst v0  }
0x43: {  	[tilespmem:s14+$0x0] =	vst v0  }
0x44: {  	[tilespmem:s14+$0x10] =	vst v0  }
.Ltmp0:
0x45: {  	[tilespmem:s14+$0x20] =	vst v0;
	(pc) =	sbr.rel @p2 .LBB2_2-.Ltmp0, $4  }
0x46: {  	[tilespmem:s14+$0x30] =	vst v0  }
0x47: {  	[tilespmem:s14+$0x40] =	vst v0  }
0x48: {  	[tilespmem:s14+$0x50] =	vst v0  }
0x49: {  	[tilespmem:s14+$0x60] =	vst v0;
	s14 =	sshra.s32 s16, $0x2;
	s16 =	sadd.s32 $0x200, s16  }
0x4a: {  	[tilespmem:s14+$0x70] =	vst v0  }
0x4b: {  	[tilespmem:s14+$0x0] =	vst v0  }
0x4c: {  	[tilespmem:s14+$0x10] =	vst v0  }
0x4d: {  	[tilespmem:s14+$0x20] =	vst v0  }
0x4e: {  	[tilespmem:s14+$0x30] =	vst v0  }
0x4f: {  	[tilespmem:s14+$0x40] =	vst v0  }
0x50: {  	[tilespmem:s14+$0x50] =	vst v0  }
0x51: {  	[tilespmem:s14+$0x60] =	vst v0  }
0x52: {  	[spmem:s7] =	stream.linear.scatter [tilespmem:s1], [sflag:$0xA], $0x800, $0x38;
	[tilespmem:$0x1A590] =	vst v63  }
0x53: {  	_ =	swait.ge [sflag:s11], $0x800  }
0x54: {  	s0 =	sld [smem:$0x7FB]  }
0x55: {  	[sflag:s11] =	ssyncset.done $0x0  }
0x56: {  	s10 =	simm.s32 $0x19D00;
	[sflag:s11] =	ssyncadd.s32 $0xFFFFF800  }
0x57: {  	[spmem:s0] =	stream.linear.scatter [tilespmem:s10], [sflag:$0xA], $0x10, $0x38;
	[tilespmem:$0x1A590] =	vst v63  }
0x58: {  	_ =	swait.ge [sflag:s11], $0x10  }
0x59: {  	[sflag:s11] =	ssyncset.done $0x0  }
0x5a: {  	[sflag:s11] =	ssyncadd.s32 $0xFFFFFFF0  }
0x5b: {  	[bflag:$0x0] =	sbarrier.arrive $0xFFFF  }
0x5c: {  	s18 =	rddreg [dreg:$0x7]  }
0x5d: {  	[tilespmem:s1], [sflag:$0x1] =	stream.linear.gather [hbm4b:s18+s1], $0x6400, $0x38;
	[tilespmem:$0x1A590] =	vst v63  }
0x5e: {  	s10 =	simm.s32 $0x19000;
	s26 =	rddreg [dreg:$0x17]  }
0x5f: {  	[tilespmem:s10], [sflag:$0x1] =	stream.linear.gather [hbm4b:s26+s1], $0xC8, $0x38;
	[tilespmem:$0x1A590] =	vst v63  }
0x60: {  	s14 =	rddreg [dreg:$0x8]  }
0x61: {  	[tilespmem:s13], [sflag:$0x2] =	stream.linear.gather [hbm4b:s14+s1], $0x6400, $0x38;
	[tilespmem:$0x1A590] =	vst v63  }
0x62: {  	s16 =	rddreg [dreg:$0x18];
	s14 =	simm.s32 $0x190C8  }
0x63: {  	[tilespmem:s14], [sflag:$0x2] =	stream.linear.gather [hbm4b:s16+s1], $0xC8, $0x38;
	[tilespmem:$0x1A590] =	vst v63  }
0x64: {  	s18 =	rddreg [dreg:$0x9]  }
0x65: {  	[tilespmem:s15], [sflag:$0x3] =	stream.linear.gather [hbm4b:s18+s1], $0x6400, $0x38;
	[tilespmem:$0x1A590] =	vst v63  }
0x66: {  	s26 =	rddreg [dreg:$0x19];
	s16 =	simm.s32 $0x19190  }
0x67: {  	[tilespmem:s16], [sflag:$0x3] =	stream.linear.gather [hbm4b:s26+s1], $0xC8, $0x38;
	[tilespmem:$0x1A590] =	vst v63  }
0x68: {  	s18 =	rddreg [dreg:$0xa]  }
0x69: {  	[tilespmem:s17], [sflag:$0x4] =	stream.linear.gather [hbm4b:s18+s1], $0x6400, $0x38;
	[tilespmem:$0x1A590] =	vst v63  }
0x6a: {  	s26 =	rddreg [dreg:$0x1a];
	s18 =	simm.s32 $0x19258  }
0x6b: {  	[tilespmem:s18], [sflag:$0x4] =	stream.linear.gather [hbm4b:s26+s1], $0xC8, $0x38;
	[tilespmem:$0x1A590] =	vst v63  }
0x6c: {  	_ =	swait.ge [sflag:s19], $0x6400  }
0x6d: {  	[sflag:s19] =	ssyncset.done $0x0  }
0x6e: {  	[sflag:s19] =	ssyncadd.s32 $0xFFFF9C00  }
0x6f: {  	_ =	swait.ge [sflag:s19], $0xC8  }
0x70: {  	[sflag:s19] =	ssyncset.done $0x0  }
0x71: {  	[sflag:s19] =	ssyncadd.s32 $0xFFFFFF38  }
0x72: {  	[spmem:s4] =	stream.indirect.scatter.add.f32 [tilespmem:s1], [sflag:$0x5], $0x80, s10, s20, $0xb8;
	[tilespmem:$0x1A590] =	vst v63  }
0x73: {  	_ = 	snop  }
0x74: {  	[spmem:s5] =	stream.indirect.scatter.add.f32 [tilespmem:s21], [sflag:$0x9], $0x1, s10, s20, $0xb8;
	[tilespmem:$0x1A590] =	vst v63  }
0x75: {  	s26 =	simm.s32 $0x19068  }
0x76: {  	[spmem:s4] =	stream.indirect.scatter.add.f32 [tilespmem:s24], [sflag:$0x5], $0x80, s26, s22, $0xb8;
	[tilespmem:$0x1A590] =	vst v63  }
0x77: {  	_ = 	snop  }
0x78: {  	[spmem:s5] =	stream.indirect.scatter.add.f32 [tilespmem:s21], [sflag:$0x9], $0x1, s26, s22, $0xb8;
	[tilespmem:$0x1A590] =	vst v63  }
0x79: {  	_ =	swait.ge [sflag:s25], $0x3400  }
0x7a: {  	[sflag:s25] =	ssyncset.done $0x0  }
0x7b: {  	[sflag:s25] =	ssyncadd.s32 $0xFFFFCC00  }
0x7c: {  	_ =	swait.ge [sflag:s25], $0x3000  }
0x7d: {  	[sflag:s25] =	ssyncset.done $0x0  }
0x7e: {  	s10 =	rddreg [dreg:$0xb];
	[sflag:s25] =	ssyncadd.s32 $0xFFFFD000  }
0x7f: {  	[tilespmem:s1], [sflag:$0x1] =	stream.linear.gather [hbm4b:s10+s1], $0x6400, $0x38;
	[tilespmem:$0x1A590] =	vst v63  }
0x80: {  	s26 =	rddreg [dreg:$0x1b];
	s10 =	simm.s32 $0x19320  }
0x81: {  	[tilespmem:s10], [sflag:$0x1] =	stream.linear.gather [hbm4b:s26+s1], $0xC8, $0x38;
	[tilespmem:$0x1A590] =	vst v63  }
0x82: {  	_ =	swait.ge [sflag:s28], $0x6400  }
0x83: {  	[sflag:s28] =	ssyncset.done $0x0  }
0x84: {  	[sflag:s28] =	ssyncadd.s32 $0xFFFF9C00  }
0x85: {  	_ =	swait.ge [sflag:s28], $0xC8  }
0x86: {  	[sflag:s28] =	ssyncset.done $0x0  }
0x87: {  	[sflag:s28] =	ssyncadd.s32 $0xFFFFFF38  }
0x88: {  	[spmem:s4] =	stream.indirect.scatter.add.f32 [tilespmem:s13], [sflag:$0x6], $0x80, s14, s20, $0xb8;
	[tilespmem:$0x1A590] =	vst v63  }
0x89: {  	_ = 	snop  }
0x8a: {  	[spmem:s5] =	stream.indirect.scatter.add.f32 [tilespmem:s21], [sflag:$0x9], $0x1, s14, s20, $0xb8;
	[tilespmem:$0x1A590] =	vst v63  }
0x8b: {  	s26 =	simm.s32 $0x19130  }
0x8c: {  	[spmem:s4] =	stream.indirect.scatter.add.f32 [tilespmem:s30], [sflag:$0x6], $0x80, s26, s22, $0xb8;
	[tilespmem:$0x1A590] =	vst v63  }
0x8d: {  	_ = 	snop  }
0x8e: {  	[spmem:s5] =	stream.indirect.scatter.add.f32 [tilespmem:s21], [sflag:$0x9], $0x1, s26, s22, $0xb8;
	[tilespmem:$0x1A590] =	vst v63  }
0x8f: {  	_ =	swait.ge [sflag:s31], $0x3400  }
0x90: {  	[sflag:s31] =	ssyncset.done $0x0  }
0x91: {  	[sflag:s31] =	ssyncadd.s32 $0xFFFFCC00  }
0x92: {  	_ =	swait.ge [sflag:s31], $0x3000  }
0x93: {  	[sflag:s31] =	ssyncset.done $0x0  }
0x94: {  	s14 =	rddreg [dreg:$0xc];
	[sflag:s31] =	ssyncadd.s32 $0xFFFFD000  }
0x95: {  	[tilespmem:s13], [sflag:$0x2] =	stream.linear.gather [hbm4b:s14+s1], $0x6400, $0x38;
	[tilespmem:$0x1A590] =	vst v63  }
0x96: {  	s26 =	rddreg [dreg:$0x1c];
	s14 =	simm.s32 $0x193E8  }
0x97: {  	[tilespmem:s14], [sflag:$0x2] =	stream.linear.gather [hbm4b:s26+s1], $0xC8, $0x38;
	[tilespmem:$0x1A590] =	vst v63  }
0x98: {  	_ =	swait.ge [sflag:s2], $0x68  }
0x99: {  	[sflag:s2] =	ssyncset.done $0x0  }
0x9a: {  	[sflag:s2] =	ssyncadd.s32 $0xFFFFFF98  }
0x9b: {  	_ =	swait.ge [sflag:s2], $0x60  }
0x9c: {  	[sflag:s2] =	ssyncset.done $0x0  }
0x9d: {  	[sflag:s2] =	ssyncadd.s32 $0xFFFFFFA0  }
0x9e: {  	_ =	swait.ge [sflag:s3], $0x6400  }
0x9f: {  	[sflag:s3] =	ssyncset.done $0x0  }
0xa0: {  	[sflag:s3] =	ssyncadd.s32 $0xFFFF9C00  }
0xa1: {  	_ =	swait.ge [sflag:s3], $0xC8  }
0xa2: {  	[sflag:s3] =	ssyncset.done $0x0  }
0xa3: {  	[sflag:s3] =	ssyncadd.s32 $0xFFFFFF38  }
0xa4: {  	[spmem:s4] =	stream.indirect.scatter.add.f32 [tilespmem:s15], [sflag:$0x7], $0x80, s16, s20, $0xb8;
	[tilespmem:$0x1A590] =	vst v63  }
0xa5: {  	_ = 	snop  }
0xa6: {  	[spmem:s5] =	stream.indirect.scatter.add.f32 [tilespmem:s21], [sflag:$0x9], $0x1, s16, s20, $0xb8;
	[tilespmem:$0x1A590] =	vst v63  }
0xa7: {  	s26 =	simm.s32 $0x191F8  }
0xa8: {  	[spmem:s4] =	stream.indirect.scatter.add.f32 [tilespmem:s8], [sflag:$0x7], $0x80, s26, s22, $0xb8;
	[tilespmem:$0x1A590] =	vst v63  }
0xa9: {  	_ = 	snop  }
0xaa: {  	[spmem:s5] =	stream.indirect.scatter.add.f32 [tilespmem:s21], [sflag:$0x9], $0x1, s26, s22, $0xb8;
	[tilespmem:$0x1A590] =	vst v63  }
0xab: {  	_ =	swait.ge [sflag:s9], $0x3400  }
0xac: {  	[sflag:s9] =	ssyncset.done $0x0  }
0xad: {  	[sflag:s9] =	ssyncadd.s32 $0xFFFFCC00  }
0xae: {  	_ =	swait.ge [sflag:s9], $0x3000  }
0xaf: {  	[sflag:s9] =	ssyncset.done $0x0  }
0xb0: {  	s16 =	rddreg [dreg:$0xd];
	[sflag:s9] =	ssyncadd.s32 $0xFFFFD000  }
0xb1: {  	[tilespmem:s15], [sflag:$0x3] =	stream.linear.gather [hbm4b:s16+s1], $0x6400, $0x38;
	[tilespmem:$0x1A590] =	vst v63  }
0xb2: {  	s26 =	rddreg [dreg:$0x1d];
	s16 =	simm.s32 $0x194B0  }
0xb3: {  	[tilespmem:s16], [sflag:$0x3] =	stream.linear.gather [hbm4b:s26+s1], $0xC8, $0x38;
	[tilespmem:$0x1A590] =	vst v63  }
0xb4: {  	_ =	swait.ge [sflag:s2], $0x68  }
0xb5: {  	[sflag:s2] =	ssyncset.done $0x0  }
0xb6: {  	[sflag:s2] =	ssyncadd.s32 $0xFFFFFF98  }
0xb7: {  	_ =	swait.ge [sflag:s2], $0x60  }
0xb8: {  	[sflag:s2] =	ssyncset.done $0x0  }
0xb9: {  	[sflag:s2] =	ssyncadd.s32 $0xFFFFFFA0  }
0xba: {  	_ =	swait.ge [sflag:s23], $0x6400  }
0xbb: {  	[sflag:s23] =	ssyncset.done $0x0  }
0xbc: {  	[sflag:s23] =	ssyncadd.s32 $0xFFFF9C00  }
0xbd: {  	_ =	swait.ge [sflag:s23], $0xC8  }
0xbe: {  	[sflag:s23] =	ssyncset.done $0x0  }
0xbf: {  	[sflag:s23] =	ssyncadd.s32 $0xFFFFFF38  }
0xc0: {  	[spmem:s4] =	stream.indirect.scatter.add.f32 [tilespmem:s17], [sflag:$0x8], $0x80, s18, s20, $0xb8;
	[tilespmem:$0x1A590] =	vst v63  }
0xc1: {  	_ = 	snop  }
0xc2: {  	[spmem:s5] =	stream.indirect.scatter.add.f32 [tilespmem:s21], [sflag:$0x9], $0x1, s18, s20, $0xb8;
	[tilespmem:$0x1A590] =	vst v63  }
0xc3: {  	s26 =	simm.s32 $0x192C0;
	s18 =	simm.s32 $0x16000  }
0xc4: {  	[spmem:s4] =	stream.indirect.scatter.add.f32 [tilespmem:s18], [sflag:$0x8], $0x80, s26, s22, $0xb8;
	[tilespmem:$0x1A590] =	vst v63  }
0xc5: {  	_ = 	snop  }
0xc6: {  	[spmem:s5] =	stream.indirect.scatter.add.f32 [tilespmem:s21], [sflag:$0x9], $0x1, s26, s22, $0xb8;
	[tilespmem:$0x1A590] =	vst v63  }
0xc7: {  	_ =	swait.ge [sflag:s29], $0x3400  }
0xc8: {  	[sflag:s29] =	ssyncset.done $0x0  }
0xc9: {  	[sflag:s29] =	ssyncadd.s32 $0xFFFFCC00  }
0xca: {  	_ =	swait.ge [sflag:s29], $0x3000  }
0xcb: {  	[sflag:s29] =	ssyncset.done $0x0  }
0xcc: {  	s26 =	rddreg [dreg:$0xe];
	[sflag:s29] =	ssyncadd.s32 $0xFFFFD000  }
0xcd: {  	[tilespmem:s17], [sflag:$0x4] =	stream.linear.gather [hbm4b:s26+s1], $0x6400, $0x38;
	[tilespmem:$0x1A590] =	vst v63  }
0xce: {  	s0 =	rddreg [dreg:$0x1e];
	s26 =	simm.s32 $0x19578  }
0xcf: {  	[tilespmem:s26], [sflag:$0x4] =	stream.linear.gather [hbm4b:s0+s1], $0xC8, $0x38;
	[tilespmem:$0x1A590] =	vst v63  }
0xd0: {  	_ =	swait.ge [sflag:s2], $0x68  }
0xd1: {  	[sflag:s2] =	ssyncset.done $0x0  }
0xd2: {  	[sflag:s2] =	ssyncadd.s32 $0xFFFFFF98  }
0xd3: {  	_ =	swait.ge [sflag:s2], $0x60  }
0xd4: {  	[sflag:s2] =	ssyncset.done $0x0  }
0xd5: {  	[sflag:s2] =	ssyncadd.s32 $0xFFFFFFA0  }
0xd6: {  	_ =	swait.ge [sflag:s19], $0x6400  }
0xd7: {  	[sflag:s19] =	ssyncset.done $0x0  }
0xd8: {  	[sflag:s19] =	ssyncadd.s32 $0xFFFF9C00  }
0xd9: {  	_ =	swait.ge [sflag:s19], $0xC8  }
0xda: {  	[sflag:s19] =	ssyncset.done $0x0  }
0xdb: {  	[sflag:s19] =	ssyncadd.s32 $0xFFFFFF38  }
0xdc: {  	[spmem:s4] =	stream.indirect.scatter.add.f32 [tilespmem:s1], [sflag:$0x5], $0x80, s10, s20, $0xb8;
	[tilespmem:$0x1A590] =	vst v63  }
0xdd: {  	_ = 	snop  }
0xde: {  	[spmem:s5] =	stream.indirect.scatter.add.f32 [tilespmem:s21], [sflag:$0x9], $0x1, s10, s20, $0xb8;
	[tilespmem:$0x1A590] =	vst v63  }
0xdf: {  	s10 =	simm.s32 $0x19388  }
0xe0: {  	[spmem:s4] =	stream.indirect.scatter.add.f32 [tilespmem:s24], [sflag:$0x5], $0x80, s10, s22, $0xb8;
	[tilespmem:$0x1A590] =	vst v63  }
0xe1: {  	_ = 	snop  }
0xe2: {  	[spmem:s5] =	stream.indirect.scatter.add.f32 [tilespmem:s21], [sflag:$0x9], $0x1, s10, s22, $0xb8;
	[tilespmem:$0x1A590] =	vst v63  }
0xe3: {  	_ =	swait.ge [sflag:s25], $0x3400  }
0xe4: {  	[sflag:s25] =	ssyncset.done $0x0  }
0xe5: {  	[sflag:s25] =	ssyncadd.s32 $0xFFFFCC00  }
0xe6: {  	_ =	swait.ge [sflag:s25], $0x3000  }
0xe7: {  	[sflag:s25] =	ssyncset.done $0x0  }
0xe8: {  	s10 =	rddreg [dreg:$0xf];
	[sflag:s25] =	ssyncadd.s32 $0xFFFFD000  }
0xe9: {  	[tilespmem:s1], [sflag:$0x1] =	stream.linear.gather [hbm4b:s10+s1], $0x6400, $0x38;
	[tilespmem:$0x1A590] =	vst v63  }
0xea: {  	s0 =	rddreg [dreg:$0x1f];
	s10 =	simm.s32 $0x19640  }
0xeb: {  	[tilespmem:s10], [sflag:$0x1] =	stream.linear.gather [hbm4b:s0+s1], $0xC8, $0x38;
	[tilespmem:$0x1A590] =	vst v63  }
0xec: {  	_ =	swait.ge [sflag:s2], $0x68  }
0xed: {  	[sflag:s2] =	ssyncset.done $0x0  }
0xee: {  	[sflag:s2] =	ssyncadd.s32 $0xFFFFFF98  }
0xef: {  	_ =	swait.ge [sflag:s2], $0x60  }
0xf0: {  	[sflag:s2] =	ssyncset.done $0x0  }
0xf1: {  	[sflag:s2] =	ssyncadd.s32 $0xFFFFFFA0  }
0xf2: {  	_ =	swait.ge [sflag:s28], $0x6400  }
0xf3: {  	[sflag:s28] =	ssyncset.done $0x0  }
0xf4: {  	[sflag:s28] =	ssyncadd.s32 $0xFFFF9C00  }
0xf5: {  	_ =	swait.ge [sflag:s28], $0xC8  }
0xf6: {  	[sflag:s28] =	ssyncset.done $0x0  }
0xf7: {  	[sflag:s28] =	ssyncadd.s32 $0xFFFFFF38  }
0xf8: {  	[spmem:s4] =	stream.indirect.scatter.add.f32 [tilespmem:s13], [sflag:$0x6], $0x80, s14, s20, $0xb8;
	[tilespmem:$0x1A590] =	vst v63  }
0xf9: {  	_ = 	snop  }
0xfa: {  	[spmem:s5] =	stream.indirect.scatter.add.f32 [tilespmem:s21], [sflag:$0x9], $0x1, s14, s20, $0xb8;
	[tilespmem:$0x1A590] =	vst v63  }
0xfb: {  	s14 =	simm.s32 $0x19450  }
0xfc: {  	[spmem:s4] =	stream.indirect.scatter.add.f32 [tilespmem:s30], [sflag:$0x6], $0x80, s14, s22, $0xb8;
	[tilespmem:$0x1A590] =	vst v63  }
0xfd: {  	_ = 	snop  }
0xfe: {  	[spmem:s5] =	stream.indirect.scatter.add.f32 [tilespmem:s21], [sflag:$0x9], $0x1, s14, s22, $0xb8;
	[tilespmem:$0x1A590] =	vst v63  }
0xff: {  	_ =	swait.ge [sflag:s31], $0x3400  }
0x100: {  	[sflag:s31] =	ssyncset.done $0x0  }
0x101: {  	[sflag:s31] =	ssyncadd.s32 $0xFFFFCC00  }
0x102: {  	_ =	swait.ge [sflag:s31], $0x3000  }
0x103: {  	[sflag:s31] =	ssyncset.done $0x0;
	s14 =	rddreg [dreg:$0x10]  }
0x104: {  	s0 =	sld [smem:$0x7F3];
	[sflag:s31] =	ssyncadd.s32 $0xFFFFD000  }
0x105: {  	[tilespmem:s13], [sflag:$0x2] =	stream.linear.gather [hbm4b:s14+s1], $0x6400, $0x38;
	[tilespmem:$0x1A590] =	vst v63  }
0x106: {  	s14 =	simm.s32 $0x19708  }
0x107: {  	[tilespmem:s14], [sflag:$0x2] =	stream.linear.gather [hbm4b:s0+s1], $0xC8, $0x38;
	[tilespmem:$0x1A590] =	vst v63  }
0x108: {  	_ =	swait.ge [sflag:s2], $0x68  }
0x109: {  	[sflag:s2] =	ssyncset.done $0x0  }
0x10a: {  	[sflag:s2] =	ssyncadd.s32 $0xFFFFFF98  }
0x10b: {  	_ =	swait.ge [sflag:s2], $0x60  }
0x10c: {  	[sflag:s2] =	ssyncset.done $0x0  }
0x10d: {  	[sflag:s2] =	ssyncadd.s32 $0xFFFFFFA0  }
0x10e: {  	_ =	swait.ge [sflag:s3], $0x6400  }
0x10f: {  	[sflag:s3] =	ssyncset.done $0x0  }
0x110: {  	[sflag:s3] =	ssyncadd.s32 $0xFFFF9C00  }
0x111: {  	_ =	swait.ge [sflag:s3], $0xC8  }
0x112: {  	[sflag:s3] =	ssyncset.done $0x0  }
0x113: {  	[sflag:s3] =	ssyncadd.s32 $0xFFFFFF38  }
0x114: {  	[spmem:s4] =	stream.indirect.scatter.add.f32 [tilespmem:s15], [sflag:$0x7], $0x80, s16, s20, $0xb8;
	[tilespmem:$0x1A590] =	vst v63  }
0x115: {  	_ = 	snop  }
0x116: {  	[spmem:s5] =	stream.indirect.scatter.add.f32 [tilespmem:s21], [sflag:$0x9], $0x1, s16, s20, $0xb8;
	[tilespmem:$0x1A590] =	vst v63  }
0x117: {  	s16 =	simm.s32 $0x19518  }
0x118: {  	[spmem:s4] =	stream.indirect.scatter.add.f32 [tilespmem:s8], [sflag:$0x7], $0x80, s16, s22, $0xb8;
	[tilespmem:$0x1A590] =	vst v63  }
0x119: {  	_ = 	snop  }
0x11a: {  	[spmem:s5] =	stream.indirect.scatter.add.f32 [tilespmem:s21], [sflag:$0x9], $0x1, s16, s22, $0xb8;
	[tilespmem:$0x1A590] =	vst v63  }
0x11b: {  	_ =	swait.ge [sflag:s9], $0x3400  }
0x11c: {  	[sflag:s9] =	ssyncset.done $0x0  }
0x11d: {  	[sflag:s9] =	ssyncadd.s32 $0xFFFFCC00  }
0x11e: {  	_ =	swait.ge [sflag:s9], $0x3000  }
0x11f: {  	[sflag:s9] =	ssyncset.done $0x0;
	s16 =	rddreg [dreg:$0x11]  }
0x120: {  	s0 =	sld [smem:$0x7F4];
	[sflag:s9] =	ssyncadd.s32 $0xFFFFD000  }
0x121: {  	[tilespmem:s15], [sflag:$0x3] =	stream.linear.gather [hbm4b:s16+s1], $0x6400, $0x38;
	[tilespmem:$0x1A590] =	vst v63  }
0x122: {  	s16 =	simm.s32 $0x197D0  }
0x123: {  	[tilespmem:s16], [sflag:$0x3] =	stream.linear.gather [hbm4b:s0+s1], $0xC8, $0x38;
	[tilespmem:$0x1A590] =	vst v63  }
0x124: {  	_ =	swait.ge [sflag:s2], $0x68  }
0x125: {  	[sflag:s2] =	ssyncset.done $0x0  }
0x126: {  	[sflag:s2] =	ssyncadd.s32 $0xFFFFFF98  }
0x127: {  	_ =	swait.ge [sflag:s2], $0x60  }
0x128: {  	[sflag:s2] =	ssyncset.done $0x0  }
0x129: {  	[sflag:s2] =	ssyncadd.s32 $0xFFFFFFA0  }
0x12a: {  	_ =	swait.ge [sflag:s23], $0x6400  }
0x12b: {  	[sflag:s23] =	ssyncset.done $0x0  }
0x12c: {  	[sflag:s23] =	ssyncadd.s32 $0xFFFF9C00  }
0x12d: {  	_ =	swait.ge [sflag:s23], $0xC8  }
0x12e: {  	[sflag:s23] =	ssyncset.done $0x0  }
0x12f: {  	[sflag:s23] =	ssyncadd.s32 $0xFFFFFF38  }
0x130: {  	[spmem:s4] =	stream.indirect.scatter.add.f32 [tilespmem:s17], [sflag:$0x8], $0x80, s26, s20, $0xb8;
	[tilespmem:$0x1A590] =	vst v63  }
0x131: {  	_ = 	snop  }
0x132: {  	[spmem:s5] =	stream.indirect.scatter.add.f32 [tilespmem:s21], [sflag:$0x9], $0x1, s26, s20, $0xb8;
	[tilespmem:$0x1A590] =	vst v63  }
0x133: {  	s26 =	simm.s32 $0x195E0  }
0x134: {  	[spmem:s4] =	stream.indirect.scatter.add.f32 [tilespmem:s18], [sflag:$0x8], $0x80, s26, s22, $0xb8;
	[tilespmem:$0x1A590] =	vst v63  }
0x135: {  	_ = 	snop  }
0x136: {  	[spmem:s5] =	stream.indirect.scatter.add.f32 [tilespmem:s21], [sflag:$0x9], $0x1, s26, s22, $0xb8;
	[tilespmem:$0x1A590] =	vst v63  }
0x137: {  	_ =	swait.ge [sflag:s29], $0x3400  }
0x138: {  	[sflag:s29] =	ssyncset.done $0x0  }
0x139: {  	[sflag:s29] =	ssyncadd.s32 $0xFFFFCC00  }
0x13a: {  	_ =	swait.ge [sflag:s29], $0x3000  }
0x13b: {  	[sflag:s29] =	ssyncset.done $0x0;
	s26 =	rddreg [dreg:$0x12]  }
0x13c: {  	s0 =	sld [smem:$0x7F5];
	[sflag:s29] =	ssyncadd.s32 $0xFFFFD000  }
0x13d: {  	[tilespmem:s17], [sflag:$0x4] =	stream.linear.gather [hbm4b:s26+s1], $0x6400, $0x38;
	[tilespmem:$0x1A590] =	vst v63  }
0x13e: {  	s26 =	simm.s32 $0x19898  }
0x13f: {  	[tilespmem:s26], [sflag:$0x4] =	stream.linear.gather [hbm4b:s0+s1], $0xC8, $0x38;
	[tilespmem:$0x1A590] =	vst v63  }
0x140: {  	_ =	swait.ge [sflag:s2], $0x68  }
0x141: {  	[sflag:s2] =	ssyncset.done $0x0  }
0x142: {  	[sflag:s2] =	ssyncadd.s32 $0xFFFFFF98  }
0x143: {  	_ =	swait.ge [sflag:s2], $0x60  }
0x144: {  	[sflag:s2] =	ssyncset.done $0x0  }
0x145: {  	[sflag:s2] =	ssyncadd.s32 $0xFFFFFFA0  }
0x146: {  	_ =	swait.ge [sflag:s19], $0x6400  }
0x147: {  	[sflag:s19] =	ssyncset.done $0x0  }
0x148: {  	[sflag:s19] =	ssyncadd.s32 $0xFFFF9C00  }
0x149: {  	_ =	swait.ge [sflag:s19], $0xC8  }
0x14a: {  	[sflag:s19] =	ssyncset.done $0x0  }
0x14b: {  	[sflag:s19] =	ssyncadd.s32 $0xFFFFFF38  }
0x14c: {  	[spmem:s4] =	stream.indirect.scatter.add.f32 [tilespmem:s1], [sflag:$0x5], $0x80, s10, s20, $0xb8;
	[tilespmem:$0x1A590] =	vst v63  }
0x14d: {  	_ = 	snop  }
0x14e: {  	[spmem:s5] =	stream.indirect.scatter.add.f32 [tilespmem:s21], [sflag:$0x9], $0x1, s10, s20, $0xb8;
	[tilespmem:$0x1A590] =	vst v63  }
0x14f: {  	s10 =	simm.s32 $0x196A8  }
0x150: {  	[spmem:s4] =	stream.indirect.scatter.add.f32 [tilespmem:s24], [sflag:$0x5], $0x80, s10, s22, $0xb8;
	[tilespmem:$0x1A590] =	vst v63  }
0x151: {  	_ = 	snop  }
0x152: {  	[spmem:s5] =	stream.indirect.scatter.add.f32 [tilespmem:s21], [sflag:$0x9], $0x1, s10, s22, $0xb8;
	[tilespmem:$0x1A590] =	vst v63  }
0x153: {  	_ =	swait.ge [sflag:s25], $0x3400  }
0x154: {  	[sflag:s25] =	ssyncset.done $0x0  }
0x155: {  	[sflag:s25] =	ssyncadd.s32 $0xFFFFCC00  }
0x156: {  	_ =	swait.ge [sflag:s25], $0x3000  }
0x157: {  	[sflag:s25] =	ssyncset.done $0x0;
	s10 =	rddreg [dreg:$0x13]  }
0x158: {  	s0 =	sld [smem:$0x7F6];
	[sflag:s25] =	ssyncadd.s32 $0xFFFFD000  }
0x159: {  	[tilespmem:s1], [sflag:$0x1] =	stream.linear.gather [hbm4b:s10+s1], $0x6400, $0x38;
	[tilespmem:$0x1A590] =	vst v63  }
0x15a: {  	s10 =	simm.s32 $0x19960  }
0x15b: {  	[tilespmem:s10], [sflag:$0x1] =	stream.linear.gather [hbm4b:s0+s1], $0xC8, $0x38;
	[tilespmem:$0x1A590] =	vst v63  }
0x15c: {  	_ =	swait.ge [sflag:s2], $0x68  }
0x15d: {  	[sflag:s2] =	ssyncset.done $0x0  }
0x15e: {  	[sflag:s2] =	ssyncadd.s32 $0xFFFFFF98  }
0x15f: {  	_ =	swait.ge [sflag:s2], $0x60  }
0x160: {  	[sflag:s2] =	ssyncset.done $0x0  }
0x161: {  	[sflag:s2] =	ssyncadd.s32 $0xFFFFFFA0  }
0x162: {  	_ =	swait.ge [sflag:s28], $0x6400  }
0x163: {  	[sflag:s28] =	ssyncset.done $0x0  }
0x164: {  	[sflag:s28] =	ssyncadd.s32 $0xFFFF9C00  }
0x165: {  	_ =	swait.ge [sflag:s28], $0xC8  }
0x166: {  	[sflag:s28] =	ssyncset.done $0x0  }
0x167: {  	[sflag:s28] =	ssyncadd.s32 $0xFFFFFF38  }
0x168: {  	[spmem:s4] =	stream.indirect.scatter.add.f32 [tilespmem:s13], [sflag:$0x6], $0x80, s14, s20, $0xb8;
	[tilespmem:$0x1A590] =	vst v63  }
0x169: {  	_ = 	snop  }
0x16a: {  	[spmem:s5] =	stream.indirect.scatter.add.f32 [tilespmem:s21], [sflag:$0x9], $0x1, s14, s20, $0xb8;
	[tilespmem:$0x1A590] =	vst v63  }
0x16b: {  	s14 =	simm.s32 $0x19770  }
0x16c: {  	[spmem:s4] =	stream.indirect.scatter.add.f32 [tilespmem:s30], [sflag:$0x6], $0x80, s14, s22, $0xb8;
	[tilespmem:$0x1A590] =	vst v63  }
0x16d: {  	_ = 	snop  }
0x16e: {  	[spmem:s5] =	stream.indirect.scatter.add.f32 [tilespmem:s21], [sflag:$0x9], $0x1, s14, s22, $0xb8;
	[tilespmem:$0x1A590] =	vst v63  }
0x16f: {  	_ =	swait.ge [sflag:s31], $0x3400  }
0x170: {  	[sflag:s31] =	ssyncset.done $0x0  }
0x171: {  	[sflag:s31] =	ssyncadd.s32 $0xFFFFCC00  }
0x172: {  	_ =	swait.ge [sflag:s31], $0x3000  }
0x173: {  	[sflag:s31] =	ssyncset.done $0x0;
	s14 =	rddreg [dreg:$0x14]  }
0x174: {  	s0 =	sld [smem:$0x7F7];
	[sflag:s31] =	ssyncadd.s32 $0xFFFFD000  }
0x175: {  	[tilespmem:s13], [sflag:$0x2] =	stream.linear.gather [hbm4b:s14+s1], $0x6400, $0x38;
	[tilespmem:$0x1A590] =	vst v63  }
0x176: {  	s14 =	simm.s32 $0x19A28  }
0x177: {  	[tilespmem:s14], [sflag:$0x2] =	stream.linear.gather [hbm4b:s0+s1], $0xC8, $0x38;
	[tilespmem:$0x1A590] =	vst v63  }
0x178: {  	_ =	swait.ge [sflag:s2], $0x68  }
0x179: {  	[sflag:s2] =	ssyncset.done $0x0  }
0x17a: {  	[sflag:s2] =	ssyncadd.s32 $0xFFFFFF98  }
0x17b: {  	_ =	swait.ge [sflag:s2], $0x60  }
0x17c: {  	[sflag:s2] =	ssyncset.done $0x0  }
0x17d: {  	[sflag:s2] =	ssyncadd.s32 $0xFFFFFFA0  }
0x17e: {  	_ =	swait.ge [sflag:s3], $0x6400  }
0x17f: {  	[sflag:s3] =	ssyncset.done $0x0  }
0x180: {  	[sflag:s3] =	ssyncadd.s32 $0xFFFF9C00  }
0x181: {  	_ =	swait.ge [sflag:s3], $0xC8  }
0x182: {  	[sflag:s3] =	ssyncset.done $0x0  }
0x183: {  	[sflag:s3] =	ssyncadd.s32 $0xFFFFFF38  }
0x184: {  	[spmem:s4] =	stream.indirect.scatter.add.f32 [tilespmem:s15], [sflag:$0x7], $0x80, s16, s20, $0xb8;
	[tilespmem:$0x1A590] =	vst v63  }
0x185: {  	_ = 	snop  }
0x186: {  	[spmem:s5] =	stream.indirect.scatter.add.f32 [tilespmem:s21], [sflag:$0x9], $0x1, s16, s20, $0xb8;
	[tilespmem:$0x1A590] =	vst v63  }
0x187: {  	s16 =	simm.s32 $0x19838  }
0x188: {  	[spmem:s4] =	stream.indirect.scatter.add.f32 [tilespmem:s8], [sflag:$0x7], $0x80, s16, s22, $0xb8;
	[tilespmem:$0x1A590] =	vst v63  }
0x189: {  	_ = 	snop  }
0x18a: {  	[spmem:s5] =	stream.indirect.scatter.add.f32 [tilespmem:s21], [sflag:$0x9], $0x1, s16, s22, $0xb8;
	[tilespmem:$0x1A590] =	vst v63  }
0x18b: {  	_ =	swait.ge [sflag:s9], $0x3400  }
0x18c: {  	[sflag:s9] =	ssyncset.done $0x0  }
0x18d: {  	[sflag:s9] =	ssyncadd.s32 $0xFFFFCC00  }
0x18e: {  	_ =	swait.ge [sflag:s9], $0x3000  }
0x18f: {  	[sflag:s9] =	ssyncset.done $0x0  }
0x190: {  	s16 =	rddreg [dreg:$0x15];
	[sflag:s9] =	ssyncadd.s32 $0xFFFFD000  }
0x191: {  	[tilespmem:s15], [sflag:$0x3] =	stream.linear.gather [hbm4b:s16+s1], $0x6400, $0x38;
	[tilespmem:$0x1A590] =	vst v63  }
0x192: {  	s16 =	sld [smem:$0x7F8];
	_ =	sdelay $0x2  }
0x193: {  	[tilespmem:s6], [sflag:$0x3] =	stream.linear.gather [hbm4b:s16+s1], $0xC8, $0x38;
	[tilespmem:$0x1A590] =	vst v63  }
0x194: {  	_ =	swait.ge [sflag:s2], $0x68  }
0x195: {  	[sflag:s2] =	ssyncset.done $0x0  }
0x196: {  	[sflag:s2] =	ssyncadd.s32 $0xFFFFFF98  }
0x197: {  	_ =	swait.ge [sflag:s2], $0x60  }
0x198: {  	[sflag:s2] =	ssyncset.done $0x0  }
0x199: {  	[sflag:s2] =	ssyncadd.s32 $0xFFFFFFA0  }
0x19a: {  	_ =	swait.ge [sflag:s23], $0x6400  }
0x19b: {  	[sflag:s23] =	ssyncset.done $0x0  }
0x19c: {  	[sflag:s23] =	ssyncadd.s32 $0xFFFF9C00  }
0x19d: {  	_ =	swait.ge [sflag:s23], $0xC8  }
0x19e: {  	[sflag:s23] =	ssyncset.done $0x0  }
0x19f: {  	[sflag:s23] =	ssyncadd.s32 $0xFFFFFF38  }
0x1a0: {  	[spmem:s4] =	stream.indirect.scatter.add.f32 [tilespmem:s17], [sflag:$0x8], $0x80, s26, s20, $0xb8;
	[tilespmem:$0x1A590] =	vst v63  }
0x1a1: {  	_ = 	snop  }
0x1a2: {  	[spmem:s5] =	stream.indirect.scatter.add.f32 [tilespmem:s21], [sflag:$0x9], $0x1, s26, s20, $0xb8;
	[tilespmem:$0x1A590] =	vst v63  }
0x1a3: {  	s16 =	simm.s32 $0x19900  }
0x1a4: {  	[spmem:s4] =	stream.indirect.scatter.add.f32 [tilespmem:s18], [sflag:$0x8], $0x80, s16, s22, $0xb8;
	[tilespmem:$0x1A590] =	vst v63  }
0x1a5: {  	_ = 	snop  }
0x1a6: {  	[spmem:s5] =	stream.indirect.scatter.add.f32 [tilespmem:s21], [sflag:$0x9], $0x1, s16, s22, $0xb8;
	[tilespmem:$0x1A590] =	vst v63  }
0x1a7: {  	_ =	swait.ge [sflag:s29], $0x3400  }
0x1a8: {  	[sflag:s29] =	ssyncset.done $0x0  }
0x1a9: {  	[sflag:s29] =	ssyncadd.s32 $0xFFFFCC00  }
0x1aa: {  	_ =	swait.ge [sflag:s29], $0x3000  }
0x1ab: {  	[sflag:s29] =	ssyncset.done $0x0  }
0x1ac: {  	[sflag:s29] =	ssyncadd.s32 $0xFFFFD000  }
0x1ad: {  	_ =	swait.ge [sflag:s2], $0x68  }
0x1ae: {  	[sflag:s2] =	ssyncset.done $0x0  }
0x1af: {  	[sflag:s2] =	ssyncadd.s32 $0xFFFFFF98  }
0x1b0: {  	_ =	swait.ge [sflag:s2], $0x60  }
0x1b1: {  	[sflag:s2] =	ssyncset.done $0x0  }
0x1b2: {  	[sflag:s2] =	ssyncadd.s32 $0xFFFFFFA0  }
0x1b3: {  	_ =	swait.ge [sflag:s19], $0x6400  }
0x1b4: {  	[sflag:s19] =	ssyncset.done $0x0  }
0x1b5: {  	[sflag:s19] =	ssyncadd.s32 $0xFFFF9C00  }
0x1b6: {  	_ =	swait.ge [sflag:s19], $0xC8  }
0x1b7: {  	[sflag:s19] =	ssyncset.done $0x0  }
0x1b8: {  	[sflag:s19] =	ssyncadd.s32 $0xFFFFFF38  }
0x1b9: {  	[spmem:s4] =	stream.indirect.scatter.add.f32 [tilespmem:s1], [sflag:$0x5], $0x80, s10, s20, $0xb8;
	[tilespmem:$0x1A590] =	vst v63  }
0x1ba: {  	_ = 	snop  }
0x1bb: {  	[spmem:s5] =	stream.indirect.scatter.add.f32 [tilespmem:s21], [sflag:$0x9], $0x1, s10, s20, $0xb8;
	[tilespmem:$0x1A590] =	vst v63  }
0x1bc: {  	s18 =	simm.s32 $0x199C8  }
0x1bd: {  	[spmem:s4] =	stream.indirect.scatter.add.f32 [tilespmem:s24], [sflag:$0x5], $0x80, s18, s22, $0xb8;
	[tilespmem:$0x1A590] =	vst v63  }
0x1be: {  	_ = 	snop  }
0x1bf: {  	[spmem:s5] =	stream.indirect.scatter.add.f32 [tilespmem:s21], [sflag:$0x9], $0x1, s18, s22, $0xb8;
	[tilespmem:$0x1A590] =	vst v63  }
0x1c0: {  	_ =	swait.ge [sflag:s25], $0x3400  }
0x1c1: {  	[sflag:s25] =	ssyncset.done $0x0  }
0x1c2: {  	[sflag:s25] =	ssyncadd.s32 $0xFFFFCC00  }
0x1c3: {  	_ =	swait.ge [sflag:s25], $0x3000  }
0x1c4: {  	[sflag:s25] =	ssyncset.done $0x0  }
0x1c5: {  	[sflag:s25] =	ssyncadd.s32 $0xFFFFD000  }
0x1c6: {  	_ =	swait.ge [sflag:s2], $0x68  }
0x1c7: {  	[sflag:s2] =	ssyncset.done $0x0  }
0x1c8: {  	[sflag:s2] =	ssyncadd.s32 $0xFFFFFF98  }
0x1c9: {  	_ =	swait.ge [sflag:s2], $0x60  }
0x1ca: {  	[sflag:s2] =	ssyncset.done $0x0  }
0x1cb: {  	[sflag:s2] =	ssyncadd.s32 $0xFFFFFFA0  }
0x1cc: {  	_ =	swait.ge [sflag:s28], $0x6400  }
0x1cd: {  	[sflag:s28] =	ssyncset.done $0x0  }
0x1ce: {  	[sflag:s28] =	ssyncadd.s32 $0xFFFF9C00  }
0x1cf: {  	_ =	swait.ge [sflag:s28], $0xC8  }
0x1d0: {  	[sflag:s28] =	ssyncset.done $0x0  }
0x1d1: {  	[sflag:s28] =	ssyncadd.s32 $0xFFFFFF38  }
0x1d2: {  	[spmem:s4] =	stream.indirect.scatter.add.f32 [tilespmem:s13], [sflag:$0x6], $0x80, s14, s20, $0xb8;
	[tilespmem:$0x1A590] =	vst v63  }
0x1d3: {  	_ = 	snop  }
0x1d4: {  	[spmem:s5] =	stream.indirect.scatter.add.f32 [tilespmem:s21], [sflag:$0x9], $0x1, s14, s20, $0xb8;
	[tilespmem:$0x1A590] =	vst v63  }
0x1d5: {  	s26 =	simm.s32 $0x19A90  }
0x1d6: {  	[spmem:s4] =	stream.indirect.scatter.add.f32 [tilespmem:s30], [sflag:$0x6], $0x80, s26, s22, $0xb8;
	[tilespmem:$0x1A590] =	vst v63  }
0x1d7: {  	_ = 	snop  }
0x1d8: {  	[spmem:s5] =	stream.indirect.scatter.add.f32 [tilespmem:s21], [sflag:$0x9], $0x1, s26, s22, $0xb8;
	[tilespmem:$0x1A590] =	vst v63  }
0x1d9: {  	_ =	swait.ge [sflag:s31], $0x3400  }
0x1da: {  	[sflag:s31] =	ssyncset.done $0x0  }
0x1db: {  	[sflag:s31] =	ssyncadd.s32 $0xFFFFCC00  }
0x1dc: {  	_ =	swait.ge [sflag:s31], $0x3000  }
0x1dd: {  	[sflag:s31] =	ssyncset.done $0x0  }
0x1de: {  	[sflag:s31] =	ssyncadd.s32 $0xFFFFD000  }
0x1df: {  	_ =	swait.ge [sflag:s2], $0x68  }
0x1e0: {  	[sflag:s2] =	ssyncset.done $0x0  }
0x1e1: {  	[sflag:s2] =	ssyncadd.s32 $0xFFFFFF98  }
0x1e2: {  	_ =	swait.ge [sflag:s2], $0x60  }
0x1e3: {  	[sflag:s2] =	ssyncset.done $0x0  }
0x1e4: {  	[sflag:s2] =	ssyncadd.s32 $0xFFFFFFA0  }
0x1e5: {  	_ =	swait.ge [sflag:s3], $0x6400  }
0x1e6: {  	[sflag:s3] =	ssyncset.done $0x0  }
0x1e7: {  	[sflag:s3] =	ssyncadd.s32 $0xFFFF9C00  }
0x1e8: {  	_ =	swait.ge [sflag:s3], $0xC8  }
0x1e9: {  	[sflag:s3] =	ssyncset.done $0x0  }
0x1ea: {  	[sflag:s3] =	ssyncadd.s32 $0xFFFFFF38  }
0x1eb: {  	[spmem:s4] =	stream.indirect.scatter.add.f32 [tilespmem:s15], [sflag:$0x7], $0x80, s6, s20, $0xb8;
	[tilespmem:$0x1A590] =	vst v63  }
0x1ec: {  	_ = 	snop  }
0x1ed: {  	[spmem:s5] =	stream.indirect.scatter.add.f32 [tilespmem:s21], [sflag:$0x9], $0x1, s6, s20, $0xb8;
	[tilespmem:$0x1A590] =	vst v63  }
0x1ee: {  	s10 =	simm.s32 $0x19B58  }
0x1ef: {  	[spmem:s4] =	stream.indirect.scatter.add.f32 [tilespmem:s8], [sflag:$0x7], $0x80, s10, s22, $0xb8;
	[tilespmem:$0x1A590] =	vst v63  }
0x1f0: {  	_ = 	snop  }
0x1f1: {  	[spmem:s5] =	stream.indirect.scatter.add.f32 [tilespmem:s21], [sflag:$0x9], $0x1, s10, s22, $0xb8;
	[tilespmem:$0x1A590] =	vst v63  }
0x1f2: {  	_ =	swait.ge [sflag:s9], $0x3400  }
0x1f3: {  	[sflag:s9] =	ssyncset.done $0x0  }
0x1f4: {  	[sflag:s9] =	ssyncadd.s32 $0xFFFFCC00  }
0x1f5: {  	_ =	swait.ge [sflag:s9], $0x3000  }
0x1f6: {  	[sflag:s9] =	ssyncset.done $0x0  }
0x1f7: {  	[sflag:s9] =	ssyncadd.s32 $0xFFFFD000  }
0x1f8: {  	_ =	swait.ge [sflag:s2], $0x68  }
0x1f9: {  	[sflag:s2] =	ssyncset.done $0x0  }
0x1fa: {  	[sflag:s2] =	ssyncadd.s32 $0xFFFFFF98  }
0x1fb: {  	_ =	swait.ge [sflag:s2], $0x60  }
0x1fc: {  	[sflag:s2] =	ssyncset.done $0x0  }
0x1fd: {  	[sflag:s2] =	ssyncadd.s32 $0xFFFFFFA0  }
0x1fe: {  	_ =	swait.ge [sflag:s2], $0x68  }
0x1ff: {  	[sflag:s2] =	ssyncset.done $0x0  }
0x200: {  	[sflag:s2] =	ssyncadd.s32 $0xFFFFFF98  }
0x201: {  	_ =	swait.ge [sflag:s2], $0x60  }
0x202: {  	s16 =	simm.s32 @!p1 $0x12C00;
	[sflag:s2] =	ssyncset.done $0x0  }
0x203: {  	s14 =	simm.s32 @!p1 $0x0;
	s0 =	rddreg [dreg:$0x16];
	[sflag:s2] =	ssyncadd.s32 $0xFFFFFFA0  }
0x204: {  	[tilespmem:s16], [sflag:$0x4] =	stream.linear.gather @!p1 [hbm4b:s0+s14], $0x6400, $0x38;
	[tilespmem:$0x1A590] =	vst v63  }
0x205: {  	s0 =	sld [smem:$0x7F9];
	_ =	sdelay $0x1  }
0x206: {  	s18 =	simm.s32 @!p1 $0x19BB8  }
0x207: {  	[tilespmem:s18], [sflag:$0x4] =	stream.linear.gather @!p1 [hbm4b:s0+s14], $0xC8, $0x38;
	[tilespmem:$0x1A590] =	vst v63  }
0x208: {  	s14 =	simm.s32 @!p1 $0x4  }
0x209: {  	_ =	swait.ge @!p1 [sflag:s14], $0x6400  }
0x20a: {  	[sflag:s14] =	ssyncset.done @!p1 $0x0  }
0x20b: {  	[sflag:s14] =	ssyncadd.s32 @!p1 $0xFFFF9C00  }
0x20c: {  	_ =	swait.ge @!p1 [sflag:s14], $0xC8  }
0x20d: {  	[sflag:s14] =	ssyncset.done @!p1 $0x0  }
0x20e: {  	[sflag:s14] =	ssyncadd.s32 @!p1 $0xFFFFFF38;
	s14 =	simm.s32 @!p1 $0x68  }
0x20f: {  	[spmem:s4] =	stream.indirect.scatter.add.f32 @!p1 [tilespmem:s16], [sflag:$0xA], $0x80, s18, s14, $0xb8;
	[tilespmem:$0x1A590] =	vst v63  }
0x210: {  	s16 =	simm.s32 @!p1 $0xA  }
0x211: {  	_ =	swait.ge @!p1 [sflag:s16], $0x3400  }
0x212: {  	[sflag:s16] =	ssyncset.done @!p1 $0x0  }
0x213: {  	s26 =	simm.s32 @!p1 $0x19C80;
	[sflag:s16] =	ssyncadd.s32 @!p1 $0xFFFFCC00  }
0x214: {  	[spmem:s5] =	stream.indirect.scatter.add.f32 @!p1 [tilespmem:s26], [sflag:$0xA], $0x1, s18, s14, $0xb8;
	[tilespmem:$0x1A590] =	vst v63  }
0x215: {  	_ =	swait.ge @!p1 [sflag:s16], $0x68  }
0x216: {  	s0 =	simm.s32 @!p1 $0x16000;
	[sflag:s16] =	ssyncset.done @!p1 $0x0  }
0x217: {  	s14 =	simm.s32 @!p1 $0x60;
	s18 =	simm.s32 @!p1 $0x19C20;
	[sflag:s16] =	ssyncadd.s32 @!p1 $0xFFFFFF98  }
0x218: {  	[spmem:s4] =	stream.indirect.scatter.add.f32 @!p1 [tilespmem:s0], [sflag:$0xA], $0x80, s18, s14, $0xb8;
	[tilespmem:$0x1A590] =	vst v63  }
0x219: {  	_ =	swait.ge @!p1 [sflag:s16], $0x3000  }
0x21a: {  	[sflag:s16] =	ssyncset.done @!p1 $0x0  }
0x21b: {  	[sflag:s16] =	ssyncadd.s32 @!p1 $0xFFFFD000  }
0x21c: {  	[spmem:s5] =	stream.indirect.scatter.add.f32 @!p1 [tilespmem:s26], [sflag:$0xA], $0x1, s18, s14, $0xb8;
	[tilespmem:$0x1A590] =	vst v63  }
0x21d: {  	_ =	swait.ge @!p1 [sflag:s16], $0x60  }
0x21e: {  	[sflag:s16] =	ssyncset.done @!p1 $0x0  }
0x21f: {  	[sflag:s16] =	ssyncadd.s32 @!p1 $0xFFFFFFA0  }
0x220: {  	[bflag:$0x0] =	sbarrier.arrive $0xFFFF  }
0x221: {  	s14 =	stileid.u32;
	s18 =	sld [smem:$0x7FC]  }
0x222: {  	s0 =	sshll.u32 s14, $0x6  }
0x223: {  	s0 =	sor.u32 $0x1C0A, s0;
	s16 =	sshrl.u32 s7, $0x3  }
0x224: {  	[hbm:s18], [sflag:s0] =	dma.local [spmem:s16], $0x100  }
0x225: {  	_ =	swait.ge [sflag:s11], $0x100  }
0x226: {  	s10 =	sld [smem:$0x7FA]  }
0x227: {  	s26 =	simm.s32 @!p0 $0x10;
	s14 =	sshrl.u32 @!p0 s5, $0x3;
	[sflag:s11] =	ssyncset.done $0x0  }
0x228: {  	s16 =	simm.s32 @!p0 $0x1;
	s18 =	simm.s32 @!p0 $0x20;
	[sflag:s11] =	ssyncadd.s32 $0xFFFFFF00  }
0x229: {  	[hbm:s10@s18], [sflag:s0] =	dma.strided @!p0 [spmem:s14@s26], $0x20, s16, $0x10   }
0x22a: {  	s0 =	simm.s32 @!p0 $0xA  }
0x22b: {  	_ =	swait.ge @!p0 [sflag:s0], $0x20  }
0x22c: {  	s26 =	sld [smem:$0x7FD];
	_ =	sdelay $0x1  }
0x22d: {  	s12 =	sadd.s32 $0x1, s12  }
0x22e: {  	p2 =	sne.s32 s12, s26  }
.Ltmp1:
0x22f: {  	_ = 	snop;
	(pc) =	sbr.rel @p2 .LBB2_1-.Ltmp1, $3  }
0x230: {  	_ =	sdelay $0x1  }
0x231: {  	[sflag:s0] =	ssyncset.done @!p0 $0x0  }
0x232: {  	[sflag:s0] =	ssyncadd.s32 @!p0 $0xFFFFFFE0  }
0x233: {  	_ =	sfence.sel $0x180000  }
0x234: {  	[bflag:$0x0] =	sbarrier.arrive $0xFFFF  }
0x235: {  	_ =	strace $0x90000047  }
0x236: {  	[bflag:$0x2] =	sbarrier.arrive $0xFFFF  }
0x237: {  	s0 =	rddreg [dreg:$0x6]  }
0x238: {  	s0 =	sadd.s32 @!p0 $0x100000, s0  }
0x239: {  	[sflag:s0] =	ssyncadd.tile.s32 @!p0 $0x1;
	_ =	shalt  }
.Lfunc_end2:
_tile_overlayer_lowered:
.L_overlay_start_2:
0x23a: {  	(tag) =	ssettag $0x2  }
0x23b: {  	s0 =	rddreg [dreg:$0x0];
	s2 =	stileid.u32  }
0x23c: {  	s1 =	rddreg [dreg:$0x1];
	p0 =	sne.s32 s2, $0x0  }
0x23d: {  	s3 =	rddreg [dreg:$0x2];
	[bflag:$0x3] =	sbarrier.arrive $0xFFFF;
	s2 =	simm.s32 @!p0 $0x1C0A  }
0x23e: {  	[timem:s3], [sflag:s2] =	dma.local @!p0 [hbm:s0], s1  }
0x23f: {  	s0 =	simm.s32 @!p0 $0xA  }
0x240: {  	_ =	swait.ge @!p0 [sflag:s0], s1  }
0x241: {  	s1 =	ssub.s32 @!p0 $0x0, s1;
	[sflag:s0] =	ssyncset.done @!p0 $0x0  }
0x242: {  	[sflag:s0] =	ssyncadd.s32 @!p0 s1  }
0x243: {  	[bflag:$0x3] =	sbarrier.arrive $0xFFFF  }
0x244: {  	_ =	shalt  }

</sc_bundles>
